<compile_context>
chip_gen: v7x
topology: tpu7x:2x2x1
jax: 0.10.2.dev20260603
libtpu: 0.0.44.dev20260713+nightly
codegen_flags: <defaults>
</compile_context>

<pallas_src>
import functools

import jax
import jax.numpy as jnp
from jax import lax
from jax.experimental import pallas as pl
from jax.experimental.pallas import tpu as pltpu
from jax.experimental.pallas import tpu_sc as plsc

_NC, _NS = 2, 16
_SPLIT = 2
_NBUF = 10


def _emb_kernel(bsz, l, d, scale):
    nw = _NC * _NS
    nb = bsz // nw
    ch = nb // _SPLIT
    lg = _NBUF // _SPLIT
    ngrp = l // lg

    mesh = plsc.VectorSubcoreMesh(
        core_axis_name="c", subcore_axis_name="s",
        num_cores=_NC, num_subcores=_NS,
    )

    @functools.partial(
        pl.kernel,
        out_type=jax.ShapeDtypeStruct((l, bsz, d), jnp.float32),
        mesh=mesh,
        scratch_types=[
            pltpu.VMEM((l, nb), jnp.int32),
            pltpu.VMEM((_NBUF, ch, d), jnp.float32),
            pltpu.SemaphoreType.DMA((_NBUF,)),
            pltpu.SemaphoreType.DMA((_NBUF,)),
        ],
    )
    def emb(idx_hbm, table_hbm, out_hbm, idx_v, rows_v, gsem, osem):
        wid = lax.axis_index("s") * _NC + lax.axis_index("c")
        base = wid * nb
        pltpu.sync_copy(idx_hbm.at[wid], idx_v)

        def chunk_refs(g, b):
            li = g * lg + b // _SPLIT
            h = b % _SPLIT
            idx_sl = idx_v.at[li, pl.ds(h * ch, ch)]
            out_sl = out_hbm.at[li, pl.ds(base + h * ch, ch)]
            return idx_sl, out_sl

        def group(g, carry):
            for b in range(_NBUF):
                idx_sl, out_sl = chunk_refs(g, b)

                @pl.when(g > 0)
                def _wait_out(b=b, out_sl=out_sl):
                    pltpu.make_async_copy(
                        rows_v.at[b], out_sl, osem.at[b]
                    ).wait()

                pltpu.async_copy(table_hbm.at[idx_sl], rows_v.at[b], gsem.at[b])
            for b in range(_NBUF):
                idx_sl, out_sl = chunk_refs(g, b)
                pltpu.make_async_copy(
                    table_hbm.at[idx_sl], rows_v.at[b], gsem.at[b]
                ).wait()

                def srow(r, carry2, b=b):
                    for j in range(d // 16):
                        sl = pl.ds(j * 16, 16)
                        rows_v[b, r, sl] = rows_v[b, r, sl] * scale
                    return carry2

                lax.fori_loop(0, ch, srow, 0, unroll=False)
                pltpu.async_copy(rows_v.at[b], out_sl, osem.at[b])
            return carry

        lax.fori_loop(0, ngrp, group, 0, unroll=False)
        for b in range(_NBUF):
            _, out_sl = chunk_refs(ngrp - 1, b)
            pltpu.make_async_copy(rows_v.at[b], out_sl, osem.at[b]).wait()

    return emb


def kernel(x, embedding_table):
    bsz, l = x.shape
    v, d = embedding_table.shape
    nw = _NC * _NS
    nb = bsz // nw
    scale = float(d) ** 0.5

    idx = x.reshape(nw, nb, l).transpose(0, 2, 1).astype(jnp.int32)
    out = _emb_kernel(bsz, l, d, scale)(idx, embedding_table)
    return out.transpose(1, 0, 2)

# --- scband reference (transcript-rebuilt; emitter-appended) ---
"""Pipeline reference for scband-absolute-positional-embedding-14963666059796 (READ-ONLY COPY).

The authoritative reference and input builder live on the scoring server;
editing this copy changes nothing except your own understanding.
"""

import jax, jax.numpy as jnp
import numpy as np

VOCAB = 100000
D_MODEL = 128
B = 4096
L = 50


def setup_inputs(seed: int = 0) -> dict:
    key = jax.random.key(seed)
    k1, k2 = jax.random.split(key)
    x = jax.random.randint(k1, (B, L), 0, VOCAB)
    # xavier_normal init: std = gain * sqrt(2 / (fan_in + fan_out))
    std = (2.0 / (VOCAB + D_MODEL)) ** 0.5
    table = jax.random.normal(k2, (VOCAB, D_MODEL), dtype=jnp.float32) * std
    # zeros_pad=True: row 0 is zeroed at init
    table = table.at[0].set(0.0)
    return {"x": x, "embedding_table": table}


def reference(x, embedding_table):
    # F.embedding(x, table, padding_idx=0) forward is a plain gather;
    # padding_idx only affects the gradient.
    outputs = jnp.take(embedding_table, x, axis=0)
    # scale=True
    outputs = outputs * (D_MODEL ** 0.5)
    return outputs

if __name__ == "__main__":
    import jax
    _d = setup_inputs()
    print(jax.jit(kernel)(*tuple(_d.values())))

</pallas_src>

<mosaic_0001>
#map = affine_map<(d0, d1) -> (0, 0, 0)>
#map1 = affine_map<(d0, d1) -> (0, 0)>
module attributes {stable_mosaic.version = 14 : i64} {
  func.func @emb(%arg0: i32, %arg1: i32, %arg2: memref<32x50x128xi32, #tpu.memory_space<hbm>>, %arg3: memref<100000x128xf32, #tpu.memory_space<hbm>>, %arg4: memref<50x4096x128xf32, #tpu.memory_space<hbm>>, %arg5: memref<50x128xi32, #tpu.memory_space<vmem>>, %arg6: memref<10x64x128xf32, #tpu.memory_space<vmem>>, %arg7: memref<10x!tpu.dma_semaphore, #tpu.memory_space<semaphore_mem>>, %arg8: memref<10x!tpu.dma_semaphore, #tpu.memory_space<semaphore_mem>>) attributes {dimension_semantics = [#tpu.dimension_semantics<core_parallel>, #tpu.dimension_semantics<subcore_parallel>], iteration_bounds = array<i64: 2, 16>, scalar_prefetch = 0 : i64, scratch_operands = 4 : i64, tpu.core_type = #tpu.core_type<sc_vector_subcore>, window_params = [{transform_indices = #map}, {transform_indices = #map1}, {transform_indices = #map}]} {
    %mul3A = arith.constant 2 : i32
    %mul3A_0 = arith.muli %arg1, %mul3A : i32
    %add3A = arith.addi %mul3A_0, %arg0 : i32
    %mul3A_1 = arith.constant 128 : i32
    %mul3A_2 = arith.muli %add3A, %mul3A_1 : i32
    "tpu.region"() ({
      %run_scoped3A = tpu.sem_alloc : memref<!tpu.dma_semaphore, #tpu.memory_space<semaphore_mem>>
      %dma_start3A = arith.constant 0 : i32
      %dma_start3A_217 = arith.constant 0 : i32
      %dma_start3A_218 = tpu.memref_slice %arg2[%add3A, %dma_start3A, %dma_start3A_217] : memref<32x50x128xi32, #tpu.memory_space<hbm>> -> memref<1x50x128xi32, #tpu.memory_space<hbm>>
      %dma_start3A_219 = tpu.memref_squeeze %dma_start3A_218 : memref<1x50x128xi32, #tpu.memory_space<hbm>> -> memref<50x128xi32, #tpu.memory_space<hbm>>
      %dma_start3A_220 = arith.constant 0 : i32
      %dma_start3A_221 = arith.constant 0 : i32
      %dma_start3A_222 = tpu.memref_slice %arg2[%add3A, %dma_start3A_220, %dma_start3A_221] : memref<32x50x128xi32, #tpu.memory_space<hbm>> -> memref<1x50x128xi32, #tpu.memory_space<hbm>>
      %dma_start3A_223 = tpu.memref_squeeze %dma_start3A_222 : memref<1x50x128xi32, #tpu.memory_space<hbm>> -> memref<50x128xi32, #tpu.memory_space<hbm>>
      tpu.enqueue_dma source(%dma_start3A_223 : memref<50x128xi32, #tpu.memory_space<hbm>>) target(%arg5 : memref<50x128xi32, #tpu.memory_space<vmem>>) target_semaphore(%run_scoped3A : memref<!tpu.dma_semaphore, #tpu.memory_space<semaphore_mem>>)
      %dma_wait3A_224 = arith.constant 0 : i32
      %dma_wait3A_225 = arith.constant 0 : i32
      %dma_wait3A_226 = tpu.memref_slice %arg2[%add3A, %dma_wait3A_224, %dma_wait3A_225] : memref<32x50x128xi32, #tpu.memory_space<hbm>> -> memref<1x50x128xi32, #tpu.memory_space<hbm>>
      %dma_wait3A_227 = tpu.memref_squeeze %dma_wait3A_226 : memref<1x50x128xi32, #tpu.memory_space<hbm>> -> memref<50x128xi32, #tpu.memory_space<hbm>>
      %dma_wait3A_228 = arith.constant 0 : i32
      %dma_wait3A_229 = arith.constant 0 : i32
      %dma_wait3A_230 = tpu.memref_slice %arg2[%add3A, %dma_wait3A_228, %dma_wait3A_229] : memref<32x50x128xi32, #tpu.memory_space<hbm>> -> memref<1x50x128xi32, #tpu.memory_space<hbm>>
      %dma_wait3A_231 = tpu.memref_squeeze %dma_wait3A_230 : memref<1x50x128xi32, #tpu.memory_space<hbm>> -> memref<50x128xi32, #tpu.memory_space<hbm>>
      tpu.wait_dma2 semaphore(%run_scoped3A : memref<!tpu.dma_semaphore, #tpu.memory_space<semaphore_mem>>) src(%dma_wait3A_231 : memref<50x128xi32, #tpu.memory_space<hbm>>) dst(%arg5 : memref<50x128xi32, #tpu.memory_space<vmem>>)
      tpu.yield
    }) : () -> ()
    %scan3A = arith.constant 0 : i32
    %scan3A_3 = arith.constant 0 : i32
    %scan3A_4 = arith.constant 10 : i32
    %scan3A_5 = arith.addi %scan3A_3, %scan3A_4 : i32
    %scan3A_6 = arith.constant 1 : i32
    scf.for %scan3A_217 = %scan3A_3 to %scan3A_5 step %scan3A_6  : i32 {
      %mul3A_218 = arith.constant 5 : i32
      %mul3A_219 = arith.muli %scan3A_217, %mul3A_218 : i32
      %add3A_220 = arith.constant 0 : i32
      %add3A_221 = arith.addi %mul3A_219, %add3A_220 : i32
      %add3A_222 = arith.constant 0 : i32
      %add3A_223 = arith.addi %mul3A_2, %add3A_222 : i32
      %gt3A = arith.constant 0 : i32
      %gt3A_224 = arith.cmpi sgt, %scan3A_217, %gt3A : i32
      %convert_element_type3A = arith.extui %gt3A_224 : i1 to i32
      %cond3A = arith.constant 0 : i32
      %cond3A_225 = arith.cmpi ne, %convert_element_type3A, %cond3A : i32
      scf.if %cond3A_225 {
        %dma_wait3A_904 = arith.constant 0 : i32
        %dma_wait3A_905 = arith.constant 0 : i32
        %dma_wait3A_906 = arith.constant 0 : i32
        %dma_wait3A_907 = arith.constant 0 : i32
        %dma_wait3A_908 = tpu.memref_slice %arg6[%dma_wait3A_904, %dma_wait3A_906, %dma_wait3A_907] : memref<10x64x128xf32, #tpu.memory_space<vmem>> -> memref<1x64x128xf32, #tpu.memory_space<vmem>>
        %dma_wait3A_909 = tpu.memref_squeeze %dma_wait3A_908 : memref<1x64x128xf32, #tpu.memory_space<vmem>> -> memref<64x128xf32, #tpu.memory_space<vmem>>
        %dma_wait3A_910 = arith.constant 0 : i32
        %dma_wait3A_911 = tpu.memref_slice %arg4[%add3A_221, %add3A_223, %dma_wait3A_910] : memref<50x4096x128xf32, #tpu.memory_space<hbm>> -> memref<1x64x128xf32, #tpu.memory_space<hbm>>
        %dma_wait3A_912 = tpu.memref_squeeze %dma_wait3A_911 : memref<1x64x128xf32, #tpu.memory_space<hbm>> -> memref<64x128xf32, #tpu.memory_space<hbm>>
        %dma_wait3A_913 = tpu.memref_slice %arg8[%dma_wait3A_905] : memref<10x!tpu.dma_semaphore, #tpu.memory_space<semaphore_mem>> -> memref<1x!tpu.dma_semaphore, #tpu.memory_space<semaphore_mem>>
        %dma_wait3A_914 = tpu.memref_squeeze %dma_wait3A_913 : memref<1x!tpu.dma_semaphore, #tpu.memory_space<semaphore_mem>> -> memref<!tpu.dma_semaphore, #tpu.memory_space<semaphore_mem>>
        %dma_wait3A_915 = arith.constant 0 : i32
        %dma_wait3A_916 = tpu.memref_slice %arg4[%add3A_221, %add3A_223, %dma_wait3A_915] : memref<50x4096x128xf32, #tpu.memory_space<hbm>> -> memref<1x64x128xf32, #tpu.memory_space<hbm>>
        %dma_wait3A_917 = tpu.memref_squeeze %dma_wait3A_916 : memref<1x64x128xf32, #tpu.memory_space<hbm>> -> memref<64x128xf32, #tpu.memory_space<hbm>>
        %dma_wait3A_918 = arith.constant 0 : i32
        %dma_wait3A_919 = arith.constant 0 : i32
        %dma_wait3A_920 = tpu.memref_slice %arg6[%dma_wait3A_904, %dma_wait3A_918, %dma_wait3A_919] : memref<10x64x128xf32, #tpu.memory_space<vmem>> -> memref<1x64x128xf32, #tpu.memory_space<vmem>>
        %dma_wait3A_921 = tpu.memref_squeeze %dma_wait3A_920 : memref<1x64x128xf32, #tpu.memory_space<vmem>> -> memref<64x128xf32, #tpu.memory_space<vmem>>
        tpu.wait_dma2 semaphore(%dma_wait3A_914 : memref<!tpu.dma_semaphore, #tpu.memory_space<semaphore_mem>>) src(%dma_wait3A_921 : memref<64x128xf32, #tpu.memory_space<vmem>>) dst(%dma_wait3A_917 : memref<64x128xf32, #tpu.memory_space<hbm>>)
      } else {
      }
      %dma_start3A = arith.constant 0 : i32
      %dma_start3A_226 = arith.constant 0 : i32
      %dma_start3A_227 = arith.constant 0 : i32
      %dma_start3A_228 = arith.constant 0 : i32
      %dma_start3A_229 = tpu.memref_slice %arg6[%dma_start3A, %dma_start3A_227, %dma_start3A_228] : memref<10x64x128xf32, #tpu.memory_space<vmem>> -> memref<1x64x128xf32, #tpu.memory_space<vmem>>
      %dma_start3A_230 = tpu.memref_squeeze %dma_start3A_229 : memref<1x64x128xf32, #tpu.memory_space<vmem>> -> memref<64x128xf32, #tpu.memory_space<vmem>>
      %dma_start3A_231 = arith.constant 0 : i32
      %dma_start3A_232 = tpu.memref_slice %arg5[%add3A_221, %dma_start3A_231] : memref<50x128xi32, #tpu.memory_space<vmem>> -> memref<1x64xi32, #tpu.memory_space<vmem>>
      %dma_start3A_233 = tpu.memref_squeeze %dma_start3A_232 : memref<1x64xi32, #tpu.memory_space<vmem>> -> memref<64xi32, #tpu.memory_space<vmem>>
      %dma_start3A_234 = arith.constant 0 : i32
      %dma_start3A_235 = arith.constant 0 : i32
      %dma_start3A_236 = tpu.memref_slice %arg3[%dma_start3A_234, %dma_start3A_235] : memref<100000x128xf32, #tpu.memory_space<hbm>> -> memref<100000x128xf32, #tpu.memory_space<hbm>>
      %dma_start3A_237 = tpu.memref_slice %arg7[%dma_start3A_226] : memref<10x!tpu.dma_semaphore, #tpu.memory_space<semaphore_mem>> -> memref<1x!tpu.dma_semaphore, #tpu.memory_space<semaphore_mem>>
      %dma_start3A_238 = tpu.memref_squeeze %dma_start3A_237 : memref<1x!tpu.dma_semaphore, #tpu.memory_space<semaphore_mem>> -> memref<!tpu.dma_semaphore, #tpu.memory_space<semaphore_mem>>
      tpu.enqueue_indirect_dma source(%dma_start3A_236 : memref<100000x128xf32, #tpu.memory_space<hbm>>) target(%dma_start3A_230 : memref<64x128xf32, #tpu.memory_space<vmem>>) offsets(%dma_start3A_233 : memref<64xi32, #tpu.memory_space<vmem>>) semaphore(%dma_start3A_238 : memref<!tpu.dma_semaphore, #tpu.memory_space<semaphore_mem>>)
      %mul3A_239 = arith.constant 5 : i32
      %mul3A_240 = arith.muli %scan3A_217, %mul3A_239 : i32
      %add3A_241 = arith.constant 0 : i32
      %add3A_242 = arith.addi %mul3A_240, %add3A_241 : i32
      %add3A_243 = arith.constant 64 : i32
      %add3A_244 = arith.addi %mul3A_2, %add3A_243 : i32
      %gt3A_245 = arith.constant 0 : i32
      %gt3A_246 = arith.cmpi sgt, %scan3A_217, %gt3A_245 : i32
      %convert_element_type3A_247 = arith.extui %gt3A_246 : i1 to i32
      %cond3A_248 = arith.constant 0 : i32
      %cond3A_249 = arith.cmpi ne, %convert_element_type3A_247, %cond3A_248 : i32
      scf.if %cond3A_249 {
        %dma_wait3A_904 = arith.constant 1 : i32
        %dma_wait3A_905 = arith.constant 1 : i32
        %dma_wait3A_906 = arith.constant 0 : i32
        %dma_wait3A_907 = arith.constant 0 : i32
        %dma_wait3A_908 = tpu.memref_slice %arg6[%dma_wait3A_904, %dma_wait3A_906, %dma_wait3A_907] : memref<10x64x128xf32, #tpu.memory_space<vmem>> -> memref<1x64x128xf32, #tpu.memory_space<vmem>>
        %dma_wait3A_909 = tpu.memref_squeeze %dma_wait3A_908 : memref<1x64x128xf32, #tpu.memory_space<vmem>> -> memref<64x128xf32, #tpu.memory_space<vmem>>
        %dma_wait3A_910 = arith.constant 0 : i32
        %dma_wait3A_911 = tpu.memref_slice %arg4[%add3A_242, %add3A_244, %dma_wait3A_910] : memref<50x4096x128xf32, #tpu.memory_space<hbm>> -> memref<1x64x128xf32, #tpu.memory_space<hbm>>
        %dma_wait3A_912 = tpu.memref_squeeze %dma_wait3A_911 : memref<1x64x128xf32, #tpu.memory_space<hbm>> -> memref<64x128xf32, #tpu.memory_space<hbm>>
        %dma_wait3A_913 = tpu.memref_slice %arg8[%dma_wait3A_905] : memref<10x!tpu.dma_semaphore, #tpu.memory_space<semaphore_mem>> -> memref<1x!tpu.dma_semaphore, #tpu.memory_space<semaphore_mem>>
        %dma_wait3A_914 = tpu.memref_squeeze %dma_wait3A_913 : memref<1x!tpu.dma_semaphore, #tpu.memory_space<semaphore_mem>> -> memref<!tpu.dma_semaphore, #tpu.memory_space<semaphore_mem>>
        %dma_wait3A_915 = arith.constant 0 : i32
        %dma_wait3A_916 = tpu.memref_slice %arg4[%add3A_242, %add3A_244, %dma_wait3A_915] : memref<50x4096x128xf32, #tpu.memory_space<hbm>> -> memref<1x64x128xf32, #tpu.memory_space<hbm>>
        %dma_wait3A_917 = tpu.memref_squeeze %dma_wait3A_916 : memref<1x64x128xf32, #tpu.memory_space<hbm>> -> memref<64x128xf32, #tpu.memory_space<hbm>>
        %dma_wait3A_918 = arith.constant 0 : i32
        %dma_wait3A_919 = arith.constant 0 : i32
        %dma_wait3A_920 = tpu.memref_slice %arg6[%dma_wait3A_904, %dma_wait3A_918, %dma_wait3A_919] : memref<10x64x128xf32, #tpu.memory_space<vmem>> -> memref<1x64x128xf32, #tpu.memory_space<vmem>>
        %dma_wait3A_921 = tpu.memref_squeeze %dma_wait3A_920 : memref<1x64x128xf32, #tpu.memory_space<vmem>> -> memref<64x128xf32, #tpu.memory_space<vmem>>
        tpu.wait_dma2 semaphore(%dma_wait3A_914 : memref<!tpu.dma_semaphore, #tpu.memory_space<semaphore_mem>>) src(%dma_wait3A_921 : memref<64x128xf32, #tpu.memory_space<vmem>>) dst(%dma_wait3A_917 : memref<64x128xf32, #tpu.memory_space<hbm>>)
      } else {
      }
      %dma_start3A_250 = arith.constant 1 : i32
      %dma_start3A_251 = arith.constant 1 : i32
      %dma_start3A_252 = arith.constant 0 : i32
      %dma_start3A_253 = arith.constant 0 : i32
      %dma_start3A_254 = tpu.memref_slice %arg6[%dma_start3A_250, %dma_start3A_252, %dma_start3A_253] : memref<10x64x128xf32, #tpu.memory_space<vmem>> -> memref<1x64x128xf32, #tpu.memory_space<vmem>>
      %dma_start3A_255 = tpu.memref_squeeze %dma_start3A_254 : memref<1x64x128xf32, #tpu.memory_space<vmem>> -> memref<64x128xf32, #tpu.memory_space<vmem>>
      %dma_start3A_256 = arith.constant 64 : i32
      %dma_start3A_257 = tpu.memref_slice %arg5[%add3A_242, %dma_start3A_256] : memref<50x128xi32, #tpu.memory_space<vmem>> -> memref<1x64xi32, #tpu.memory_space<vmem>>
      %dma_start3A_258 = tpu.memref_squeeze %dma_start3A_257 : memref<1x64xi32, #tpu.memory_space<vmem>> -> memref<64xi32, #tpu.memory_space<vmem>>
      %dma_start3A_259 = arith.constant 0 : i32
      %dma_start3A_260 = arith.constant 0 : i32
      %dma_start3A_261 = tpu.memref_slice %arg3[%dma_start3A_259, %dma_start3A_260] : memref<100000x128xf32, #tpu.memory_space<hbm>> -> memref<100000x128xf32, #tpu.memory_space<hbm>>
      %dma_start3A_262 = tpu.memref_slice %arg7[%dma_start3A_251] : memref<10x!tpu.dma_semaphore, #tpu.memory_space<semaphore_mem>> -> memref<1x!tpu.dma_semaphore, #tpu.memory_space<semaphore_mem>>
      %dma_start3A_263 = tpu.memref_squeeze %dma_start3A_262 : memref<1x!tpu.dma_semaphore, #tpu.memory_space<semaphore_mem>> -> memref<!tpu.dma_semaphore, #tpu.memory_space<semaphore_mem>>
      tpu.enqueue_indirect_dma source(%dma_start3A_261 : memref<100000x128xf32, #tpu.memory_space<hbm>>) target(%dma_start3A_255 : memref<64x128xf32, #tpu.memory_space<vmem>>) offsets(%dma_start3A_258 : memref<64xi32, #tpu.memory_space<vmem>>) semaphore(%dma_start3A_263 : memref<!tpu.dma_semaphore, #tpu.memory_space<semaphore_mem>>)
      %mul3A_264 = arith.constant 5 : i32
      %mul3A_265 = arith.muli %scan3A_217, %mul3A_264 : i32
      %add3A_266 = arith.constant 1 : i32
      %add3A_267 = arith.addi %mul3A_265, %add3A_266 : i32
      %add3A_268 = arith.constant 0 : i32
      %add3A_269 = arith.addi %mul3A_2, %add3A_268 : i32
      %gt3A_270 = arith.constant 0 : i32
      %gt3A_271 = arith.cmpi sgt, %scan3A_217, %gt3A_270 : i32
      %convert_element_type3A_272 = arith.extui %gt3A_271 : i1 to i32
      %cond3A_273 = arith.constant 0 : i32
      %cond3A_274 = arith.cmpi ne, %convert_element_type3A_272, %cond3A_273 : i32
      scf.if %cond3A_274 {
        %dma_wait3A_904 = arith.constant 2 : i32
        %dma_wait3A_905 = arith.constant 2 : i32
        %dma_wait3A_906 = arith.constant 0 : i32
        %dma_wait3A_907 = arith.constant 0 : i32
        %dma_wait3A_908 = tpu.memref_slice %arg6[%dma_wait3A_904, %dma_wait3A_906, %dma_wait3A_907] : memref<10x64x128xf32, #tpu.memory_space<vmem>> -> memref<1x64x128xf32, #tpu.memory_space<vmem>>
        %dma_wait3A_909 = tpu.memref_squeeze %dma_wait3A_908 : memref<1x64x128xf32, #tpu.memory_space<vmem>> -> memref<64x128xf32, #tpu.memory_space<vmem>>
        %dma_wait3A_910 = arith.constant 0 : i32
        %dma_wait3A_911 = tpu.memref_slice %arg4[%add3A_267, %add3A_269, %dma_wait3A_910] : memref<50x4096x128xf32, #tpu.memory_space<hbm>> -> memref<1x64x128xf32, #tpu.memory_space<hbm>>
        %dma_wait3A_912 = tpu.memref_squeeze %dma_wait3A_911 : memref<1x64x128xf32, #tpu.memory_space<hbm>> -> memref<64x128xf32, #tpu.memory_space<hbm>>
        %dma_wait3A_913 = tpu.memref_slice %arg8[%dma_wait3A_905] : memref<10x!tpu.dma_semaphore, #tpu.memory_space<semaphore_mem>> -> memref<1x!tpu.dma_semaphore, #tpu.memory_space<semaphore_mem>>
        %dma_wait3A_914 = tpu.memref_squeeze %dma_wait3A_913 : memref<1x!tpu.dma_semaphore, #tpu.memory_space<semaphore_mem>> -> memref<!tpu.dma_semaphore, #tpu.memory_space<semaphore_mem>>
        %dma_wait3A_915 = arith.constant 0 : i32
        %dma_wait3A_916 = tpu.memref_slice %arg4[%add3A_267, %add3A_269, %dma_wait3A_915] : memref<50x4096x128xf32, #tpu.memory_space<hbm>> -> memref<1x64x128xf32, #tpu.memory_space<hbm>>
        %dma_wait3A_917 = tpu.memref_squeeze %dma_wait3A_916 : memref<1x64x128xf32, #tpu.memory_space<hbm>> -> memref<64x128xf32, #tpu.memory_space<hbm>>
        %dma_wait3A_918 = arith.constant 0 : i32
        %dma_wait3A_919 = arith.constant 0 : i32
        %dma_wait3A_920 = tpu.memref_slice %arg6[%dma_wait3A_904, %dma_wait3A_918, %dma_wait3A_919] : memref<10x64x128xf32, #tpu.memory_space<vmem>> -> memref<1x64x128xf32, #tpu.memory_space<vmem>>
        %dma_wait3A_921 = tpu.memref_squeeze %dma_wait3A_920 : memref<1x64x128xf32, #tpu.memory_space<vmem>> -> memref<64x128xf32, #tpu.memory_space<vmem>>
        tpu.wait_dma2 semaphore(%dma_wait3A_914 : memref<!tpu.dma_semaphore, #tpu.memory_space<semaphore_mem>>) src(%dma_wait3A_921 : memref<64x128xf32, #tpu.memory_space<vmem>>) dst(%dma_wait3A_917 : memref<64x128xf32, #tpu.memory_space<hbm>>)
      } else {
      }
      %dma_start3A_275 = arith.constant 2 : i32
      %dma_start3A_276 = arith.constant 2 : i32
      %dma_start3A_277 = arith.constant 0 : i32
      %dma_start3A_278 = arith.constant 0 : i32
      %dma_start3A_279 = tpu.memref_slice %arg6[%dma_start3A_275, %dma_start3A_277, %dma_start3A_278] : memref<10x64x128xf32, #tpu.memory_space<vmem>> -> memref<1x64x128xf32, #tpu.memory_space<vmem>>
      %dma_start3A_280 = tpu.memref_squeeze %dma_start3A_279 : memref<1x64x128xf32, #tpu.memory_space<vmem>> -> memref<64x128xf32, #tpu.memory_space<vmem>>
      %dma_start3A_281 = arith.constant 0 : i32
      %dma_start3A_282 = tpu.memref_slice %arg5[%add3A_267, %dma_start3A_281] : memref<50x128xi32, #tpu.memory_space<vmem>> -> memref<1x64xi32, #tpu.memory_space<vmem>>
      %dma_start3A_283 = tpu.memref_squeeze %dma_start3A_282 : memref<1x64xi32, #tpu.memory_space<vmem>> -> memref<64xi32, #tpu.memory_space<vmem>>
      %dma_start3A_284 = arith.constant 0 : i32
      %dma_start3A_285 = arith.constant 0 : i32
      %dma_start3A_286 = tpu.memref_slice %arg3[%dma_start3A_284, %dma_start3A_285] : memref<100000x128xf32, #tpu.memory_space<hbm>> -> memref<100000x128xf32, #tpu.memory_space<hbm>>
      %dma_start3A_287 = tpu.memref_slice %arg7[%dma_start3A_276] : memref<10x!tpu.dma_semaphore, #tpu.memory_space<semaphore_mem>> -> memref<1x!tpu.dma_semaphore, #tpu.memory_space<semaphore_mem>>
      %dma_start3A_288 = tpu.memref_squeeze %dma_start3A_287 : memref<1x!tpu.dma_semaphore, #tpu.memory_space<semaphore_mem>> -> memref<!tpu.dma_semaphore, #tpu.memory_space<semaphore_mem>>
      tpu.enqueue_indirect_dma source(%dma_start3A_286 : memref<100000x128xf32, #tpu.memory_space<hbm>>) target(%dma_start3A_280 : memref<64x128xf32, #tpu.memory_space<vmem>>) offsets(%dma_start3A_283 : memref<64xi32, #tpu.memory_space<vmem>>) semaphore(%dma_start3A_288 : memref<!tpu.dma_semaphore, #tpu.memory_space<semaphore_mem>>)
      %mul3A_289 = arith.constant 5 : i32
      %mul3A_290 = arith.muli %scan3A_217, %mul3A_289 : i32
      %add3A_291 = arith.constant 1 : i32
      %add3A_292 = arith.addi %mul3A_290, %add3A_291 : i32
      %add3A_293 = arith.constant 64 : i32
      %add3A_294 = arith.addi %mul3A_2, %add3A_293 : i32
      %gt3A_295 = arith.constant 0 : i32
      %gt3A_296 = arith.cmpi sgt, %scan3A_217, %gt3A_295 : i32
      %convert_element_type3A_297 = arith.extui %gt3A_296 : i1 to i32
      %cond3A_298 = arith.constant 0 : i32
      %cond3A_299 = arith.cmpi ne, %convert_element_type3A_297, %cond3A_298 : i32
      scf.if %cond3A_299 {
        %dma_wait3A_904 = arith.constant 3 : i32
        %dma_wait3A_905 = arith.constant 3 : i32
        %dma_wait3A_906 = arith.constant 0 : i32
        %dma_wait3A_907 = arith.constant 0 : i32
        %dma_wait3A_908 = tpu.memref_slice %arg6[%dma_wait3A_904, %dma_wait3A_906, %dma_wait3A_907] : memref<10x64x128xf32, #tpu.memory_space<vmem>> -> memref<1x64x128xf32, #tpu.memory_space<vmem>>
        %dma_wait3A_909 = tpu.memref_squeeze %dma_wait3A_908 : memref<1x64x128xf32, #tpu.memory_space<vmem>> -> memref<64x128xf32, #tpu.memory_space<vmem>>
        %dma_wait3A_910 = arith.constant 0 : i32
        %dma_wait3A_911 = tpu.memref_slice %arg4[%add3A_292, %add3A_294, %dma_wait3A_910] : memref<50x4096x128xf32, #tpu.memory_space<hbm>> -> memref<1x64x128xf32, #tpu.memory_space<hbm>>
        %dma_wait3A_912 = tpu.memref_squeeze %dma_wait3A_911 : memref<1x64x128xf32, #tpu.memory_space<hbm>> -> memref<64x128xf32, #tpu.memory_space<hbm>>
        %dma_wait3A_913 = tpu.memref_slice %arg8[%dma_wait3A_905] : memref<10x!tpu.dma_semaphore, #tpu.memory_space<semaphore_mem>> -> memref<1x!tpu.dma_semaphore, #tpu.memory_space<semaphore_mem>>
        %dma_wait3A_914 = tpu.memref_squeeze %dma_wait3A_913 : memref<1x!tpu.dma_semaphore, #tpu.memory_space<semaphore_mem>> -> memref<!tpu.dma_semaphore, #tpu.memory_space<semaphore_mem>>
        %dma_wait3A_915 = arith.constant 0 : i32
        %dma_wait3A_916 = tpu.memref_slice %arg4[%add3A_292, %add3A_294, %dma_wait3A_915] : memref<50x4096x128xf32, #tpu.memory_space<hbm>> -> memref<1x64x128xf32, #tpu.memory_space<hbm>>
        %dma_wait3A_917 = tpu.memref_squeeze %dma_wait3A_916 : memref<1x64x128xf32, #tpu.memory_space<hbm>> -> memref<64x128xf32, #tpu.memory_space<hbm>>
        %dma_wait3A_918 = arith.constant 0 : i32
        %dma_wait3A_919 = arith.constant 0 : i32
        %dma_wait3A_920 = tpu.memref_slice %arg6[%dma_wait3A_904, %dma_wait3A_918, %dma_wait3A_919] : memref<10x64x128xf32, #tpu.memory_space<vmem>> -> memref<1x64x128xf32, #tpu.memory_space<vmem>>
        %dma_wait3A_921 = tpu.memref_squeeze %dma_wait3A_920 : memref<1x64x128xf32, #tpu.memory_space<vmem>> -> memref<64x128xf32, #tpu.memory_space<vmem>>
        tpu.wait_dma2 semaphore(%dma_wait3A_914 : memref<!tpu.dma_semaphore, #tpu.memory_space<semaphore_mem>>) src(%dma_wait3A_921 : memref<64x128xf32, #tpu.memory_space<vmem>>) dst(%dma_wait3A_917 : memref<64x128xf32, #tpu.memory_space<hbm>>)
      } else {
      }
      %dma_start3A_300 = arith.constant 3 : i32
      %dma_start3A_301 = arith.constant 3 : i32
      %dma_start3A_302 = arith.constant 0 : i32
      %dma_start3A_303 = arith.constant 0 : i32
      %dma_start3A_304 = tpu.memref_slice %arg6[%dma_start3A_300, %dma_start3A_302, %dma_start3A_303] : memref<10x64x128xf32, #tpu.memory_space<vmem>> -> memref<1x64x128xf32, #tpu.memory_space<vmem>>
      %dma_start3A_305 = tpu.memref_squeeze %dma_start3A_304 : memref<1x64x128xf32, #tpu.memory_space<vmem>> -> memref<64x128xf32, #tpu.memory_space<vmem>>
      %dma_start3A_306 = arith.constant 64 : i32
      %dma_start3A_307 = tpu.memref_slice %arg5[%add3A_292, %dma_start3A_306] : memref<50x128xi32, #tpu.memory_space<vmem>> -> memref<1x64xi32, #tpu.memory_space<vmem>>
      %dma_start3A_308 = tpu.memref_squeeze %dma_start3A_307 : memref<1x64xi32, #tpu.memory_space<vmem>> -> memref<64xi32, #tpu.memory_space<vmem>>
      %dma_start3A_309 = arith.constant 0 : i32
      %dma_start3A_310 = arith.constant 0 : i32
      %dma_start3A_311 = tpu.memref_slice %arg3[%dma_start3A_309, %dma_start3A_310] : memref<100000x128xf32, #tpu.memory_space<hbm>> -> memref<100000x128xf32, #tpu.memory_space<hbm>>
      %dma_start3A_312 = tpu.memref_slice %arg7[%dma_start3A_301] : memref<10x!tpu.dma_semaphore, #tpu.memory_space<semaphore_mem>> -> memref<1x!tpu.dma_semaphore, #tpu.memory_space<semaphore_mem>>
      %dma_start3A_313 = tpu.memref_squeeze %dma_start3A_312 : memref<1x!tpu.dma_semaphore, #tpu.memory_space<semaphore_mem>> -> memref<!tpu.dma_semaphore, #tpu.memory_space<semaphore_mem>>
      tpu.enqueue_indirect_dma source(%dma_start3A_311 : memref<100000x128xf32, #tpu.memory_space<hbm>>) target(%dma_start3A_305 : memref<64x128xf32, #tpu.memory_space<vmem>>) offsets(%dma_start3A_308 : memref<64xi32, #tpu.memory_space<vmem>>) semaphore(%dma_start3A_313 : memref<!tpu.dma_semaphore, #tpu.memory_space<semaphore_mem>>)
      %mul3A_314 = arith.constant 5 : i32
      %mul3A_315 = arith.muli %scan3A_217, %mul3A_314 : i32
      %add3A_316 = arith.constant 2 : i32
      %add3A_317 = arith.addi %mul3A_315, %add3A_316 : i32
      %add3A_318 = arith.constant 0 : i32
      %add3A_319 = arith.addi %mul3A_2, %add3A_318 : i32
      %gt3A_320 = arith.constant 0 : i32
      %gt3A_321 = arith.cmpi sgt, %scan3A_217, %gt3A_320 : i32
      %convert_element_type3A_322 = arith.extui %gt3A_321 : i1 to i32
      %cond3A_323 = arith.constant 0 : i32
      %cond3A_324 = arith.cmpi ne, %convert_element_type3A_322, %cond3A_323 : i32
      scf.if %cond3A_324 {
        %dma_wait3A_904 = arith.constant 4 : i32
        %dma_wait3A_905 = arith.constant 4 : i32
        %dma_wait3A_906 = arith.constant 0 : i32
        %dma_wait3A_907 = arith.constant 0 : i32
        %dma_wait3A_908 = tpu.memref_slice %arg6[%dma_wait3A_904, %dma_wait3A_906, %dma_wait3A_907] : memref<10x64x128xf32, #tpu.memory_space<vmem>> -> memref<1x64x128xf32, #tpu.memory_space<vmem>>
        %dma_wait3A_909 = tpu.memref_squeeze %dma_wait3A_908 : memref<1x64x128xf32, #tpu.memory_space<vmem>> -> memref<64x128xf32, #tpu.memory_space<vmem>>
        %dma_wait3A_910 = arith.constant 0 : i32
        %dma_wait3A_911 = tpu.memref_slice %arg4[%add3A_317, %add3A_319, %dma_wait3A_910] : memref<50x4096x128xf32, #tpu.memory_space<hbm>> -> memref<1x64x128xf32, #tpu.memory_space<hbm>>
        %dma_wait3A_912 = tpu.memref_squeeze %dma_wait3A_911 : memref<1x64x128xf32, #tpu.memory_space<hbm>> -> memref<64x128xf32, #tpu.memory_space<hbm>>
        %dma_wait3A_913 = tpu.memref_slice %arg8[%dma_wait3A_905] : memref<10x!tpu.dma_semaphore, #tpu.memory_space<semaphore_mem>> -> memref<1x!tpu.dma_semaphore, #tpu.memory_space<semaphore_mem>>
        %dma_wait3A_914 = tpu.memref_squeeze %dma_wait3A_913 : memref<1x!tpu.dma_semaphore, #tpu.memory_space<semaphore_mem>> -> memref<!tpu.dma_semaphore, #tpu.memory_space<semaphore_mem>>
        %dma_wait3A_915 = arith.constant 0 : i32
        %dma_wait3A_916 = tpu.memref_slice %arg4[%add3A_317, %add3A_319, %dma_wait3A_915] : memref<50x4096x128xf32, #tpu.memory_space<hbm>> -> memref<1x64x128xf32, #tpu.memory_space<hbm>>
        %dma_wait3A_917 = tpu.memref_squeeze %dma_wait3A_916 : memref<1x64x128xf32, #tpu.memory_space<hbm>> -> memref<64x128xf32, #tpu.memory_space<hbm>>
        %dma_wait3A_918 = arith.constant 0 : i32
        %dma_wait3A_919 = arith.constant 0 : i32
        %dma_wait3A_920 = tpu.memref_slice %arg6[%dma_wait3A_904, %dma_wait3A_918, %dma_wait3A_919] : memref<10x64x128xf32, #tpu.memory_space<vmem>> -> memref<1x64x128xf32, #tpu.memory_space<vmem>>
        %dma_wait3A_921 = tpu.memref_squeeze %dma_wait3A_920 : memref<1x64x128xf32, #tpu.memory_space<vmem>> -> memref<64x128xf32, #tpu.memory_space<vmem>>
        tpu.wait_dma2 semaphore(%dma_wait3A_914 : memref<!tpu.dma_semaphore, #tpu.memory_space<semaphore_mem>>) src(%dma_wait3A_921 : memref<64x128xf32, #tpu.memory_space<vmem>>) dst(%dma_wait3A_917 : memref<64x128xf32, #tpu.memory_space<hbm>>)
      } else {
      }
      %dma_start3A_325 = arith.constant 4 : i32
      %dma_start3A_326 = arith.constant 4 : i32
      %dma_start3A_327 = arith.constant 0 : i32
      %dma_start3A_328 = arith.constant 0 : i32
      %dma_start3A_329 = tpu.memref_slice %arg6[%dma_start3A_325, %dma_start3A_327, %dma_start3A_328] : memref<10x64x128xf32, #tpu.memory_space<vmem>> -> memref<1x64x128xf32, #tpu.memory_space<vmem>>
      %dma_start3A_330 = tpu.memref_squeeze %dma_start3A_329 : memref<1x64x128xf32, #tpu.memory_space<vmem>> -> memref<64x128xf32, #tpu.memory_space<vmem>>
      %dma_start3A_331 = arith.constant 0 : i32
      %dma_start3A_332 = tpu.memref_slice %arg5[%add3A_317, %dma_start3A_331] : memref<50x128xi32, #tpu.memory_space<vmem>> -> memref<1x64xi32, #tpu.memory_space<vmem>>
      %dma_start3A_333 = tpu.memref_squeeze %dma_start3A_332 : memref<1x64xi32, #tpu.memory_space<vmem>> -> memref<64xi32, #tpu.memory_space<vmem>>
      %dma_start3A_334 = arith.constant 0 : i32
      %dma_start3A_335 = arith.constant 0 : i32
      %dma_start3A_336 = tpu.memref_slice %arg3[%dma_start3A_334, %dma_start3A_335] : memref<100000x128xf32, #tpu.memory_space<hbm>> -> memref<100000x128xf32, #tpu.memory_space<hbm>>
      %dma_start3A_337 = tpu.memref_slice %arg7[%dma_start3A_326] : memref<10x!tpu.dma_semaphore, #tpu.memory_space<semaphore_mem>> -> memref<1x!tpu.dma_semaphore, #tpu.memory_space<semaphore_mem>>
      %dma_start3A_338 = tpu.memref_squeeze %dma_start3A_337 : memref<1x!tpu.dma_semaphore, #tpu.memory_space<semaphore_mem>> -> memref<!tpu.dma_semaphore, #tpu.memory_space<semaphore_mem>>
      tpu.enqueue_indirect_dma source(%dma_start3A_336 : memref<100000x128xf32, #tpu.memory_space<hbm>>) target(%dma_start3A_330 : memref<64x128xf32, #tpu.memory_space<vmem>>) offsets(%dma_start3A_333 : memref<64xi32, #tpu.memory_space<vmem>>) semaphore(%dma_start3A_338 : memref<!tpu.dma_semaphore, #tpu.memory_space<semaphore_mem>>)
      %mul3A_339 = arith.constant 5 : i32
      %mul3A_340 = arith.muli %scan3A_217, %mul3A_339 : i32
      %add3A_341 = arith.constant 2 : i32
      %add3A_342 = arith.addi %mul3A_340, %add3A_341 : i32
      %add3A_343 = arith.constant 64 : i32
      %add3A_344 = arith.addi %mul3A_2, %add3A_343 : i32
      %gt3A_345 = arith.constant 0 : i32
      %gt3A_346 = arith.cmpi sgt, %scan3A_217, %gt3A_345 : i32
      %convert_element_type3A_347 = arith.extui %gt3A_346 : i1 to i32
      %cond3A_348 = arith.constant 0 : i32
      %cond3A_349 = arith.cmpi ne, %convert_element_type3A_347, %cond3A_348 : i32
      scf.if %cond3A_349 {
        %dma_wait3A_904 = arith.constant 5 : i32
        %dma_wait3A_905 = arith.constant 5 : i32
        %dma_wait3A_906 = arith.constant 0 : i32
        %dma_wait3A_907 = arith.constant 0 : i32
        %dma_wait3A_908 = tpu.memref_slice %arg6[%dma_wait3A_904, %dma_wait3A_906, %dma_wait3A_907] : memref<10x64x128xf32, #tpu.memory_space<vmem>> -> memref<1x64x128xf32, #tpu.memory_space<vmem>>
        %dma_wait3A_909 = tpu.memref_squeeze %dma_wait3A_908 : memref<1x64x128xf32, #tpu.memory_space<vmem>> -> memref<64x128xf32, #tpu.memory_space<vmem>>
        %dma_wait3A_910 = arith.constant 0 : i32
        %dma_wait3A_911 = tpu.memref_slice %arg4[%add3A_342, %add3A_344, %dma_wait3A_910] : memref<50x4096x128xf32, #tpu.memory_space<hbm>> -> memref<1x64x128xf32, #tpu.memory_space<hbm>>
        %dma_wait3A_912 = tpu.memref_squeeze %dma_wait3A_911 : memref<1x64x128xf32, #tpu.memory_space<hbm>> -> memref<64x128xf32, #tpu.memory_space<hbm>>
        %dma_wait3A_913 = tpu.memref_slice %arg8[%dma_wait3A_905] : memref<10x!tpu.dma_semaphore, #tpu.memory_space<semaphore_mem>> -> memref<1x!tpu.dma_semaphore, #tpu.memory_space<semaphore_mem>>
        %dma_wait3A_914 = tpu.memref_squeeze %dma_wait3A_913 : memref<1x!tpu.dma_semaphore, #tpu.memory_space<semaphore_mem>> -> memref<!tpu.dma_semaphore, #tpu.memory_space<semaphore_mem>>
        %dma_wait3A_915 = arith.constant 0 : i32
        %dma_wait3A_916 = tpu.memref_slice %arg4[%add3A_342, %add3A_344, %dma_wait3A_915] : memref<50x4096x128xf32, #tpu.memory_space<hbm>> -> memref<1x64x128xf32, #tpu.memory_space<hbm>>
        %dma_wait3A_917 = tpu.memref_squeeze %dma_wait3A_916 : memref<1x64x128xf32, #tpu.memory_space<hbm>> -> memref<64x128xf32, #tpu.memory_space<hbm>>
        %dma_wait3A_918 = arith.constant 0 : i32
        %dma_wait3A_919 = arith.constant 0 : i32
        %dma_wait3A_920 = tpu.memref_slice %arg6[%dma_wait3A_904, %dma_wait3A_918, %dma_wait3A_919] : memref<10x64x128xf32, #tpu.memory_space<vmem>> -> memref<1x64x128xf32, #tpu.memory_space<vmem>>
        %dma_wait3A_921 = tpu.memref_squeeze %dma_wait3A_920 : memref<1x64x128xf32, #tpu.memory_space<vmem>> -> memref<64x128xf32, #tpu.memory_space<vmem>>
        tpu.wait_dma2 semaphore(%dma_wait3A_914 : memref<!tpu.dma_semaphore, #tpu.memory_space<semaphore_mem>>) src(%dma_wait3A_921 : memref<64x128xf32, #tpu.memory_space<vmem>>) dst(%dma_wait3A_917 : memref<64x128xf32, #tpu.memory_space<hbm>>)
      } else {
      }
      %dma_start3A_350 = arith.constant 5 : i32
      %dma_start3A_351 = arith.constant 5 : i32
      %dma_start3A_352 = arith.constant 0 : i32
      %dma_start3A_353 = arith.constant 0 : i32
      %dma_start3A_354 = tpu.memref_slice %arg6[%dma_start3A_350, %dma_start3A_352, %dma_start3A_353] : memref<10x64x128xf32, #tpu.memory_space<vmem>> -> memref<1x64x128xf32, #tpu.memory_space<vmem>>
      %dma_start3A_355 = tpu.memref_squeeze %dma_start3A_354 : memref<1x64x128xf32, #tpu.memory_space<vmem>> -> memref<64x128xf32, #tpu.memory_space<vmem>>
      %dma_start3A_356 = arith.constant 64 : i32
      %dma_start3A_357 = tpu.memref_slice %arg5[%add3A_342, %dma_start3A_356] : memref<50x128xi32, #tpu.memory_space<vmem>> -> memref<1x64xi32, #tpu.memory_space<vmem>>
      %dma_start3A_358 = tpu.memref_squeeze %dma_start3A_357 : memref<1x64xi32, #tpu.memory_space<vmem>> -> memref<64xi32, #tpu.memory_space<vmem>>
      %dma_start3A_359 = arith.constant 0 : i32
      %dma_start3A_360 = arith.constant 0 : i32
      %dma_start3A_361 = tpu.memref_slice %arg3[%dma_start3A_359, %dma_start3A_360] : memref<100000x128xf32, #tpu.memory_space<hbm>> -> memref<100000x128xf32, #tpu.memory_space<hbm>>
      %dma_start3A_362 = tpu.memref_slice %arg7[%dma_start3A_351] : memref<10x!tpu.dma_semaphore, #tpu.memory_space<semaphore_mem>> -> memref<1x!tpu.dma_semaphore, #tpu.memory_space<semaphore_mem>>
      %dma_start3A_363 = tpu.memref_squeeze %dma_start3A_362 : memref<1x!tpu.dma_semaphore, #tpu.memory_space<semaphore_mem>> -> memref<!tpu.dma_semaphore, #tpu.memory_space<semaphore_mem>>
      tpu.enqueue_indirect_dma source(%dma_start3A_361 : memref<100000x128xf32, #tpu.memory_space<hbm>>) target(%dma_start3A_355 : memref<64x128xf32, #tpu.memory_space<vmem>>) offsets(%dma_start3A_358 : memref<64xi32, #tpu.memory_space<vmem>>) semaphore(%dma_start3A_363 : memref<!tpu.dma_semaphore, #tpu.memory_space<semaphore_mem>>)
      %mul3A_364 = arith.constant 5 : i32
      %mul3A_365 = arith.muli %scan3A_217, %mul3A_364 : i32
      %add3A_366 = arith.constant 3 : i32
      %add3A_367 = arith.addi %mul3A_365, %add3A_366 : i32
      %add3A_368 = arith.constant 0 : i32
      %add3A_369 = arith.addi %mul3A_2, %add3A_368 : i32
      %gt3A_370 = arith.constant 0 : i32
      %gt3A_371 = arith.cmpi sgt, %scan3A_217, %gt3A_370 : i32
      %convert_element_type3A_372 = arith.extui %gt3A_371 : i1 to i32
      %cond3A_373 = arith.constant 0 : i32
      %cond3A_374 = arith.cmpi ne, %convert_element_type3A_372, %cond3A_373 : i32
      scf.if %cond3A_374 {
        %dma_wait3A_904 = arith.constant 6 : i32
        %dma_wait3A_905 = arith.constant 6 : i32
        %dma_wait3A_906 = arith.constant 0 : i32
        %dma_wait3A_907 = arith.constant 0 : i32
        %dma_wait3A_908 = tpu.memref_slice %arg6[%dma_wait3A_904, %dma_wait3A_906, %dma_wait3A_907] : memref<10x64x128xf32, #tpu.memory_space<vmem>> -> memref<1x64x128xf32, #tpu.memory_space<vmem>>
        %dma_wait3A_909 = tpu.memref_squeeze %dma_wait3A_908 : memref<1x64x128xf32, #tpu.memory_space<vmem>> -> memref<64x128xf32, #tpu.memory_space<vmem>>
        %dma_wait3A_910 = arith.constant 0 : i32
        %dma_wait3A_911 = tpu.memref_slice %arg4[%add3A_367, %add3A_369, %dma_wait3A_910] : memref<50x4096x128xf32, #tpu.memory_space<hbm>> -> memref<1x64x128xf32, #tpu.memory_space<hbm>>
        %dma_wait3A_912 = tpu.memref_squeeze %dma_wait3A_911 : memref<1x64x128xf32, #tpu.memory_space<hbm>> -> memref<64x128xf32, #tpu.memory_space<hbm>>
        %dma_wait3A_913 = tpu.memref_slice %arg8[%dma_wait3A_905] : memref<10x!tpu.dma_semaphore, #tpu.memory_space<semaphore_mem>> -> memref<1x!tpu.dma_semaphore, #tpu.memory_space<semaphore_mem>>
        %dma_wait3A_914 = tpu.memref_squeeze %dma_wait3A_913 : memref<1x!tpu.dma_semaphore, #tpu.memory_space<semaphore_mem>> -> memref<!tpu.dma_semaphore, #tpu.memory_space<semaphore_mem>>
        %dma_wait3A_915 = arith.constant 0 : i32
        %dma_wait3A_916 = tpu.memref_slice %arg4[%add3A_367, %add3A_369, %dma_wait3A_915] : memref<50x4096x128xf32, #tpu.memory_space<hbm>> -> memref<1x64x128xf32, #tpu.memory_space<hbm>>
        %dma_wait3A_917 = tpu.memref_squeeze %dma_wait3A_916 : memref<1x64x128xf32, #tpu.memory_space<hbm>> -> memref<64x128xf32, #tpu.memory_space<hbm>>
        %dma_wait3A_918 = arith.constant 0 : i32
        %dma_wait3A_919 = arith.constant 0 : i32
        %dma_wait3A_920 = tpu.memref_slice %arg6[%dma_wait3A_904, %dma_wait3A_918, %dma_wait3A_919] : memref<10x64x128xf32, #tpu.memory_space<vmem>> -> memref<1x64x128xf32, #tpu.memory_space<vmem>>
        %dma_wait3A_921 = tpu.memref_squeeze %dma_wait3A_920 : memref<1x64x128xf32, #tpu.memory_space<vmem>> -> memref<64x128xf32, #tpu.memory_space<vmem>>
        tpu.wait_dma2 semaphore(%dma_wait3A_914 : memref<!tpu.dma_semaphore, #tpu.memory_space<semaphore_mem>>) src(%dma_wait3A_921 : memref<64x128xf32, #tpu.memory_space<vmem>>) dst(%dma_wait3A_917 : memref<64x128xf32, #tpu.memory_space<hbm>>)
      } else {
      }
      %dma_start3A_375 = arith.constant 6 : i32
      %dma_start3A_376 = arith.constant 6 : i32
      %dma_start3A_377 = arith.constant 0 : i32
      %dma_start3A_378 = arith.constant 0 : i32
      %dma_start3A_379 = tpu.memref_slice %arg6[%dma_start3A_375, %dma_start3A_377, %dma_start3A_378] : memref<10x64x128xf32, #tpu.memory_space<vmem>> -> memref<1x64x128xf32, #tpu.memory_space<vmem>>
      %dma_start3A_380 = tpu.memref_squeeze %dma_start3A_379 : memref<1x64x128xf32, #tpu.memory_space<vmem>> -> memref<64x128xf32, #tpu.memory_space<vmem>>
      %dma_start3A_381 = arith.constant 0 : i32
      %dma_start3A_382 = tpu.memref_slice %arg5[%add3A_367, %dma_start3A_381] : memref<50x128xi32, #tpu.memory_space<vmem>> -> memref<1x64xi32, #tpu.memory_space<vmem>>
      %dma_start3A_383 = tpu.memref_squeeze %dma_start3A_382 : memref<1x64xi32, #tpu.memory_space<vmem>> -> memref<64xi32, #tpu.memory_space<vmem>>
      %dma_start3A_384 = arith.constant 0 : i32
      %dma_start3A_385 = arith.constant 0 : i32
      %dma_start3A_386 = tpu.memref_slice %arg3[%dma_start3A_384, %dma_start3A_385] : memref<100000x128xf32, #tpu.memory_space<hbm>> -> memref<100000x128xf32, #tpu.memory_space<hbm>>
      %dma_start3A_387 = tpu.memref_slice %arg7[%dma_start3A_376] : memref<10x!tpu.dma_semaphore, #tpu.memory_space<semaphore_mem>> -> memref<1x!tpu.dma_semaphore, #tpu.memory_space<semaphore_mem>>
      %dma_start3A_388 = tpu.memref_squeeze %dma_start3A_387 : memref<1x!tpu.dma_semaphore, #tpu.memory_space<semaphore_mem>> -> memref<!tpu.dma_semaphore, #tpu.memory_space<semaphore_mem>>
      tpu.enqueue_indirect_dma source(%dma_start3A_386 : memref<100000x128xf32, #tpu.memory_space<hbm>>) target(%dma_start3A_380 : memref<64x128xf32, #tpu.memory_space<vmem>>) offsets(%dma_start3A_383 : memref<64xi32, #tpu.memory_space<vmem>>) semaphore(%dma_start3A_388 : memref<!tpu.dma_semaphore, #tpu.memory_space<semaphore_mem>>)
      %mul3A_389 = arith.constant 5 : i32
      %mul3A_390 = arith.muli %scan3A_217, %mul3A_389 : i32
      %add3A_391 = arith.constant 3 : i32
      %add3A_392 = arith.addi %mul3A_390, %add3A_391 : i32
      %add3A_393 = arith.constant 64 : i32
      %add3A_394 = arith.addi %mul3A_2, %add3A_393 : i32
      %gt3A_395 = arith.constant 0 : i32
      %gt3A_396 = arith.cmpi sgt, %scan3A_217, %gt3A_395 : i32
      %convert_element_type3A_397 = arith.extui %gt3A_396 : i1 to i32
      %cond3A_398 = arith.constant 0 : i32
      %cond3A_399 = arith.cmpi ne, %convert_element_type3A_397, %cond3A_398 : i32
      scf.if %cond3A_399 {
        %dma_wait3A_904 = arith.constant 7 : i32
        %dma_wait3A_905 = arith.constant 7 : i32
        %dma_wait3A_906 = arith.constant 0 : i32
        %dma_wait3A_907 = arith.constant 0 : i32
        %dma_wait3A_908 = tpu.memref_slice %arg6[%dma_wait3A_904, %dma_wait3A_906, %dma_wait3A_907] : memref<10x64x128xf32, #tpu.memory_space<vmem>> -> memref<1x64x128xf32, #tpu.memory_space<vmem>>
        %dma_wait3A_909 = tpu.memref_squeeze %dma_wait3A_908 : memref<1x64x128xf32, #tpu.memory_space<vmem>> -> memref<64x128xf32, #tpu.memory_space<vmem>>
        %dma_wait3A_910 = arith.constant 0 : i32
        %dma_wait3A_911 = tpu.memref_slice %arg4[%add3A_392, %add3A_394, %dma_wait3A_910] : memref<50x4096x128xf32, #tpu.memory_space<hbm>> -> memref<1x64x128xf32, #tpu.memory_space<hbm>>
        %dma_wait3A_912 = tpu.memref_squeeze %dma_wait3A_911 : memref<1x64x128xf32, #tpu.memory_space<hbm>> -> memref<64x128xf32, #tpu.memory_space<hbm>>
        %dma_wait3A_913 = tpu.memref_slice %arg8[%dma_wait3A_905] : memref<10x!tpu.dma_semaphore, #tpu.memory_space<semaphore_mem>> -> memref<1x!tpu.dma_semaphore, #tpu.memory_space<semaphore_mem>>
        %dma_wait3A_914 = tpu.memref_squeeze %dma_wait3A_913 : memref<1x!tpu.dma_semaphore, #tpu.memory_space<semaphore_mem>> -> memref<!tpu.dma_semaphore, #tpu.memory_space<semaphore_mem>>
        %dma_wait3A_915 = arith.constant 0 : i32
        %dma_wait3A_916 = tpu.memref_slice %arg4[%add3A_392, %add3A_394, %dma_wait3A_915] : memref<50x4096x128xf32, #tpu.memory_space<hbm>> -> memref<1x64x128xf32, #tpu.memory_space<hbm>>
        %dma_wait3A_917 = tpu.memref_squeeze %dma_wait3A_916 : memref<1x64x128xf32, #tpu.memory_space<hbm>> -> memref<64x128xf32, #tpu.memory_space<hbm>>
        %dma_wait3A_918 = arith.constant 0 : i32
        %dma_wait3A_919 = arith.constant 0 : i32
        %dma_wait3A_920 = tpu.memref_slice %arg6[%dma_wait3A_904, %dma_wait3A_918, %dma_wait3A_919] : memref<10x64x128xf32, #tpu.memory_space<vmem>> -> memref<1x64x128xf32, #tpu.memory_space<vmem>>
        %dma_wait3A_921 = tpu.memref_squeeze %dma_wait3A_920 : memref<1x64x128xf32, #tpu.memory_space<vmem>> -> memref<64x128xf32, #tpu.memory_space<vmem>>
        tpu.wait_dma2 semaphore(%dma_wait3A_914 : memref<!tpu.dma_semaphore, #tpu.memory_space<semaphore_mem>>) src(%dma_wait3A_921 : memref<64x128xf32, #tpu.memory_space<vmem>>) dst(%dma_wait3A_917 : memref<64x128xf32, #tpu.memory_space<hbm>>)
      } else {
      }
      %dma_start3A_400 = arith.constant 7 : i32
      %dma_start3A_401 = arith.constant 7 : i32
      %dma_start3A_402 = arith.constant 0 : i32
      %dma_start3A_403 = arith.constant 0 : i32
      %dma_start3A_404 = tpu.memref_slice %arg6[%dma_start3A_400, %dma_start3A_402, %dma_start3A_403] : memref<10x64x128xf32, #tpu.memory_space<vmem>> -> memref<1x64x128xf32, #tpu.memory_space<vmem>>
      %dma_start3A_405 = tpu.memref_squeeze %dma_start3A_404 : memref<1x64x128xf32, #tpu.memory_space<vmem>> -> memref<64x128xf32, #tpu.memory_space<vmem>>
      %dma_start3A_406 = arith.constant 64 : i32
      %dma_start3A_407 = tpu.memref_slice %arg5[%add3A_392, %dma_start3A_406] : memref<50x128xi32, #tpu.memory_space<vmem>> -> memref<1x64xi32, #tpu.memory_space<vmem>>
      %dma_start3A_408 = tpu.memref_squeeze %dma_start3A_407 : memref<1x64xi32, #tpu.memory_space<vmem>> -> memref<64xi32, #tpu.memory_space<vmem>>
      %dma_start3A_409 = arith.constant 0 : i32
      %dma_start3A_410 = arith.constant 0 : i32
      %dma_start3A_411 = tpu.memref_slice %arg3[%dma_start3A_409, %dma_start3A_410] : memref<100000x128xf32, #tpu.memory_space<hbm>> -> memref<100000x128xf32, #tpu.memory_space<hbm>>
      %dma_start3A_412 = tpu.memref_slice %arg7[%dma_start3A_401] : memref<10x!tpu.dma_semaphore, #tpu.memory_space<semaphore_mem>> -> memref<1x!tpu.dma_semaphore, #tpu.memory_space<semaphore_mem>>
      %dma_start3A_413 = tpu.memref_squeeze %dma_start3A_412 : memref<1x!tpu.dma_semaphore, #tpu.memory_space<semaphore_mem>> -> memref<!tpu.dma_semaphore, #tpu.memory_space<semaphore_mem>>
      tpu.enqueue_indirect_dma source(%dma_start3A_411 : memref<100000x128xf32, #tpu.memory_space<hbm>>) target(%dma_start3A_405 : memref<64x128xf32, #tpu.memory_space<vmem>>) offsets(%dma_start3A_408 : memref<64xi32, #tpu.memory_space<vmem>>) semaphore(%dma_start3A_413 : memref<!tpu.dma_semaphore, #tpu.memory_space<semaphore_mem>>)
      %mul3A_414 = arith.constant 5 : i32
      %mul3A_415 = arith.muli %scan3A_217, %mul3A_414 : i32
      %add3A_416 = arith.constant 4 : i32
      %add3A_417 = arith.addi %mul3A_415, %add3A_416 : i32
      %add3A_418 = arith.constant 0 : i32
      %add3A_419 = arith.addi %mul3A_2, %add3A_418 : i32
      %gt3A_420 = arith.constant 0 : i32
      %gt3A_421 = arith.cmpi sgt, %scan3A_217, %gt3A_420 : i32
      %convert_element_type3A_422 = arith.extui %gt3A_421 : i1 to i32
      %cond3A_423 = arith.constant 0 : i32
      %cond3A_424 = arith.cmpi ne, %convert_element_type3A_422, %cond3A_423 : i32
      scf.if %cond3A_424 {
        %dma_wait3A_904 = arith.constant 8 : i32
        %dma_wait3A_905 = arith.constant 8 : i32
        %dma_wait3A_906 = arith.constant 0 : i32
        %dma_wait3A_907 = arith.constant 0 : i32
        %dma_wait3A_908 = tpu.memref_slice %arg6[%dma_wait3A_904, %dma_wait3A_906, %dma_wait3A_907] : memref<10x64x128xf32, #tpu.memory_space<vmem>> -> memref<1x64x128xf32, #tpu.memory_space<vmem>>
        %dma_wait3A_909 = tpu.memref_squeeze %dma_wait3A_908 : memref<1x64x128xf32, #tpu.memory_space<vmem>> -> memref<64x128xf32, #tpu.memory_space<vmem>>
        %dma_wait3A_910 = arith.constant 0 : i32
        %dma_wait3A_911 = tpu.memref_slice %arg4[%add3A_417, %add3A_419, %dma_wait3A_910] : memref<50x4096x128xf32, #tpu.memory_space<hbm>> -> memref<1x64x128xf32, #tpu.memory_space<hbm>>
        %dma_wait3A_912 = tpu.memref_squeeze %dma_wait3A_911 : memref<1x64x128xf32, #tpu.memory_space<hbm>> -> memref<64x128xf32, #tpu.memory_space<hbm>>
        %dma_wait3A_913 = tpu.memref_slice %arg8[%dma_wait3A_905] : memref<10x!tpu.dma_semaphore, #tpu.memory_space<semaphore_mem>> -> memref<1x!tpu.dma_semaphore, #tpu.memory_space<semaphore_mem>>
        %dma_wait3A_914 = tpu.memref_squeeze %dma_wait3A_913 : memref<1x!tpu.dma_semaphore, #tpu.memory_space<semaphore_mem>> -> memref<!tpu.dma_semaphore, #tpu.memory_space<semaphore_mem>>
        %dma_wait3A_915 = arith.constant 0 : i32
        %dma_wait3A_916 = tpu.memref_slice %arg4[%add3A_417, %add3A_419, %dma_wait3A_915] : memref<50x4096x128xf32, #tpu.memory_space<hbm>> -> memref<1x64x128xf32, #tpu.memory_space<hbm>>
        %dma_wait3A_917 = tpu.memref_squeeze %dma_wait3A_916 : memref<1x64x128xf32, #tpu.memory_space<hbm>> -> memref<64x128xf32, #tpu.memory_space<hbm>>
        %dma_wait3A_918 = arith.constant 0 : i32
        %dma_wait3A_919 = arith.constant 0 : i32
        %dma_wait3A_920 = tpu.memref_slice %arg6[%dma_wait3A_904, %dma_wait3A_918, %dma_wait3A_919] : memref<10x64x128xf32, #tpu.memory_space<vmem>> -> memref<1x64x128xf32, #tpu.memory_space<vmem>>
        %dma_wait3A_921 = tpu.memref_squeeze %dma_wait3A_920 : memref<1x64x128xf32, #tpu.memory_space<vmem>> -> memref<64x128xf32, #tpu.memory_space<vmem>>
        tpu.wait_dma2 semaphore(%dma_wait3A_914 : memref<!tpu.dma_semaphore, #tpu.memory_space<semaphore_mem>>) src(%dma_wait3A_921 : memref<64x128xf32, #tpu.memory_space<vmem>>) dst(%dma_wait3A_917 : memref<64x128xf32, #tpu.memory_space<hbm>>)
      } else {
      }
      %dma_start3A_425 = arith.constant 8 : i32
      %dma_start3A_426 = arith.constant 8 : i32
      %dma_start3A_427 = arith.constant 0 : i32
      %dma_start3A_428 = arith.constant 0 : i32
      %dma_start3A_429 = tpu.memref_slice %arg6[%dma_start3A_425, %dma_start3A_427, %dma_start3A_428] : memref<10x64x128xf32, #tpu.memory_space<vmem>> -> memref<1x64x128xf32, #tpu.memory_space<vmem>>
      %dma_start3A_430 = tpu.memref_squeeze %dma_start3A_429 : memref<1x64x128xf32, #tpu.memory_space<vmem>> -> memref<64x128xf32, #tpu.memory_space<vmem>>
      %dma_start3A_431 = arith.constant 0 : i32
      %dma_start3A_432 = tpu.memref_slice %arg5[%add3A_417, %dma_start3A_431] : memref<50x128xi32, #tpu.memory_space<vmem>> -> memref<1x64xi32, #tpu.memory_space<vmem>>
      %dma_start3A_433 = tpu.memref_squeeze %dma_start3A_432 : memref<1x64xi32, #tpu.memory_space<vmem>> -> memref<64xi32, #tpu.memory_space<vmem>>
      %dma_start3A_434 = arith.constant 0 : i32
      %dma_start3A_435 = arith.constant 0 : i32
      %dma_start3A_436 = tpu.memref_slice %arg3[%dma_start3A_434, %dma_start3A_435] : memref<100000x128xf32, #tpu.memory_space<hbm>> -> memref<100000x128xf32, #tpu.memory_space<hbm>>
      %dma_start3A_437 = tpu.memref_slice %arg7[%dma_start3A_426] : memref<10x!tpu.dma_semaphore, #tpu.memory_space<semaphore_mem>> -> memref<1x!tpu.dma_semaphore, #tpu.memory_space<semaphore_mem>>
      %dma_start3A_438 = tpu.memref_squeeze %dma_start3A_437 : memref<1x!tpu.dma_semaphore, #tpu.memory_space<semaphore_mem>> -> memref<!tpu.dma_semaphore, #tpu.memory_space<semaphore_mem>>
      tpu.enqueue_indirect_dma source(%dma_start3A_436 : memref<100000x128xf32, #tpu.memory_space<hbm>>) target(%dma_start3A_430 : memref<64x128xf32, #tpu.memory_space<vmem>>) offsets(%dma_start3A_433 : memref<64xi32, #tpu.memory_space<vmem>>) semaphore(%dma_start3A_438 : memref<!tpu.dma_semaphore, #tpu.memory_space<semaphore_mem>>)
      %mul3A_439 = arith.constant 5 : i32
      %mul3A_440 = arith.muli %scan3A_217, %mul3A_439 : i32
      %add3A_441 = arith.constant 4 : i32
      %add3A_442 = arith.addi %mul3A_440, %add3A_441 : i32
      %add3A_443 = arith.constant 64 : i32
      %add3A_444 = arith.addi %mul3A_2, %add3A_443 : i32
      %gt3A_445 = arith.constant 0 : i32
      %gt3A_446 = arith.cmpi sgt, %scan3A_217, %gt3A_445 : i32
      %convert_element_type3A_447 = arith.extui %gt3A_446 : i1 to i32
      %cond3A_448 = arith.constant 0 : i32
      %cond3A_449 = arith.cmpi ne, %convert_element_type3A_447, %cond3A_448 : i32
      scf.if %cond3A_449 {
        %dma_wait3A_904 = arith.constant 9 : i32
        %dma_wait3A_905 = arith.constant 9 : i32
        %dma_wait3A_906 = arith.constant 0 : i32
        %dma_wait3A_907 = arith.constant 0 : i32
        %dma_wait3A_908 = tpu.memref_slice %arg6[%dma_wait3A_904, %dma_wait3A_906, %dma_wait3A_907] : memref<10x64x128xf32, #tpu.memory_space<vmem>> -> memref<1x64x128xf32, #tpu.memory_space<vmem>>
        %dma_wait3A_909 = tpu.memref_squeeze %dma_wait3A_908 : memref<1x64x128xf32, #tpu.memory_space<vmem>> -> memref<64x128xf32, #tpu.memory_space<vmem>>
        %dma_wait3A_910 = arith.constant 0 : i32
        %dma_wait3A_911 = tpu.memref_slice %arg4[%add3A_442, %add3A_444, %dma_wait3A_910] : memref<50x4096x128xf32, #tpu.memory_space<hbm>> -> memref<1x64x128xf32, #tpu.memory_space<hbm>>
        %dma_wait3A_912 = tpu.memref_squeeze %dma_wait3A_911 : memref<1x64x128xf32, #tpu.memory_space<hbm>> -> memref<64x128xf32, #tpu.memory_space<hbm>>
        %dma_wait3A_913 = tpu.memref_slice %arg8[%dma_wait3A_905] : memref<10x!tpu.dma_semaphore, #tpu.memory_space<semaphore_mem>> -> memref<1x!tpu.dma_semaphore, #tpu.memory_space<semaphore_mem>>
        %dma_wait3A_914 = tpu.memref_squeeze %dma_wait3A_913 : memref<1x!tpu.dma_semaphore, #tpu.memory_space<semaphore_mem>> -> memref<!tpu.dma_semaphore, #tpu.memory_space<semaphore_mem>>
        %dma_wait3A_915 = arith.constant 0 : i32
        %dma_wait3A_916 = tpu.memref_slice %arg4[%add3A_442, %add3A_444, %dma_wait3A_915] : memref<50x4096x128xf32, #tpu.memory_space<hbm>> -> memref<1x64x128xf32, #tpu.memory_space<hbm>>
        %dma_wait3A_917 = tpu.memref_squeeze %dma_wait3A_916 : memref<1x64x128xf32, #tpu.memory_space<hbm>> -> memref<64x128xf32, #tpu.memory_space<hbm>>
        %dma_wait3A_918 = arith.constant 0 : i32
        %dma_wait3A_919 = arith.constant 0 : i32
        %dma_wait3A_920 = tpu.memref_slice %arg6[%dma_wait3A_904, %dma_wait3A_918, %dma_wait3A_919] : memref<10x64x128xf32, #tpu.memory_space<vmem>> -> memref<1x64x128xf32, #tpu.memory_space<vmem>>
        %dma_wait3A_921 = tpu.memref_squeeze %dma_wait3A_920 : memref<1x64x128xf32, #tpu.memory_space<vmem>> -> memref<64x128xf32, #tpu.memory_space<vmem>>
        tpu.wait_dma2 semaphore(%dma_wait3A_914 : memref<!tpu.dma_semaphore, #tpu.memory_space<semaphore_mem>>) src(%dma_wait3A_921 : memref<64x128xf32, #tpu.memory_space<vmem>>) dst(%dma_wait3A_917 : memref<64x128xf32, #tpu.memory_space<hbm>>)
      } else {
      }
      %dma_start3A_450 = arith.constant 9 : i32
      %dma_start3A_451 = arith.constant 9 : i32
      %dma_start3A_452 = arith.constant 0 : i32
      %dma_start3A_453 = arith.constant 0 : i32
      %dma_start3A_454 = tpu.memref_slice %arg6[%dma_start3A_450, %dma_start3A_452, %dma_start3A_453] : memref<10x64x128xf32, #tpu.memory_space<vmem>> -> memref<1x64x128xf32, #tpu.memory_space<vmem>>
      %dma_start3A_455 = tpu.memref_squeeze %dma_start3A_454 : memref<1x64x128xf32, #tpu.memory_space<vmem>> -> memref<64x128xf32, #tpu.memory_space<vmem>>
      %dma_start3A_456 = arith.constant 64 : i32
      %dma_start3A_457 = tpu.memref_slice %arg5[%add3A_442, %dma_start3A_456] : memref<50x128xi32, #tpu.memory_space<vmem>> -> memref<1x64xi32, #tpu.memory_space<vmem>>
      %dma_start3A_458 = tpu.memref_squeeze %dma_start3A_457 : memref<1x64xi32, #tpu.memory_space<vmem>> -> memref<64xi32, #tpu.memory_space<vmem>>
      %dma_start3A_459 = arith.constant 0 : i32
      %dma_start3A_460 = arith.constant 0 : i32
      %dma_start3A_461 = tpu.memref_slice %arg3[%dma_start3A_459, %dma_start3A_460] : memref<100000x128xf32, #tpu.memory_space<hbm>> -> memref<100000x128xf32, #tpu.memory_space<hbm>>
      %dma_start3A_462 = tpu.memref_slice %arg7[%dma_start3A_451] : memref<10x!tpu.dma_semaphore, #tpu.memory_space<semaphore_mem>> -> memref<1x!tpu.dma_semaphore, #tpu.memory_space<semaphore_mem>>
      %dma_start3A_463 = tpu.memref_squeeze %dma_start3A_462 : memref<1x!tpu.dma_semaphore, #tpu.memory_space<semaphore_mem>> -> memref<!tpu.dma_semaphore, #tpu.memory_space<semaphore_mem>>
      tpu.enqueue_indirect_dma source(%dma_start3A_461 : memref<100000x128xf32, #tpu.memory_space<hbm>>) target(%dma_start3A_455 : memref<64x128xf32, #tpu.memory_space<vmem>>) offsets(%dma_start3A_458 : memref<64xi32, #tpu.memory_space<vmem>>) semaphore(%dma_start3A_463 : memref<!tpu.dma_semaphore, #tpu.memory_space<semaphore_mem>>)
      %mul3A_464 = arith.constant 5 : i32
      %mul3A_465 = arith.muli %scan3A_217, %mul3A_464 : i32
      %add3A_466 = arith.constant 0 : i32
      %add3A_467 = arith.addi %mul3A_465, %add3A_466 : i32
      %add3A_468 = arith.constant 0 : i32
      %add3A_469 = arith.addi %mul3A_2, %add3A_468 : i32
      %dma_wait3A_470 = arith.constant 0 : i32
      %dma_wait3A_471 = arith.constant 0 : i32
      %dma_wait3A_472 = arith.constant 0 : i32
      %dma_wait3A_473 = arith.constant 0 : i32
      %dma_wait3A_474 = tpu.memref_slice %arg6[%dma_wait3A_470, %dma_wait3A_472, %dma_wait3A_473] : memref<10x64x128xf32, #tpu.memory_space<vmem>> -> memref<1x64x128xf32, #tpu.memory_space<vmem>>
      %dma_wait3A_475 = tpu.memref_squeeze %dma_wait3A_474 : memref<1x64x128xf32, #tpu.memory_space<vmem>> -> memref<64x128xf32, #tpu.memory_space<vmem>>
      %dma_wait3A_476 = arith.constant 0 : i32
      %dma_wait3A_477 = tpu.memref_slice %arg5[%add3A_467, %dma_wait3A_476] : memref<50x128xi32, #tpu.memory_space<vmem>> -> memref<1x64xi32, #tpu.memory_space<vmem>>
      %dma_wait3A_478 = tpu.memref_squeeze %dma_wait3A_477 : memref<1x64xi32, #tpu.memory_space<vmem>> -> memref<64xi32, #tpu.memory_space<vmem>>
      %dma_wait3A_479 = arith.constant 0 : i32
      %dma_wait3A_480 = arith.constant 0 : i32
      %dma_wait3A_481 = tpu.memref_slice %arg3[%dma_wait3A_479, %dma_wait3A_480] : memref<100000x128xf32, #tpu.memory_space<hbm>> -> memref<100000x128xf32, #tpu.memory_space<hbm>>
      %dma_wait3A_482 = tpu.memref_slice %arg7[%dma_wait3A_471] : memref<10x!tpu.dma_semaphore, #tpu.memory_space<semaphore_mem>> -> memref<1x!tpu.dma_semaphore, #tpu.memory_space<semaphore_mem>>
      %dma_wait3A_483 = tpu.memref_squeeze %dma_wait3A_482 : memref<1x!tpu.dma_semaphore, #tpu.memory_space<semaphore_mem>> -> memref<!tpu.dma_semaphore, #tpu.memory_space<semaphore_mem>>
      tpu.wait_indirect_dma semaphore(%dma_wait3A_483 : memref<!tpu.dma_semaphore, #tpu.memory_space<semaphore_mem>>) src(%dma_wait3A_481 : memref<100000x128xf32, #tpu.memory_space<hbm>>) dst(%dma_wait3A_475 : memref<64x128xf32, #tpu.memory_space<vmem>>)
      %scan3A_484 = arith.constant 0 : i32
      %scan3A_485 = arith.constant 0 : i32
      %scan3A_486 = arith.constant 64 : i32
      %scan3A_487 = arith.addi %scan3A_485, %scan3A_486 : i32
      %scan3A_488 = arith.constant 1 : i32
      scf.for %scan3A_904 = %scan3A_485 to %scan3A_487 step %scan3A_488  : i32 {
        %get3A = arith.constant 0 : i32
        %get3A_905 = arith.index_cast %get3A : i32 to index
        %get3A_906 = arith.index_cast %scan3A_904 : i32 to index
        %get3A_907 = arith.constant 0 : index
        %get3A_908 = tpu.vector_load %arg6[%get3A_905, %get3A_906, %get3A_907] {strides = array<i32>} : memref<10x64x128xf32, #tpu.memory_space<vmem>>, vector<1x1x16xf32>,
        %get3A_909 = vector.shape_cast %get3A_908 : vector<1x1x16xf32> to vector<16xf32>
        %mul3A_910 = arith.constant 11.3137083 : f32
        %mul3A_911 = vector.broadcast %mul3A_910 : f32 to vector<16xf32>
        %mul3A_912 = arith.mulf %get3A_909, %mul3A_911 : vector<16xf32>
        %swap3A = arith.constant 0 : i32
        %swap3A_913 = arith.index_cast %swap3A : i32 to index
        %swap3A_914 = arith.index_cast %scan3A_904 : i32 to index
        %swap3A_915 = arith.constant 0 : index
        %swap3A_916 = tpu.vector_load %arg6[%swap3A_913, %swap3A_914, %swap3A_915] {strides = array<i32>} : memref<10x64x128xf32, #tpu.memory_space<vmem>>, vector<1x1x16xf32>,
        %swap3A_917 = vector.shape_cast %swap3A_916 : vector<1x1x16xf32> to vector<16xf32>
        %swap3A_918 = vector.shape_cast %mul3A_912 : vector<16xf32> to vector<1x1x16xf32>
        tpu.vector_store %arg6[%swap3A_913, %swap3A_914, %swap3A_915], %swap3A_918 {strides = array<i32>} : memref<10x64x128xf32, #tpu.memory_space<vmem>>, vector<1x1x16xf32>,
        %get3A_919 = arith.constant 0 : i32
        %get3A_920 = arith.index_cast %get3A_919 : i32 to index
        %get3A_921 = arith.index_cast %scan3A_904 : i32 to index
        %get3A_922 = arith.constant 16 : index
        %get3A_923 = tpu.vector_load %arg6[%get3A_920, %get3A_921, %get3A_922] {strides = array<i32>} : memref<10x64x128xf32, #tpu.memory_space<vmem>>, vector<1x1x16xf32>,
        %get3A_924 = vector.shape_cast %get3A_923 : vector<1x1x16xf32> to vector<16xf32>
        %mul3A_925 = arith.constant 11.3137083 : f32
        %mul3A_926 = vector.broadcast %mul3A_925 : f32 to vector<16xf32>
        %mul3A_927 = arith.mulf %get3A_924, %mul3A_926 : vector<16xf32>
        %swap3A_928 = arith.constant 0 : i32
        %swap3A_929 = arith.index_cast %swap3A_928 : i32 to index
        %swap3A_930 = arith.index_cast %scan3A_904 : i32 to index
        %swap3A_931 = arith.constant 16 : index
        %swap3A_932 = tpu.vector_load %arg6[%swap3A_929, %swap3A_930, %swap3A_931] {strides = array<i32>} : memref<10x64x128xf32, #tpu.memory_space<vmem>>, vector<1x1x16xf32>,
        %swap3A_933 = vector.shape_cast %swap3A_932 : vector<1x1x16xf32> to vector<16xf32>
        %swap3A_934 = vector.shape_cast %mul3A_927 : vector<16xf32> to vector<1x1x16xf32>
        tpu.vector_store %arg6[%swap3A_929, %swap3A_930, %swap3A_931], %swap3A_934 {strides = array<i32>} : memref<10x64x128xf32, #tpu.memory_space<vmem>>, vector<1x1x16xf32>,
        %get3A_935 = arith.constant 0 : i32
        %get3A_936 = arith.index_cast %get3A_935 : i32 to index
        %get3A_937 = arith.index_cast %scan3A_904 : i32 to index
        %get3A_938 = arith.constant 32 : index
        %get3A_939 = tpu.vector_load %arg6[%get3A_936, %get3A_937, %get3A_938] {strides = array<i32>} : memref<10x64x128xf32, #tpu.memory_space<vmem>>, vector<1x1x16xf32>,
        %get3A_940 = vector.shape_cast %get3A_939 : vector<1x1x16xf32> to vector<16xf32>
        %mul3A_941 = arith.constant 11.3137083 : f32
        %mul3A_942 = vector.broadcast %mul3A_941 : f32 to vector<16xf32>
        %mul3A_943 = arith.mulf %get3A_940, %mul3A_942 : vector<16xf32>
        %swap3A_944 = arith.constant 0 : i32
        %swap3A_945 = arith.index_cast %swap3A_944 : i32 to index
        %swap3A_946 = arith.index_cast %scan3A_904 : i32 to index
        %swap3A_947 = arith.constant 32 : index
        %swap3A_948 = tpu.vector_load %arg6[%swap3A_945, %swap3A_946, %swap3A_947] {strides = array<i32>} : memref<10x64x128xf32, #tpu.memory_space<vmem>>, vector<1x1x16xf32>,
        %swap3A_949 = vector.shape_cast %swap3A_948 : vector<1x1x16xf32> to vector<16xf32>
        %swap3A_950 = vector.shape_cast %mul3A_943 : vector<16xf32> to vector<1x1x16xf32>
        tpu.vector_store %arg6[%swap3A_945, %swap3A_946, %swap3A_947], %swap3A_950 {strides = array<i32>} : memref<10x64x128xf32, #tpu.memory_space<vmem>>, vector<1x1x16xf32>,
        %get3A_951 = arith.constant 0 : i32
        %get3A_952 = arith.index_cast %get3A_951 : i32 to index
        %get3A_953 = arith.index_cast %scan3A_904 : i32 to index
        %get3A_954 = arith.constant 48 : index
        %get3A_955 = tpu.vector_load %arg6[%get3A_952, %get3A_953, %get3A_954] {strides = array<i32>} : memref<10x64x128xf32, #tpu.memory_space<vmem>>, vector<1x1x16xf32>,
        %get3A_956 = vector.shape_cast %get3A_955 : vector<1x1x16xf32> to vector<16xf32>
        %mul3A_957 = arith.constant 11.3137083 : f32
        %mul3A_958 = vector.broadcast %mul3A_957 : f32 to vector<16xf32>
        %mul3A_959 = arith.mulf %get3A_956, %mul3A_958 : vector<16xf32>
        %swap3A_960 = arith.constant 0 : i32
        %swap3A_961 = arith.index_cast %swap3A_960 : i32 to index
        %swap3A_962 = arith.index_cast %scan3A_904 : i32 to index
        %swap3A_963 = arith.constant 48 : index
        %swap3A_964 = tpu.vector_load %arg6[%swap3A_961, %swap3A_962, %swap3A_963] {strides = array<i32>} : memref<10x64x128xf32, #tpu.memory_space<vmem>>, vector<1x1x16xf32>,
        %swap3A_965 = vector.shape_cast %swap3A_964 : vector<1x1x16xf32> to vector<16xf32>
        %swap3A_966 = vector.shape_cast %mul3A_959 : vector<16xf32> to vector<1x1x16xf32>
        tpu.vector_store %arg6[%swap3A_961, %swap3A_962, %swap3A_963], %swap3A_966 {strides = array<i32>} : memref<10x64x128xf32, #tpu.memory_space<vmem>>, vector<1x1x16xf32>,
        %get3A_967 = arith.constant 0 : i32
        %get3A_968 = arith.index_cast %get3A_967 : i32 to index
        %get3A_969 = arith.index_cast %scan3A_904 : i32 to index
        %get3A_970 = arith.constant 64 : index
        %get3A_971 = tpu.vector_load %arg6[%get3A_968, %get3A_969, %get3A_970] {strides = array<i32>} : memref<10x64x128xf32, #tpu.memory_space<vmem>>, vector<1x1x16xf32>,
        %get3A_972 = vector.shape_cast %get3A_971 : vector<1x1x16xf32> to vector<16xf32>
        %mul3A_973 = arith.constant 11.3137083 : f32
        %mul3A_974 = vector.broadcast %mul3A_973 : f32 to vector<16xf32>
        %mul3A_975 = arith.mulf %get3A_972, %mul3A_974 : vector<16xf32>
        %swap3A_976 = arith.constant 0 : i32
        %swap3A_977 = arith.index_cast %swap3A_976 : i32 to index
        %swap3A_978 = arith.index_cast %scan3A_904 : i32 to index
        %swap3A_979 = arith.constant 64 : index
        %swap3A_980 = tpu.vector_load %arg6[%swap3A_977, %swap3A_978, %swap3A_979] {strides = array<i32>} : memref<10x64x128xf32, #tpu.memory_space<vmem>>, vector<1x1x16xf32>,
        %swap3A_981 = vector.shape_cast %swap3A_980 : vector<1x1x16xf32> to vector<16xf32>
        %swap3A_982 = vector.shape_cast %mul3A_975 : vector<16xf32> to vector<1x1x16xf32>
        tpu.vector_store %arg6[%swap3A_977, %swap3A_978, %swap3A_979], %swap3A_982 {strides = array<i32>} : memref<10x64x128xf32, #tpu.memory_space<vmem>>, vector<1x1x16xf32>,
        %get3A_983 = arith.constant 0 : i32
        %get3A_984 = arith.index_cast %get3A_983 : i32 to index
        %get3A_985 = arith.index_cast %scan3A_904 : i32 to index
        %get3A_986 = arith.constant 80 : index
        %get3A_987 = tpu.vector_load %arg6[%get3A_984, %get3A_985, %get3A_986] {strides = array<i32>} : memref<10x64x128xf32, #tpu.memory_space<vmem>>, vector<1x1x16xf32>,
        %get3A_988 = vector.shape_cast %get3A_987 : vector<1x1x16xf32> to vector<16xf32>
        %mul3A_989 = arith.constant 11.3137083 : f32
        %mul3A_990 = vector.broadcast %mul3A_989 : f32 to vector<16xf32>
        %mul3A_991 = arith.mulf %get3A_988, %mul3A_990 : vector<16xf32>
        %swap3A_992 = arith.constant 0 : i32
        %swap3A_993 = arith.index_cast %swap3A_992 : i32 to index
        %swap3A_994 = arith.index_cast %scan3A_904 : i32 to index
        %swap3A_995 = arith.constant 80 : index
        %swap3A_996 = tpu.vector_load %arg6[%swap3A_993, %swap3A_994, %swap3A_995] {strides = array<i32>} : memref<10x64x128xf32, #tpu.memory_space<vmem>>, vector<1x1x16xf32>,
        %swap3A_997 = vector.shape_cast %swap3A_996 : vector<1x1x16xf32> to vector<16xf32>
        %swap3A_998 = vector.shape_cast %mul3A_991 : vector<16xf32> to vector<1x1x16xf32>
        tpu.vector_store %arg6[%swap3A_993, %swap3A_994, %swap3A_995], %swap3A_998 {strides = array<i32>} : memref<10x64x128xf32, #tpu.memory_space<vmem>>, vector<1x1x16xf32>,
        %get3A_999 = arith.constant 0 : i32
        %get3A_1000 = arith.index_cast %get3A_999 : i32 to index
        %get3A_1001 = arith.index_cast %scan3A_904 : i32 to index
        %get3A_1002 = arith.constant 96 : index
        %get3A_1003 = tpu.vector_load %arg6[%get3A_1000, %get3A_1001, %get3A_1002] {strides = array<i32>} : memref<10x64x128xf32, #tpu.memory_space<vmem>>, vector<1x1x16xf32>,
        %get3A_1004 = vector.shape_cast %get3A_1003 : vector<1x1x16xf32> to vector<16xf32>
        %mul3A_1005 = arith.constant 11.3137083 : f32
        %mul3A_1006 = vector.broadcast %mul3A_1005 : f32 to vector<16xf32>
        %mul3A_1007 = arith.mulf %get3A_1004, %mul3A_1006 : vector<16xf32>
        %swap3A_1008 = arith.constant 0 : i32
        %swap3A_1009 = arith.index_cast %swap3A_1008 : i32 to index
        %swap3A_1010 = arith.index_cast %scan3A_904 : i32 to index
        %swap3A_1011 = arith.constant 96 : index
        %swap3A_1012 = tpu.vector_load %arg6[%swap3A_1009, %swap3A_1010, %swap3A_1011] {strides = array<i32>} : memref<10x64x128xf32, #tpu.memory_space<vmem>>, vector<1x1x16xf32>,
        %swap3A_1013 = vector.shape_cast %swap3A_1012 : vector<1x1x16xf32> to vector<16xf32>
        %swap3A_1014 = vector.shape_cast %mul3A_1007 : vector<16xf32> to vector<1x1x16xf32>
        tpu.vector_store %arg6[%swap3A_1009, %swap3A_1010, %swap3A_1011], %swap3A_1014 {strides = array<i32>} : memref<10x64x128xf32, #tpu.memory_space<vmem>>, vector<1x1x16xf32>,
        %get3A_1015 = arith.constant 0 : i32
        %get3A_1016 = arith.index_cast %get3A_1015 : i32 to index
        %get3A_1017 = arith.index_cast %scan3A_904 : i32 to index
        %get3A_1018 = arith.constant 112 : index
        %get3A_1019 = tpu.vector_load %arg6[%get3A_1016, %get3A_1017, %get3A_1018] {strides = array<i32>} : memref<10x64x128xf32, #tpu.memory_space<vmem>>, vector<1x1x16xf32>,
        %get3A_1020 = vector.shape_cast %get3A_1019 : vector<1x1x16xf32> to vector<16xf32>
        %mul3A_1021 = arith.constant 11.3137083 : f32
        %mul3A_1022 = vector.broadcast %mul3A_1021 : f32 to vector<16xf32>
        %mul3A_1023 = arith.mulf %get3A_1020, %mul3A_1022 : vector<16xf32>
        %swap3A_1024 = arith.constant 0 : i32
        %swap3A_1025 = arith.index_cast %swap3A_1024 : i32 to index
        %swap3A_1026 = arith.index_cast %scan3A_904 : i32 to index
        %swap3A_1027 = arith.constant 112 : index
        %swap3A_1028 = tpu.vector_load %arg6[%swap3A_1025, %swap3A_1026, %swap3A_1027] {strides = array<i32>} : memref<10x64x128xf32, #tpu.memory_space<vmem>>, vector<1x1x16xf32>,
        %swap3A_1029 = vector.shape_cast %swap3A_1028 : vector<1x1x16xf32> to vector<16xf32>
        %swap3A_1030 = vector.shape_cast %mul3A_1023 : vector<16xf32> to vector<1x1x16xf32>
        tpu.vector_store %arg6[%swap3A_1025, %swap3A_1026, %swap3A_1027], %swap3A_1030 {strides = array<i32>} : memref<10x64x128xf32, #tpu.memory_space<vmem>>, vector<1x1x16xf32>,
      }
      %scan3A_489 = arith.constant 64 : i32
      %dma_start3A_490 = arith.constant 0 : i32
      %dma_start3A_491 = arith.constant 0 : i32
      %dma_start3A_492 = arith.constant 0 : i32
      %dma_start3A_493 = arith.constant 0 : i32
      %dma_start3A_494 = tpu.memref_slice %arg6[%dma_start3A_490, %dma_start3A_492, %dma_start3A_493] : memref<10x64x128xf32, #tpu.memory_space<vmem>> -> memref<1x64x128xf32, #tpu.memory_space<vmem>>
      %dma_start3A_495 = tpu.memref_squeeze %dma_start3A_494 : memref<1x64x128xf32, #tpu.memory_space<vmem>> -> memref<64x128xf32, #tpu.memory_space<vmem>>
      %dma_start3A_496 = arith.constant 0 : i32
      %dma_start3A_497 = tpu.memref_slice %arg4[%add3A_467, %add3A_469, %dma_start3A_496] : memref<50x4096x128xf32, #tpu.memory_space<hbm>> -> memref<1x64x128xf32, #tpu.memory_space<hbm>>
      %dma_start3A_498 = tpu.memref_squeeze %dma_start3A_497 : memref<1x64x128xf32, #tpu.memory_space<hbm>> -> memref<64x128xf32, #tpu.memory_space<hbm>>
      %dma_start3A_499 = tpu.memref_slice %arg8[%dma_start3A_491] : memref<10x!tpu.dma_semaphore, #tpu.memory_space<semaphore_mem>> -> memref<1x!tpu.dma_semaphore, #tpu.memory_space<semaphore_mem>>
      %dma_start3A_500 = tpu.memref_squeeze %dma_start3A_499 : memref<1x!tpu.dma_semaphore, #tpu.memory_space<semaphore_mem>> -> memref<!tpu.dma_semaphore, #tpu.memory_space<semaphore_mem>>
      %dma_start3A_501 = arith.constant 0 : i32
      %dma_start3A_502 = tpu.memref_slice %arg4[%add3A_467, %add3A_469, %dma_start3A_501] : memref<50x4096x128xf32, #tpu.memory_space<hbm>> -> memref<1x64x128xf32, #tpu.memory_space<hbm>>
      %dma_start3A_503 = tpu.memref_squeeze %dma_start3A_502 : memref<1x64x128xf32, #tpu.memory_space<hbm>> -> memref<64x128xf32, #tpu.memory_space<hbm>>
      %dma_start3A_504 = arith.constant 0 : i32
      %dma_start3A_505 = arith.constant 0 : i32
      %dma_start3A_506 = tpu.memref_slice %arg6[%dma_start3A_490, %dma_start3A_504, %dma_start3A_505] : memref<10x64x128xf32, #tpu.memory_space<vmem>> -> memref<1x64x128xf32, #tpu.memory_space<vmem>>
      %dma_start3A_507 = tpu.memref_squeeze %dma_start3A_506 : memref<1x64x128xf32, #tpu.memory_space<vmem>> -> memref<64x128xf32, #tpu.memory_space<vmem>>
      tpu.enqueue_dma source(%dma_start3A_507 : memref<64x128xf32, #tpu.memory_space<vmem>>) target(%dma_start3A_503 : memref<64x128xf32, #tpu.memory_space<hbm>>) target_semaphore(%dma_start3A_500 : memref<!tpu.dma_semaphore, #tpu.memory_space<semaphore_mem>>)
      %mul3A_508 = arith.constant 5 : i32
      %mul3A_509 = arith.muli %scan3A_217, %mul3A_508 : i32
      %add3A_510 = arith.constant 0 : i32
      %add3A_511 = arith.addi %mul3A_509, %add3A_510 : i32
      %add3A_512 = arith.constant 64 : i32
      %add3A_513 = arith.addi %mul3A_2, %add3A_512 : i32
      %dma_wait3A_514 = arith.constant 1 : i32
      %dma_wait3A_515 = arith.constant 1 : i32
      %dma_wait3A_516 = arith.constant 0 : i32
      %dma_wait3A_517 = arith.constant 0 : i32
      %dma_wait3A_518 = tpu.memref_slice %arg6[%dma_wait3A_514, %dma_wait3A_516, %dma_wait3A_517] : memref<10x64x128xf32, #tpu.memory_space<vmem>> -> memref<1x64x128xf32, #tpu.memory_space<vmem>>
      %dma_wait3A_519 = tpu.memref_squeeze %dma_wait3A_518 : memref<1x64x128xf32, #tpu.memory_space<vmem>> -> memref<64x128xf32, #tpu.memory_space<vmem>>
      %dma_wait3A_520 = arith.constant 64 : i32
      %dma_wait3A_521 = tpu.memref_slice %arg5[%add3A_511, %dma_wait3A_520] : memref<50x128xi32, #tpu.memory_space<vmem>> -> memref<1x64xi32, #tpu.memory_space<vmem>>
      %dma_wait3A_522 = tpu.memref_squeeze %dma_wait3A_521 : memref<1x64xi32, #tpu.memory_space<vmem>> -> memref<64xi32, #tpu.memory_space<vmem>>
      %dma_wait3A_523 = arith.constant 0 : i32
      %dma_wait3A_524 = arith.constant 0 : i32
      %dma_wait3A_525 = tpu.memref_slice %arg3[%dma_wait3A_523, %dma_wait3A_524] : memref<100000x128xf32, #tpu.memory_space<hbm>> -> memref<100000x128xf32, #tpu.memory_space<hbm>>
      %dma_wait3A_526 = tpu.memref_slice %arg7[%dma_wait3A_515] : memref<10x!tpu.dma_semaphore, #tpu.memory_space<semaphore_mem>> -> memref<1x!tpu.dma_semaphore, #tpu.memory_space<semaphore_mem>>
      %dma_wait3A_527 = tpu.memref_squeeze %dma_wait3A_526 : memref<1x!tpu.dma_semaphore, #tpu.memory_space<semaphore_mem>> -> memref<!tpu.dma_semaphore, #tpu.memory_space<semaphore_mem>>
      tpu.wait_indirect_dma semaphore(%dma_wait3A_527 : memref<!tpu.dma_semaphore, #tpu.memory_space<semaphore_mem>>) src(%dma_wait3A_525 : memref<100000x128xf32, #tpu.memory_space<hbm>>) dst(%dma_wait3A_519 : memref<64x128xf32, #tpu.memory_space<vmem>>)
      %scan3A_528 = arith.constant 0 : i32
      %scan3A_529 = arith.constant 0 : i32
      %scan3A_530 = arith.constant 64 : i32
      %scan3A_531 = arith.addi %scan3A_529, %scan3A_530 : i32
      %scan3A_532 = arith.constant 1 : i32
      scf.for %scan3A_904 = %scan3A_529 to %scan3A_531 step %scan3A_532  : i32 {
        %get3A = arith.constant 1 : i32
        %get3A_905 = arith.index_cast %get3A : i32 to index
        %get3A_906 = arith.index_cast %scan3A_904 : i32 to index
        %get3A_907 = arith.constant 0 : index
        %get3A_908 = tpu.vector_load %arg6[%get3A_905, %get3A_906, %get3A_907] {strides = array<i32>} : memref<10x64x128xf32, #tpu.memory_space<vmem>>, vector<1x1x16xf32>,
        %get3A_909 = vector.shape_cast %get3A_908 : vector<1x1x16xf32> to vector<16xf32>
        %mul3A_910 = arith.constant 11.3137083 : f32
        %mul3A_911 = vector.broadcast %mul3A_910 : f32 to vector<16xf32>
        %mul3A_912 = arith.mulf %get3A_909, %mul3A_911 : vector<16xf32>
        %swap3A = arith.constant 1 : i32
        %swap3A_913 = arith.index_cast %swap3A : i32 to index
        %swap3A_914 = arith.index_cast %scan3A_904 : i32 to index
        %swap3A_915 = arith.constant 0 : index
        %swap3A_916 = tpu.vector_load %arg6[%swap3A_913, %swap3A_914, %swap3A_915] {strides = array<i32>} : memref<10x64x128xf32, #tpu.memory_space<vmem>>, vector<1x1x16xf32>,
        %swap3A_917 = vector.shape_cast %swap3A_916 : vector<1x1x16xf32> to vector<16xf32>
        %swap3A_918 = vector.shape_cast %mul3A_912 : vector<16xf32> to vector<1x1x16xf32>
        tpu.vector_store %arg6[%swap3A_913, %swap3A_914, %swap3A_915], %swap3A_918 {strides = array<i32>} : memref<10x64x128xf32, #tpu.memory_space<vmem>>, vector<1x1x16xf32>,
        %get3A_919 = arith.constant 1 : i32
        %get3A_920 = arith.index_cast %get3A_919 : i32 to index
        %get3A_921 = arith.index_cast %scan3A_904 : i32 to index
        %get3A_922 = arith.constant 16 : index
        %get3A_923 = tpu.vector_load %arg6[%get3A_920, %get3A_921, %get3A_922] {strides = array<i32>} : memref<10x64x128xf32, #tpu.memory_space<vmem>>, vector<1x1x16xf32>,
        %get3A_924 = vector.shape_cast %get3A_923 : vector<1x1x16xf32> to vector<16xf32>
        %mul3A_925 = arith.constant 11.3137083 : f32
        %mul3A_926 = vector.broadcast %mul3A_925 : f32 to vector<16xf32>
        %mul3A_927 = arith.mulf %get3A_924, %mul3A_926 : vector<16xf32>
        %swap3A_928 = arith.constant 1 : i32
        %swap3A_929 = arith.index_cast %swap3A_928 : i32 to index
        %swap3A_930 = arith.index_cast %scan3A_904 : i32 to index
        %swap3A_931 = arith.constant 16 : index
        %swap3A_932 = tpu.vector_load %arg6[%swap3A_929, %swap3A_930, %swap3A_931] {strides = array<i32>} : memref<10x64x128xf32, #tpu.memory_space<vmem>>, vector<1x1x16xf32>,
        %swap3A_933 = vector.shape_cast %swap3A_932 : vector<1x1x16xf32> to vector<16xf32>
        %swap3A_934 = vector.shape_cast %mul3A_927 : vector<16xf32> to vector<1x1x16xf32>
        tpu.vector_store %arg6[%swap3A_929, %swap3A_930, %swap3A_931], %swap3A_934 {strides = array<i32>} : memref<10x64x128xf32, #tpu.memory_space<vmem>>, vector<1x1x16xf32>,
        %get3A_935 = arith.constant 1 : i32
        %get3A_936 = arith.index_cast %get3A_935 : i32 to index
        %get3A_937 = arith.index_cast %scan3A_904 : i32 to index
        %get3A_938 = arith.constant 32 : index
        %get3A_939 = tpu.vector_load %arg6[%get3A_936, %get3A_937, %get3A_938] {strides = array<i32>} : memref<10x64x128xf32, #tpu.memory_space<vmem>>, vector<1x1x16xf32>,
        %get3A_940 = vector.shape_cast %get3A_939 : vector<1x1x16xf32> to vector<16xf32>
        %mul3A_941 = arith.constant 11.3137083 : f32
        %mul3A_942 = vector.broadcast %mul3A_941 : f32 to vector<16xf32>
        %mul3A_943 = arith.mulf %get3A_940, %mul3A_942 : vector<16xf32>
        %swap3A_944 = arith.constant 1 : i32
        %swap3A_945 = arith.index_cast %swap3A_944 : i32 to index
        %swap3A_946 = arith.index_cast %scan3A_904 : i32 to index
        %swap3A_947 = arith.constant 32 : index
        %swap3A_948 = tpu.vector_load %arg6[%swap3A_945, %swap3A_946, %swap3A_947] {strides = array<i32>} : memref<10x64x128xf32, #tpu.memory_space<vmem>>, vector<1x1x16xf32>,
        %swap3A_949 = vector.shape_cast %swap3A_948 : vector<1x1x16xf32> to vector<16xf32>
        %swap3A_950 = vector.shape_cast %mul3A_943 : vector<16xf32> to vector<1x1x16xf32>
        tpu.vector_store %arg6[%swap3A_945, %swap3A_946, %swap3A_947], %swap3A_950 {strides = array<i32>} : memref<10x64x128xf32, #tpu.memory_space<vmem>>, vector<1x1x16xf32>,
        %get3A_951 = arith.constant 1 : i32
        %get3A_952 = arith.index_cast %get3A_951 : i32 to index
        %get3A_953 = arith.index_cast %scan3A_904 : i32 to index
        %get3A_954 = arith.constant 48 : index
        %get3A_955 = tpu.vector_load %arg6[%get3A_952, %get3A_953, %get3A_954] {strides = array<i32>} : memref<10x64x128xf32, #tpu.memory_space<vmem>>, vector<1x1x16xf32>,
        %get3A_956 = vector.shape_cast %get3A_955 : vector<1x1x16xf32> to vector<16xf32>
        %mul3A_957 = arith.constant 11.3137083 : f32
        %mul3A_958 = vector.broadcast %mul3A_957 : f32 to vector<16xf32>
        %mul3A_959 = arith.mulf %get3A_956, %mul3A_958 : vector<16xf32>
        %swap3A_960 = arith.constant 1 : i32
        %swap3A_961 = arith.index_cast %swap3A_960 : i32 to index
        %swap3A_962 = arith.index_cast %scan3A_904 : i32 to index
        %swap3A_963 = arith.constant 48 : index
        %swap3A_964 = tpu.vector_load %arg6[%swap3A_961, %swap3A_962, %swap3A_963] {strides = array<i32>} : memref<10x64x128xf32, #tpu.memory_space<vmem>>, vector<1x1x16xf32>,
        %swap3A_965 = vector.shape_cast %swap3A_964 : vector<1x1x16xf32> to vector<16xf32>
        %swap3A_966 = vector.shape_cast %mul3A_959 : vector<16xf32> to vector<1x1x16xf32>
        tpu.vector_store %arg6[%swap3A_961, %swap3A_962, %swap3A_963], %swap3A_966 {strides = array<i32>} : memref<10x64x128xf32, #tpu.memory_space<vmem>>, vector<1x1x16xf32>,
        %get3A_967 = arith.constant 1 : i32
        %get3A_968 = arith.index_cast %get3A_967 : i32 to index
        %get3A_969 = arith.index_cast %scan3A_904 : i32 to index
        %get3A_970 = arith.constant 64 : index
        %get3A_971 = tpu.vector_load %arg6[%get3A_968, %get3A_969, %get3A_970] {strides = array<i32>} : memref<10x64x128xf32, #tpu.memory_space<vmem>>, vector<1x1x16xf32>,
        %get3A_972 = vector.shape_cast %get3A_971 : vector<1x1x16xf32> to vector<16xf32>
        %mul3A_973 = arith.constant 11.3137083 : f32
        %mul3A_974 = vector.broadcast %mul3A_973 : f32 to vector<16xf32>
        %mul3A_975 = arith.mulf %get3A_972, %mul3A_974 : vector<16xf32>
        %swap3A_976 = arith.constant 1 : i32
        %swap3A_977 = arith.index_cast %swap3A_976 : i32 to index
        %swap3A_978 = arith.index_cast %scan3A_904 : i32 to index
        %swap3A_979 = arith.constant 64 : index
        %swap3A_980 = tpu.vector_load %arg6[%swap3A_977, %swap3A_978, %swap3A_979] {strides = array<i32>} : memref<10x64x128xf32, #tpu.memory_space<vmem>>, vector<1x1x16xf32>,
        %swap3A_981 = vector.shape_cast %swap3A_980 : vector<1x1x16xf32> to vector<16xf32>
        %swap3A_982 = vector.shape_cast %mul3A_975 : vector<16xf32> to vector<1x1x16xf32>
        tpu.vector_store %arg6[%swap3A_977, %swap3A_978, %swap3A_979], %swap3A_982 {strides = array<i32>} : memref<10x64x128xf32, #tpu.memory_space<vmem>>, vector<1x1x16xf32>,
        %get3A_983 = arith.constant 1 : i32
        %get3A_984 = arith.index_cast %get3A_983 : i32 to index
        %get3A_985 = arith.index_cast %scan3A_904 : i32 to index
        %get3A_986 = arith.constant 80 : index
        %get3A_987 = tpu.vector_load %arg6[%get3A_984, %get3A_985, %get3A_986] {strides = array<i32>} : memref<10x64x128xf32, #tpu.memory_space<vmem>>, vector<1x1x16xf32>,
        %get3A_988 = vector.shape_cast %get3A_987 : vector<1x1x16xf32> to vector<16xf32>
        %mul3A_989 = arith.constant 11.3137083 : f32
        %mul3A_990 = vector.broadcast %mul3A_989 : f32 to vector<16xf32>
        %mul3A_991 = arith.mulf %get3A_988, %mul3A_990 : vector<16xf32>
        %swap3A_992 = arith.constant 1 : i32
        %swap3A_993 = arith.index_cast %swap3A_992 : i32 to index
        %swap3A_994 = arith.index_cast %scan3A_904 : i32 to index
        %swap3A_995 = arith.constant 80 : index
        %swap3A_996 = tpu.vector_load %arg6[%swap3A_993, %swap3A_994, %swap3A_995] {strides = array<i32>} : memref<10x64x128xf32, #tpu.memory_space<vmem>>, vector<1x1x16xf32>,
        %swap3A_997 = vector.shape_cast %swap3A_996 : vector<1x1x16xf32> to vector<16xf32>
        %swap3A_998 = vector.shape_cast %mul3A_991 : vector<16xf32> to vector<1x1x16xf32>
        tpu.vector_store %arg6[%swap3A_993, %swap3A_994, %swap3A_995], %swap3A_998 {strides = array<i32>} : memref<10x64x128xf32, #tpu.memory_space<vmem>>, vector<1x1x16xf32>,
        %get3A_999 = arith.constant 1 : i32
        %get3A_1000 = arith.index_cast %get3A_999 : i32 to index
        %get3A_1001 = arith.index_cast %scan3A_904 : i32 to index
        %get3A_1002 = arith.constant 96 : index
        %get3A_1003 = tpu.vector_load %arg6[%get3A_1000, %get3A_1001, %get3A_1002] {strides = array<i32>} : memref<10x64x128xf32, #tpu.memory_space<vmem>>, vector<1x1x16xf32>,
        %get3A_1004 = vector.shape_cast %get3A_1003 : vector<1x1x16xf32> to vector<16xf32>
        %mul3A_1005 = arith.constant 11.3137083 : f32
        %mul3A_1006 = vector.broadcast %mul3A_1005 : f32 to vector<16xf32>
        %mul3A_1007 = arith.mulf %get3A_1004, %mul3A_1006 : vector<16xf32>
        %swap3A_1008 = arith.constant 1 : i32
        %swap3A_1009 = arith.index_cast %swap3A_1008 : i32 to index
        %swap3A_1010 = arith.index_cast %scan3A_904 : i32 to index
        %swap3A_1011 = arith.constant 96 : index
        %swap3A_1012 = tpu.vector_load %arg6[%swap3A_1009, %swap3A_1010, %swap3A_1011] {strides = array<i32>} : memref<10x64x128xf32, #tpu.memory_space<vmem>>, vector<1x1x16xf32>,
        %swap3A_1013 = vector.shape_cast %swap3A_1012 : vector<1x1x16xf32> to vector<16xf32>
        %swap3A_1014 = vector.shape_cast %mul3A_1007 : vector<16xf32> to vector<1x1x16xf32>
        tpu.vector_store %arg6[%swap3A_1009, %swap3A_1010, %swap3A_1011], %swap3A_1014 {strides = array<i32>} : memref<10x64x128xf32, #tpu.memory_space<vmem>>, vector<1x1x16xf32>,
        %get3A_1015 = arith.constant 1 : i32
        %get3A_1016 = arith.index_cast %get3A_1015 : i32 to index
        %get3A_1017 = arith.index_cast %scan3A_904 : i32 to index
        %get3A_1018 = arith.constant 112 : index
        %get3A_1019 = tpu.vector_load %arg6[%get3A_1016, %get3A_1017, %get3A_1018] {strides = array<i32>} : memref<10x64x128xf32, #tpu.memory_space<vmem>>, vector<1x1x16xf32>,
        %get3A_1020 = vector.shape_cast %get3A_1019 : vector<1x1x16xf32> to vector<16xf32>
        %mul3A_1021 = arith.constant 11.3137083 : f32
        %mul3A_1022 = vector.broadcast %mul3A_1021 : f32 to vector<16xf32>
        %mul3A_1023 = arith.mulf %get3A_1020, %mul3A_1022 : vector<16xf32>
        %swap3A_1024 = arith.constant 1 : i32
        %swap3A_1025 = arith.index_cast %swap3A_1024 : i32 to index
        %swap3A_1026 = arith.index_cast %scan3A_904 : i32 to index
        %swap3A_1027 = arith.constant 112 : index
        %swap3A_1028 = tpu.vector_load %arg6[%swap3A_1025, %swap3A_1026, %swap3A_1027] {strides = array<i32>} : memref<10x64x128xf32, #tpu.memory_space<vmem>>, vector<1x1x16xf32>,
        %swap3A_1029 = vector.shape_cast %swap3A_1028 : vector<1x1x16xf32> to vector<16xf32>
        %swap3A_1030 = vector.shape_cast %mul3A_1023 : vector<16xf32> to vector<1x1x16xf32>
        tpu.vector_store %arg6[%swap3A_1025, %swap3A_1026, %swap3A_1027], %swap3A_1030 {strides = array<i32>} : memref<10x64x128xf32, #tpu.memory_space<vmem>>, vector<1x1x16xf32>,
      }
      %scan3A_533 = arith.constant 64 : i32
      %dma_start3A_534 = arith.constant 1 : i32
      %dma_start3A_535 = arith.constant 1 : i32
      %dma_start3A_536 = arith.constant 0 : i32
      %dma_start3A_537 = arith.constant 0 : i32
      %dma_start3A_538 = tpu.memref_slice %arg6[%dma_start3A_534, %dma_start3A_536, %dma_start3A_537] : memref<10x64x128xf32, #tpu.memory_space<vmem>> -> memref<1x64x128xf32, #tpu.memory_space<vmem>>
      %dma_start3A_539 = tpu.memref_squeeze %dma_start3A_538 : memref<1x64x128xf32, #tpu.memory_space<vmem>> -> memref<64x128xf32, #tpu.memory_space<vmem>>
      %dma_start3A_540 = arith.constant 0 : i32
      %dma_start3A_541 = tpu.memref_slice %arg4[%add3A_511, %add3A_513, %dma_start3A_540] : memref<50x4096x128xf32, #tpu.memory_space<hbm>> -> memref<1x64x128xf32, #tpu.memory_space<hbm>>
      %dma_start3A_542 = tpu.memref_squeeze %dma_start3A_541 : memref<1x64x128xf32, #tpu.memory_space<hbm>> -> memref<64x128xf32, #tpu.memory_space<hbm>>
      %dma_start3A_543 = tpu.memref_slice %arg8[%dma_start3A_535] : memref<10x!tpu.dma_semaphore, #tpu.memory_space<semaphore_mem>> -> memref<1x!tpu.dma_semaphore, #tpu.memory_space<semaphore_mem>>
      %dma_start3A_544 = tpu.memref_squeeze %dma_start3A_543 : memref<1x!tpu.dma_semaphore, #tpu.memory_space<semaphore_mem>> -> memref<!tpu.dma_semaphore, #tpu.memory_space<semaphore_mem>>
      %dma_start3A_545 = arith.constant 0 : i32
      %dma_start3A_546 = tpu.memref_slice %arg4[%add3A_511, %add3A_513, %dma_start3A_545] : memref<50x4096x128xf32, #tpu.memory_space<hbm>> -> memref<1x64x128xf32, #tpu.memory_space<hbm>>
      %dma_start3A_547 = tpu.memref_squeeze %dma_start3A_546 : memref<1x64x128xf32, #tpu.memory_space<hbm>> -> memref<64x128xf32, #tpu.memory_space<hbm>>
      %dma_start3A_548 = arith.constant 0 : i32
      %dma_start3A_549 = arith.constant 0 : i32
      %dma_start3A_550 = tpu.memref_slice %arg6[%dma_start3A_534, %dma_start3A_548, %dma_start3A_549] : memref<10x64x128xf32, #tpu.memory_space<vmem>> -> memref<1x64x128xf32, #tpu.memory_space<vmem>>
      %dma_start3A_551 = tpu.memref_squeeze %dma_start3A_550 : memref<1x64x128xf32, #tpu.memory_space<vmem>> -> memref<64x128xf32, #tpu.memory_space<vmem>>
      tpu.enqueue_dma source(%dma_start3A_551 : memref<64x128xf32, #tpu.memory_space<vmem>>) target(%dma_start3A_547 : memref<64x128xf32, #tpu.memory_space<hbm>>) target_semaphore(%dma_start3A_544 : memref<!tpu.dma_semaphore, #tpu.memory_space<semaphore_mem>>)
      %mul3A_552 = arith.constant 5 : i32
      %mul3A_553 = arith.muli %scan3A_217, %mul3A_552 : i32
      %add3A_554 = arith.constant 1 : i32
      %add3A_555 = arith.addi %mul3A_553, %add3A_554 : i32
      %add3A_556 = arith.constant 0 : i32
      %add3A_557 = arith.addi %mul3A_2, %add3A_556 : i32
      %dma_wait3A_558 = arith.constant 2 : i32
      %dma_wait3A_559 = arith.constant 2 : i32
      %dma_wait3A_560 = arith.constant 0 : i32
      %dma_wait3A_561 = arith.constant 0 : i32
      %dma_wait3A_562 = tpu.memref_slice %arg6[%dma_wait3A_558, %dma_wait3A_560, %dma_wait3A_561] : memref<10x64x128xf32, #tpu.memory_space<vmem>> -> memref<1x64x128xf32, #tpu.memory_space<vmem>>
      %dma_wait3A_563 = tpu.memref_squeeze %dma_wait3A_562 : memref<1x64x128xf32, #tpu.memory_space<vmem>> -> memref<64x128xf32, #tpu.memory_space<vmem>>
      %dma_wait3A_564 = arith.constant 0 : i32
      %dma_wait3A_565 = tpu.memref_slice %arg5[%add3A_555, %dma_wait3A_564] : memref<50x128xi32, #tpu.memory_space<vmem>> -> memref<1x64xi32, #tpu.memory_space<vmem>>
      %dma_wait3A_566 = tpu.memref_squeeze %dma_wait3A_565 : memref<1x64xi32, #tpu.memory_space<vmem>> -> memref<64xi32, #tpu.memory_space<vmem>>
      %dma_wait3A_567 = arith.constant 0 : i32
      %dma_wait3A_568 = arith.constant 0 : i32
      %dma_wait3A_569 = tpu.memref_slice %arg3[%dma_wait3A_567, %dma_wait3A_568] : memref<100000x128xf32, #tpu.memory_space<hbm>> -> memref<100000x128xf32, #tpu.memory_space<hbm>>
      %dma_wait3A_570 = tpu.memref_slice %arg7[%dma_wait3A_559] : memref<10x!tpu.dma_semaphore, #tpu.memory_space<semaphore_mem>> -> memref<1x!tpu.dma_semaphore, #tpu.memory_space<semaphore_mem>>
      %dma_wait3A_571 = tpu.memref_squeeze %dma_wait3A_570 : memref<1x!tpu.dma_semaphore, #tpu.memory_space<semaphore_mem>> -> memref<!tpu.dma_semaphore, #tpu.memory_space<semaphore_mem>>
      tpu.wait_indirect_dma semaphore(%dma_wait3A_571 : memref<!tpu.dma_semaphore, #tpu.memory_space<semaphore_mem>>) src(%dma_wait3A_569 : memref<100000x128xf32, #tpu.memory_space<hbm>>) dst(%dma_wait3A_563 : memref<64x128xf32, #tpu.memory_space<vmem>>)
      %scan3A_572 = arith.constant 0 : i32
      %scan3A_573 = arith.constant 0 : i32
      %scan3A_574 = arith.constant 64 : i32
      %scan3A_575 = arith.addi %scan3A_573, %scan3A_574 : i32
      %scan3A_576 = arith.constant 1 : i32
      scf.for %scan3A_904 = %scan3A_573 to %scan3A_575 step %scan3A_576  : i32 {
        %get3A = arith.constant 2 : i32
        %get3A_905 = arith.index_cast %get3A : i32 to index
        %get3A_906 = arith.index_cast %scan3A_904 : i32 to index
        %get3A_907 = arith.constant 0 : index
        %get3A_908 = tpu.vector_load %arg6[%get3A_905, %get3A_906, %get3A_907] {strides = array<i32>} : memref<10x64x128xf32, #tpu.memory_space<vmem>>, vector<1x1x16xf32>,
        %get3A_909 = vector.shape_cast %get3A_908 : vector<1x1x16xf32> to vector<16xf32>
        %mul3A_910 = arith.constant 11.3137083 : f32
        %mul3A_911 = vector.broadcast %mul3A_910 : f32 to vector<16xf32>
        %mul3A_912 = arith.mulf %get3A_909, %mul3A_911 : vector<16xf32>
        %swap3A = arith.constant 2 : i32
        %swap3A_913 = arith.index_cast %swap3A : i32 to index
        %swap3A_914 = arith.index_cast %scan3A_904 : i32 to index
        %swap3A_915 = arith.constant 0 : index
        %swap3A_916 = tpu.vector_load %arg6[%swap3A_913, %swap3A_914, %swap3A_915] {strides = array<i32>} : memref<10x64x128xf32, #tpu.memory_space<vmem>>, vector<1x1x16xf32>,
        %swap3A_917 = vector.shape_cast %swap3A_916 : vector<1x1x16xf32> to vector<16xf32>
        %swap3A_918 = vector.shape_cast %mul3A_912 : vector<16xf32> to vector<1x1x16xf32>
        tpu.vector_store %arg6[%swap3A_913, %swap3A_914, %swap3A_915], %swap3A_918 {strides = array<i32>} : memref<10x64x128xf32, #tpu.memory_space<vmem>>, vector<1x1x16xf32>,
        %get3A_919 = arith.constant 2 : i32
        %get3A_920 = arith.index_cast %get3A_919 : i32 to index
        %get3A_921 = arith.index_cast %scan3A_904 : i32 to index
        %get3A_922 = arith.constant 16 : index
        %get3A_923 = tpu.vector_load %arg6[%get3A_920, %get3A_921, %get3A_922] {strides = array<i32>} : memref<10x64x128xf32, #tpu.memory_space<vmem>>, vector<1x1x16xf32>,
        %get3A_924 = vector.shape_cast %get3A_923 : vector<1x1x16xf32> to vector<16xf32>
        %mul3A_925 = arith.constant 11.3137083 : f32
        %mul3A_926 = vector.broadcast %mul3A_925 : f32 to vector<16xf32>
        %mul3A_927 = arith.mulf %get3A_924, %mul3A_926 : vector<16xf32>
        %swap3A_928 = arith.constant 2 : i32
        %swap3A_929 = arith.index_cast %swap3A_928 : i32 to index
        %swap3A_930 = arith.index_cast %scan3A_904 : i32 to index
        %swap3A_931 = arith.constant 16 : index
        %swap3A_932 = tpu.vector_load %arg6[%swap3A_929, %swap3A_930, %swap3A_931] {strides = array<i32>} : memref<10x64x128xf32, #tpu.memory_space<vmem>>, vector<1x1x16xf32>,
        %swap3A_933 = vector.shape_cast %swap3A_932 : vector<1x1x16xf32> to vector<16xf32>
        %swap3A_934 = vector.shape_cast %mul3A_927 : vector<16xf32> to vector<1x1x16xf32>
        tpu.vector_store %arg6[%swap3A_929, %swap3A_930, %swap3A_931], %swap3A_934 {strides = array<i32>} : memref<10x64x128xf32, #tpu.memory_space<vmem>>, vector<1x1x16xf32>,
        %get3A_935 = arith.constant 2 : i32
        %get3A_936 = arith.index_cast %get3A_935 : i32 to index
        %get3A_937 = arith.index_cast %scan3A_904 : i32 to index
        %get3A_938 = arith.constant 32 : index
        %get3A_939 = tpu.vector_load %arg6[%get3A_936, %get3A_937, %get3A_938] {strides = array<i32>} : memref<10x64x128xf32, #tpu.memory_space<vmem>>, vector<1x1x16xf32>,
        %get3A_940 = vector.shape_cast %get3A_939 : vector<1x1x16xf32> to vector<16xf32>
        %mul3A_941 = arith.constant 11.3137083 : f32
        %mul3A_942 = vector.broadcast %mul3A_941 : f32 to vector<16xf32>
        %mul3A_943 = arith.mulf %get3A_940, %mul3A_942 : vector<16xf32>
        %swap3A_944 = arith.constant 2 : i32
        %swap3A_945 = arith.index_cast %swap3A_944 : i32 to index
        %swap3A_946 = arith.index_cast %scan3A_904 : i32 to index
        %swap3A_947 = arith.constant 32 : index
        %swap3A_948 = tpu.vector_load %arg6[%swap3A_945, %swap3A_946, %swap3A_947] {strides = array<i32>} : memref<10x64x128xf32, #tpu.memory_space<vmem>>, vector<1x1x16xf32>,
        %swap3A_949 = vector.shape_cast %swap3A_948 : vector<1x1x16xf32> to vector<16xf32>
        %swap3A_950 = vector.shape_cast %mul3A_943 : vector<16xf32> to vector<1x1x16xf32>
        tpu.vector_store %arg6[%swap3A_945, %swap3A_946, %swap3A_947], %swap3A_950 {strides = array<i32>} : memref<10x64x128xf32, #tpu.memory_space<vmem>>, vector<1x1x16xf32>,
        %get3A_951 = arith.constant 2 : i32
        %get3A_952 = arith.index_cast %get3A_951 : i32 to index
        %get3A_953 = arith.index_cast %scan3A_904 : i32 to index
        %get3A_954 = arith.constant 48 : index
        %get3A_955 = tpu.vector_load %arg6[%get3A_952, %get3A_953, %get3A_954] {strides = array<i32>} : memref<10x64x128xf32, #tpu.memory_space<vmem>>, vector<1x1x16xf32>,
        %get3A_956 = vector.shape_cast %get3A_955 : vector<1x1x16xf32> to vector<16xf32>
        %mul3A_957 = arith.constant 11.3137083 : f32
        %mul3A_958 = vector.broadcast %mul3A_957 : f32 to vector<16xf32>
        %mul3A_959 = arith.mulf %get3A_956, %mul3A_958 : vector<16xf32>
        %swap3A_960 = arith.constant 2 : i32
        %swap3A_961 = arith.index_cast %swap3A_960 : i32 to index
        %swap3A_962 = arith.index_cast %scan3A_904 : i32 to index
        %swap3A_963 = arith.constant 48 : index
        %swap3A_964 = tpu.vector_load %arg6[%swap3A_961, %swap3A_962, %swap3A_963] {strides = array<i32>} : memref<10x64x128xf32, #tpu.memory_space<vmem>>, vector<1x1x16xf32>,
        %swap3A_965 = vector.shape_cast %swap3A_964 : vector<1x1x16xf32> to vector<16xf32>
        %swap3A_966 = vector.shape_cast %mul3A_959 : vector<16xf32> to vector<1x1x16xf32>
        tpu.vector_store %arg6[%swap3A_961, %swap3A_962, %swap3A_963], %swap3A_966 {strides = array<i32>} : memref<10x64x128xf32, #tpu.memory_space<vmem>>, vector<1x1x16xf32>,
        %get3A_967 = arith.constant 2 : i32
        %get3A_968 = arith.index_cast %get3A_967 : i32 to index
        %get3A_969 = arith.index_cast %scan3A_904 : i32 to index
        %get3A_970 = arith.constant 64 : index
        %get3A_971 = tpu.vector_load %arg6[%get3A_968, %get3A_969, %get3A_970] {strides = array<i32>} : memref<10x64x128xf32, #tpu.memory_space<vmem>>, vector<1x1x16xf32>,
        %get3A_972 = vector.shape_cast %get3A_971 : vector<1x1x16xf32> to vector<16xf32>
        %mul3A_973 = arith.constant 11.3137083 : f32
        %mul3A_974 = vector.broadcast %mul3A_973 : f32 to vector<16xf32>
        %mul3A_975 = arith.mulf %get3A_972, %mul3A_974 : vector<16xf32>
        %swap3A_976 = arith.constant 2 : i32
        %swap3A_977 = arith.index_cast %swap3A_976 : i32 to index
        %swap3A_978 = arith.index_cast %scan3A_904 : i32 to index
        %swap3A_979 = arith.constant 64 : index
        %swap3A_980 = tpu.vector_load %arg6[%swap3A_977, %swap3A_978, %swap3A_979] {strides = array<i32>} : memref<10x64x128xf32, #tpu.memory_space<vmem>>, vector<1x1x16xf32>,
        %swap3A_981 = vector.shape_cast %swap3A_980 : vector<1x1x16xf32> to vector<16xf32>
        %swap3A_982 = vector.shape_cast %mul3A_975 : vector<16xf32> to vector<1x1x16xf32>
        tpu.vector_store %arg6[%swap3A_977, %swap3A_978, %swap3A_979], %swap3A_982 {strides = array<i32>} : memref<10x64x128xf32, #tpu.memory_space<vmem>>, vector<1x1x16xf32>,
        %get3A_983 = arith.constant 2 : i32
        %get3A_984 = arith.index_cast %get3A_983 : i32 to index
        %get3A_985 = arith.index_cast %scan3A_904 : i32 to index
        %get3A_986 = arith.constant 80 : index
        %get3A_987 = tpu.vector_load %arg6[%get3A_984, %get3A_985, %get3A_986] {strides = array<i32>} : memref<10x64x128xf32, #tpu.memory_space<vmem>>, vector<1x1x16xf32>,
        %get3A_988 = vector.shape_cast %get3A_987 : vector<1x1x16xf32> to vector<16xf32>
        %mul3A_989 = arith.constant 11.3137083 : f32
        %mul3A_990 = vector.broadcast %mul3A_989 : f32 to vector<16xf32>
        %mul3A_991 = arith.mulf %get3A_988, %mul3A_990 : vector<16xf32>
        %swap3A_992 = arith.constant 2 : i32
        %swap3A_993 = arith.index_cast %swap3A_992 : i32 to index
        %swap3A_994 = arith.index_cast %scan3A_904 : i32 to index
        %swap3A_995 = arith.constant 80 : index
        %swap3A_996 = tpu.vector_load %arg6[%swap3A_993, %swap3A_994, %swap3A_995] {strides = array<i32>} : memref<10x64x128xf32, #tpu.memory_space<vmem>>, vector<1x1x16xf32>,
        %swap3A_997 = vector.shape_cast %swap3A_996 : vector<1x1x16xf32> to vector<16xf32>
        %swap3A_998 = vector.shape_cast %mul3A_991 : vector<16xf32> to vector<1x1x16xf32>
        tpu.vector_store %arg6[%swap3A_993, %swap3A_994, %swap3A_995], %swap3A_998 {strides = array<i32>} : memref<10x64x128xf32, #tpu.memory_space<vmem>>, vector<1x1x16xf32>,
        %get3A_999 = arith.constant 2 : i32
        %get3A_1000 = arith.index_cast %get3A_999 : i32 to index
        %get3A_1001 = arith.index_cast %scan3A_904 : i32 to index
        %get3A_1002 = arith.constant 96 : index
        %get3A_1003 = tpu.vector_load %arg6[%get3A_1000, %get3A_1001, %get3A_1002] {strides = array<i32>} : memref<10x64x128xf32, #tpu.memory_space<vmem>>, vector<1x1x16xf32>,
        %get3A_1004 = vector.shape_cast %get3A_1003 : vector<1x1x16xf32> to vector<16xf32>
        %mul3A_1005 = arith.constant 11.3137083 : f32
        %mul3A_1006 = vector.broadcast %mul3A_1005 : f32 to vector<16xf32>
        %mul3A_1007 = arith.mulf %get3A_1004, %mul3A_1006 : vector<16xf32>
        %swap3A_1008 = arith.constant 2 : i32
        %swap3A_1009 = arith.index_cast %swap3A_1008 : i32 to index
        %swap3A_1010 = arith.index_cast %scan3A_904 : i32 to index
        %swap3A_1011 = arith.constant 96 : index
        %swap3A_1012 = tpu.vector_load %arg6[%swap3A_1009, %swap3A_1010, %swap3A_1011] {strides = array<i32>} : memref<10x64x128xf32, #tpu.memory_space<vmem>>, vector<1x1x16xf32>,
        %swap3A_1013 = vector.shape_cast %swap3A_1012 : vector<1x1x16xf32> to vector<16xf32>
        %swap3A_1014 = vector.shape_cast %mul3A_1007 : vector<16xf32> to vector<1x1x16xf32>
        tpu.vector_store %arg6[%swap3A_1009, %swap3A_1010, %swap3A_1011], %swap3A_1014 {strides = array<i32>} : memref<10x64x128xf32, #tpu.memory_space<vmem>>, vector<1x1x16xf32>,
        %get3A_1015 = arith.constant 2 : i32
        %get3A_1016 = arith.index_cast %get3A_1015 : i32 to index
        %get3A_1017 = arith.index_cast %scan3A_904 : i32 to index
        %get3A_1018 = arith.constant 112 : index
        %get3A_1019 = tpu.vector_load %arg6[%get3A_1016, %get3A_1017, %get3A_1018] {strides = array<i32>} : memref<10x64x128xf32, #tpu.memory_space<vmem>>, vector<1x1x16xf32>,
        %get3A_1020 = vector.shape_cast %get3A_1019 : vector<1x1x16xf32> to vector<16xf32>
        %mul3A_1021 = arith.constant 11.3137083 : f32
        %mul3A_1022 = vector.broadcast %mul3A_1021 : f32 to vector<16xf32>
        %mul3A_1023 = arith.mulf %get3A_1020, %mul3A_1022 : vector<16xf32>
        %swap3A_1024 = arith.constant 2 : i32
        %swap3A_1025 = arith.index_cast %swap3A_1024 : i32 to index
        %swap3A_1026 = arith.index_cast %scan3A_904 : i32 to index
        %swap3A_1027 = arith.constant 112 : index
        %swap3A_1028 = tpu.vector_load %arg6[%swap3A_1025, %swap3A_1026, %swap3A_1027] {strides = array<i32>} : memref<10x64x128xf32, #tpu.memory_space<vmem>>, vector<1x1x16xf32>,
        %swap3A_1029 = vector.shape_cast %swap3A_1028 : vector<1x1x16xf32> to vector<16xf32>
        %swap3A_1030 = vector.shape_cast %mul3A_1023 : vector<16xf32> to vector<1x1x16xf32>
        tpu.vector_store %arg6[%swap3A_1025, %swap3A_1026, %swap3A_1027], %swap3A_1030 {strides = array<i32>} : memref<10x64x128xf32, #tpu.memory_space<vmem>>, vector<1x1x16xf32>,
      }
      %scan3A_577 = arith.constant 64 : i32
      %dma_start3A_578 = arith.constant 2 : i32
      %dma_start3A_579 = arith.constant 2 : i32
      %dma_start3A_580 = arith.constant 0 : i32
      %dma_start3A_581 = arith.constant 0 : i32
      %dma_start3A_582 = tpu.memref_slice %arg6[%dma_start3A_578, %dma_start3A_580, %dma_start3A_581] : memref<10x64x128xf32, #tpu.memory_space<vmem>> -> memref<1x64x128xf32, #tpu.memory_space<vmem>>
      %dma_start3A_583 = tpu.memref_squeeze %dma_start3A_582 : memref<1x64x128xf32, #tpu.memory_space<vmem>> -> memref<64x128xf32, #tpu.memory_space<vmem>>
      %dma_start3A_584 = arith.constant 0 : i32
      %dma_start3A_585 = tpu.memref_slice %arg4[%add3A_555, %add3A_557, %dma_start3A_584] : memref<50x4096x128xf32, #tpu.memory_space<hbm>> -> memref<1x64x128xf32, #tpu.memory_space<hbm>>
      %dma_start3A_586 = tpu.memref_squeeze %dma_start3A_585 : memref<1x64x128xf32, #tpu.memory_space<hbm>> -> memref<64x128xf32, #tpu.memory_space<hbm>>
      %dma_start3A_587 = tpu.memref_slice %arg8[%dma_start3A_579] : memref<10x!tpu.dma_semaphore, #tpu.memory_space<semaphore_mem>> -> memref<1x!tpu.dma_semaphore, #tpu.memory_space<semaphore_mem>>
      %dma_start3A_588 = tpu.memref_squeeze %dma_start3A_587 : memref<1x!tpu.dma_semaphore, #tpu.memory_space<semaphore_mem>> -> memref<!tpu.dma_semaphore, #tpu.memory_space<semaphore_mem>>
      %dma_start3A_589 = arith.constant 0 : i32
      %dma_start3A_590 = tpu.memref_slice %arg4[%add3A_555, %add3A_557, %dma_start3A_589] : memref<50x4096x128xf32, #tpu.memory_space<hbm>> -> memref<1x64x128xf32, #tpu.memory_space<hbm>>
      %dma_start3A_591 = tpu.memref_squeeze %dma_start3A_590 : memref<1x64x128xf32, #tpu.memory_space<hbm>> -> memref<64x128xf32, #tpu.memory_space<hbm>>
      %dma_start3A_592 = arith.constant 0 : i32
      %dma_start3A_593 = arith.constant 0 : i32
      %dma_start3A_594 = tpu.memref_slice %arg6[%dma_start3A_578, %dma_start3A_592, %dma_start3A_593] : memref<10x64x128xf32, #tpu.memory_space<vmem>> -> memref<1x64x128xf32, #tpu.memory_space<vmem>>
      %dma_start3A_595 = tpu.memref_squeeze %dma_start3A_594 : memref<1x64x128xf32, #tpu.memory_space<vmem>> -> memref<64x128xf32, #tpu.memory_space<vmem>>
      tpu.enqueue_dma source(%dma_start3A_595 : memref<64x128xf32, #tpu.memory_space<vmem>>) target(%dma_start3A_591 : memref<64x128xf32, #tpu.memory_space<hbm>>) target_semaphore(%dma_start3A_588 : memref<!tpu.dma_semaphore, #tpu.memory_space<semaphore_mem>>)
      %mul3A_596 = arith.constant 5 : i32
      %mul3A_597 = arith.muli %scan3A_217, %mul3A_596 : i32
      %add3A_598 = arith.constant 1 : i32
      %add3A_599 = arith.addi %mul3A_597, %add3A_598 : i32
      %add3A_600 = arith.constant 64 : i32
      %add3A_601 = arith.addi %mul3A_2, %add3A_600 : i32
      %dma_wait3A_602 = arith.constant 3 : i32
      %dma_wait3A_603 = arith.constant 3 : i32
      %dma_wait3A_604 = arith.constant 0 : i32
      %dma_wait3A_605 = arith.constant 0 : i32
      %dma_wait3A_606 = tpu.memref_slice %arg6[%dma_wait3A_602, %dma_wait3A_604, %dma_wait3A_605] : memref<10x64x128xf32, #tpu.memory_space<vmem>> -> memref<1x64x128xf32, #tpu.memory_space<vmem>>
      %dma_wait3A_607 = tpu.memref_squeeze %dma_wait3A_606 : memref<1x64x128xf32, #tpu.memory_space<vmem>> -> memref<64x128xf32, #tpu.memory_space<vmem>>
      %dma_wait3A_608 = arith.constant 64 : i32
      %dma_wait3A_609 = tpu.memref_slice %arg5[%add3A_599, %dma_wait3A_608] : memref<50x128xi32, #tpu.memory_space<vmem>> -> memref<1x64xi32, #tpu.memory_space<vmem>>
      %dma_wait3A_610 = tpu.memref_squeeze %dma_wait3A_609 : memref<1x64xi32, #tpu.memory_space<vmem>> -> memref<64xi32, #tpu.memory_space<vmem>>
      %dma_wait3A_611 = arith.constant 0 : i32
      %dma_wait3A_612 = arith.constant 0 : i32
      %dma_wait3A_613 = tpu.memref_slice %arg3[%dma_wait3A_611, %dma_wait3A_612] : memref<100000x128xf32, #tpu.memory_space<hbm>> -> memref<100000x128xf32, #tpu.memory_space<hbm>>
      %dma_wait3A_614 = tpu.memref_slice %arg7[%dma_wait3A_603] : memref<10x!tpu.dma_semaphore, #tpu.memory_space<semaphore_mem>> -> memref<1x!tpu.dma_semaphore, #tpu.memory_space<semaphore_mem>>
      %dma_wait3A_615 = tpu.memref_squeeze %dma_wait3A_614 : memref<1x!tpu.dma_semaphore, #tpu.memory_space<semaphore_mem>> -> memref<!tpu.dma_semaphore, #tpu.memory_space<semaphore_mem>>
      tpu.wait_indirect_dma semaphore(%dma_wait3A_615 : memref<!tpu.dma_semaphore, #tpu.memory_space<semaphore_mem>>) src(%dma_wait3A_613 : memref<100000x128xf32, #tpu.memory_space<hbm>>) dst(%dma_wait3A_607 : memref<64x128xf32, #tpu.memory_space<vmem>>)
      %scan3A_616 = arith.constant 0 : i32
      %scan3A_617 = arith.constant 0 : i32
      %scan3A_618 = arith.constant 64 : i32
      %scan3A_619 = arith.addi %scan3A_617, %scan3A_618 : i32
      %scan3A_620 = arith.constant 1 : i32
      scf.for %scan3A_904 = %scan3A_617 to %scan3A_619 step %scan3A_620  : i32 {
        %get3A = arith.constant 3 : i32
        %get3A_905 = arith.index_cast %get3A : i32 to index
        %get3A_906 = arith.index_cast %scan3A_904 : i32 to index
        %get3A_907 = arith.constant 0 : index
        %get3A_908 = tpu.vector_load %arg6[%get3A_905, %get3A_906, %get3A_907] {strides = array<i32>} : memref<10x64x128xf32, #tpu.memory_space<vmem>>, vector<1x1x16xf32>,
        %get3A_909 = vector.shape_cast %get3A_908 : vector<1x1x16xf32> to vector<16xf32>
        %mul3A_910 = arith.constant 11.3137083 : f32
        %mul3A_911 = vector.broadcast %mul3A_910 : f32 to vector<16xf32>
        %mul3A_912 = arith.mulf %get3A_909, %mul3A_911 : vector<16xf32>
        %swap3A = arith.constant 3 : i32
        %swap3A_913 = arith.index_cast %swap3A : i32 to index
        %swap3A_914 = arith.index_cast %scan3A_904 : i32 to index
        %swap3A_915 = arith.constant 0 : index
        %swap3A_916 = tpu.vector_load %arg6[%swap3A_913, %swap3A_914, %swap3A_915] {strides = array<i32>} : memref<10x64x128xf32, #tpu.memory_space<vmem>>, vector<1x1x16xf32>,
        %swap3A_917 = vector.shape_cast %swap3A_916 : vector<1x1x16xf32> to vector<16xf32>
        %swap3A_918 = vector.shape_cast %mul3A_912 : vector<16xf32> to vector<1x1x16xf32>
        tpu.vector_store %arg6[%swap3A_913, %swap3A_914, %swap3A_915], %swap3A_918 {strides = array<i32>} : memref<10x64x128xf32, #tpu.memory_space<vmem>>, vector<1x1x16xf32>,
        %get3A_919 = arith.constant 3 : i32
        %get3A_920 = arith.index_cast %get3A_919 : i32 to index
        %get3A_921 = arith.index_cast %scan3A_904 : i32 to index
        %get3A_922 = arith.constant 16 : index
        %get3A_923 = tpu.vector_load %arg6[%get3A_920, %get3A_921, %get3A_922] {strides = array<i32>} : memref<10x64x128xf32, #tpu.memory_space<vmem>>, vector<1x1x16xf32>,
        %get3A_924 = vector.shape_cast %get3A_923 : vector<1x1x16xf32> to vector<16xf32>
        %mul3A_925 = arith.constant 11.3137083 : f32
        %mul3A_926 = vector.broadcast %mul3A_925 : f32 to vector<16xf32>
        %mul3A_927 = arith.mulf %get3A_924, %mul3A_926 : vector<16xf32>
        %swap3A_928 = arith.constant 3 : i32
        %swap3A_929 = arith.index_cast %swap3A_928 : i32 to index
        %swap3A_930 = arith.index_cast %scan3A_904 : i32 to index
        %swap3A_931 = arith.constant 16 : index
        %swap3A_932 = tpu.vector_load %arg6[%swap3A_929, %swap3A_930, %swap3A_931] {strides = array<i32>} : memref<10x64x128xf32, #tpu.memory_space<vmem>>, vector<1x1x16xf32>,
        %swap3A_933 = vector.shape_cast %swap3A_932 : vector<1x1x16xf32> to vector<16xf32>
        %swap3A_934 = vector.shape_cast %mul3A_927 : vector<16xf32> to vector<1x1x16xf32>
        tpu.vector_store %arg6[%swap3A_929, %swap3A_930, %swap3A_931], %swap3A_934 {strides = array<i32>} : memref<10x64x128xf32, #tpu.memory_space<vmem>>, vector<1x1x16xf32>,
        %get3A_935 = arith.constant 3 : i32
        %get3A_936 = arith.index_cast %get3A_935 : i32 to index
        %get3A_937 = arith.index_cast %scan3A_904 : i32 to index
        %get3A_938 = arith.constant 32 : index
        %get3A_939 = tpu.vector_load %arg6[%get3A_936, %get3A_937, %get3A_938] {strides = array<i32>} : memref<10x64x128xf32, #tpu.memory_space<vmem>>, vector<1x1x16xf32>,
        %get3A_940 = vector.shape_cast %get3A_939 : vector<1x1x16xf32> to vector<16xf32>
        %mul3A_941 = arith.constant 11.3137083 : f32
        %mul3A_942 = vector.broadcast %mul3A_941 : f32 to vector<16xf32>
        %mul3A_943 = arith.mulf %get3A_940, %mul3A_942 : vector<16xf32>
        %swap3A_944 = arith.constant 3 : i32
        %swap3A_945 = arith.index_cast %swap3A_944 : i32 to index
        %swap3A_946 = arith.index_cast %scan3A_904 : i32 to index
        %swap3A_947 = arith.constant 32 : index
        %swap3A_948 = tpu.vector_load %arg6[%swap3A_945, %swap3A_946, %swap3A_947] {strides = array<i32>} : memref<10x64x128xf32, #tpu.memory_space<vmem>>, vector<1x1x16xf32>,
        %swap3A_949 = vector.shape_cast %swap3A_948 : vector<1x1x16xf32> to vector<16xf32>
        %swap3A_950 = vector.shape_cast %mul3A_943 : vector<16xf32> to vector<1x1x16xf32>
        tpu.vector_store %arg6[%swap3A_945, %swap3A_946, %swap3A_947], %swap3A_950 {strides = array<i32>} : memref<10x64x128xf32, #tpu.memory_space<vmem>>, vector<1x1x16xf32>,
        %get3A_951 = arith.constant 3 : i32
        %get3A_952 = arith.index_cast %get3A_951 : i32 to index
        %get3A_953 = arith.index_cast %scan3A_904 : i32 to index
        %get3A_954 = arith.constant 48 : index
        %get3A_955 = tpu.vector_load %arg6[%get3A_952, %get3A_953, %get3A_954] {strides = array<i32>} : memref<10x64x128xf32, #tpu.memory_space<vmem>>, vector<1x1x16xf32>,
        %get3A_956 = vector.shape_cast %get3A_955 : vector<1x1x16xf32> to vector<16xf32>
        %mul3A_957 = arith.constant 11.3137083 : f32
        %mul3A_958 = vector.broadcast %mul3A_957 : f32 to vector<16xf32>
        %mul3A_959 = arith.mulf %get3A_956, %mul3A_958 : vector<16xf32>
        %swap3A_960 = arith.constant 3 : i32
        %swap3A_961 = arith.index_cast %swap3A_960 : i32 to index
        %swap3A_962 = arith.index_cast %scan3A_904 : i32 to index
        %swap3A_963 = arith.constant 48 : index
        %swap3A_964 = tpu.vector_load %arg6[%swap3A_961, %swap3A_962, %swap3A_963] {strides = array<i32>} : memref<10x64x128xf32, #tpu.memory_space<vmem>>, vector<1x1x16xf32>,
        %swap3A_965 = vector.shape_cast %swap3A_964 : vector<1x1x16xf32> to vector<16xf32>
        %swap3A_966 = vector.shape_cast %mul3A_959 : vector<16xf32> to vector<1x1x16xf32>
        tpu.vector_store %arg6[%swap3A_961, %swap3A_962, %swap3A_963], %swap3A_966 {strides = array<i32>} : memref<10x64x128xf32, #tpu.memory_space<vmem>>, vector<1x1x16xf32>,
        %get3A_967 = arith.constant 3 : i32
        %get3A_968 = arith.index_cast %get3A_967 : i32 to index
        %get3A_969 = arith.index_cast %scan3A_904 : i32 to index
        %get3A_970 = arith.constant 64 : index
        %get3A_971 = tpu.vector_load %arg6[%get3A_968, %get3A_969, %get3A_970] {strides = array<i32>} : memref<10x64x128xf32, #tpu.memory_space<vmem>>, vector<1x1x16xf32>,
        %get3A_972 = vector.shape_cast %get3A_971 : vector<1x1x16xf32> to vector<16xf32>
        %mul3A_973 = arith.constant 11.3137083 : f32
        %mul3A_974 = vector.broadcast %mul3A_973 : f32 to vector<16xf32>
        %mul3A_975 = arith.mulf %get3A_972, %mul3A_974 : vector<16xf32>
        %swap3A_976 = arith.constant 3 : i32
        %swap3A_977 = arith.index_cast %swap3A_976 : i32 to index
        %swap3A_978 = arith.index_cast %scan3A_904 : i32 to index
        %swap3A_979 = arith.constant 64 : index
        %swap3A_980 = tpu.vector_load %arg6[%swap3A_977, %swap3A_978, %swap3A_979] {strides = array<i32>} : memref<10x64x128xf32, #tpu.memory_space<vmem>>, vector<1x1x16xf32>,
        %swap3A_981 = vector.shape_cast %swap3A_980 : vector<1x1x16xf32> to vector<16xf32>
        %swap3A_982 = vector.shape_cast %mul3A_975 : vector<16xf32> to vector<1x1x16xf32>
        tpu.vector_store %arg6[%swap3A_977, %swap3A_978, %swap3A_979], %swap3A_982 {strides = array<i32>} : memref<10x64x128xf32, #tpu.memory_space<vmem>>, vector<1x1x16xf32>,
        %get3A_983 = arith.constant 3 : i32
        %get3A_984 = arith.index_cast %get3A_983 : i32 to index
        %get3A_985 = arith.index_cast %scan3A_904 : i32 to index
        %get3A_986 = arith.constant 80 : index
        %get3A_987 = tpu.vector_load %arg6[%get3A_984, %get3A_985, %get3A_986] {strides = array<i32>} : memref<10x64x128xf32, #tpu.memory_space<vmem>>, vector<1x1x16xf32>,
        %get3A_988 = vector.shape_cast %get3A_987 : vector<1x1x16xf32> to vector<16xf32>
        %mul3A_989 = arith.constant 11.3137083 : f32
        %mul3A_990 = vector.broadcast %mul3A_989 : f32 to vector<16xf32>
        %mul3A_991 = arith.mulf %get3A_988, %mul3A_990 : vector<16xf32>
        %swap3A_992 = arith.constant 3 : i32
        %swap3A_993 = arith.index_cast %swap3A_992 : i32 to index
        %swap3A_994 = arith.index_cast %scan3A_904 : i32 to index
        %swap3A_995 = arith.constant 80 : index
        %swap3A_996 = tpu.vector_load %arg6[%swap3A_993, %swap3A_994, %swap3A_995] {strides = array<i32>} : memref<10x64x128xf32, #tpu.memory_space<vmem>>, vector<1x1x16xf32>,
        %swap3A_997 = vector.shape_cast %swap3A_996 : vector<1x1x16xf32> to vector<16xf32>
        %swap3A_998 = vector.shape_cast %mul3A_991 : vector<16xf32> to vector<1x1x16xf32>
        tpu.vector_store %arg6[%swap3A_993, %swap3A_994, %swap3A_995], %swap3A_998 {strides = array<i32>} : memref<10x64x128xf32, #tpu.memory_space<vmem>>, vector<1x1x16xf32>,
        %get3A_999 = arith.constant 3 : i32
        %get3A_1000 = arith.index_cast %get3A_999 : i32 to index
        %get3A_1001 = arith.index_cast %scan3A_904 : i32 to index
        %get3A_1002 = arith.constant 96 : index
        %get3A_1003 = tpu.vector_load %arg6[%get3A_1000, %get3A_1001, %get3A_1002] {strides = array<i32>} : memref<10x64x128xf32, #tpu.memory_space<vmem>>, vector<1x1x16xf32>,
        %get3A_1004 = vector.shape_cast %get3A_1003 : vector<1x1x16xf32> to vector<16xf32>
        %mul3A_1005 = arith.constant 11.3137083 : f32
        %mul3A_1006 = vector.broadcast %mul3A_1005 : f32 to vector<16xf32>
        %mul3A_1007 = arith.mulf %get3A_1004, %mul3A_1006 : vector<16xf32>
        %swap3A_1008 = arith.constant 3 : i32
        %swap3A_1009 = arith.index_cast %swap3A_1008 : i32 to index
        %swap3A_1010 = arith.index_cast %scan3A_904 : i32 to index
        %swap3A_1011 = arith.constant 96 : index
        %swap3A_1012 = tpu.vector_load %arg6[%swap3A_1009, %swap3A_1010, %swap3A_1011] {strides = array<i32>} : memref<10x64x128xf32, #tpu.memory_space<vmem>>, vector<1x1x16xf32>,
        %swap3A_1013 = vector.shape_cast %swap3A_1012 : vector<1x1x16xf32> to vector<16xf32>
        %swap3A_1014 = vector.shape_cast %mul3A_1007 : vector<16xf32> to vector<1x1x16xf32>
        tpu.vector_store %arg6[%swap3A_1009, %swap3A_1010, %swap3A_1011], %swap3A_1014 {strides = array<i32>} : memref<10x64x128xf32, #tpu.memory_space<vmem>>, vector<1x1x16xf32>,
        %get3A_1015 = arith.constant 3 : i32
        %get3A_1016 = arith.index_cast %get3A_1015 : i32 to index
        %get3A_1017 = arith.index_cast %scan3A_904 : i32 to index
        %get3A_1018 = arith.constant 112 : index
        %get3A_1019 = tpu.vector_load %arg6[%get3A_1016, %get3A_1017, %get3A_1018] {strides = array<i32>} : memref<10x64x128xf32, #tpu.memory_space<vmem>>, vector<1x1x16xf32>,
        %get3A_1020 = vector.shape_cast %get3A_1019 : vector<1x1x16xf32> to vector<16xf32>
        %mul3A_1021 = arith.constant 11.3137083 : f32
        %mul3A_1022 = vector.broadcast %mul3A_1021 : f32 to vector<16xf32>
        %mul3A_1023 = arith.mulf %get3A_1020, %mul3A_1022 : vector<16xf32>
        %swap3A_1024 = arith.constant 3 : i32
        %swap3A_1025 = arith.index_cast %swap3A_1024 : i32 to index
        %swap3A_1026 = arith.index_cast %scan3A_904 : i32 to index
        %swap3A_1027 = arith.constant 112 : index
        %swap3A_1028 = tpu.vector_load %arg6[%swap3A_1025, %swap3A_1026, %swap3A_1027] {strides = array<i32>} : memref<10x64x128xf32, #tpu.memory_space<vmem>>, vector<1x1x16xf32>,
        %swap3A_1029 = vector.shape_cast %swap3A_1028 : vector<1x1x16xf32> to vector<16xf32>
        %swap3A_1030 = vector.shape_cast %mul3A_1023 : vector<16xf32> to vector<1x1x16xf32>
        tpu.vector_store %arg6[%swap3A_1025, %swap3A_1026, %swap3A_1027], %swap3A_1030 {strides = array<i32>} : memref<10x64x128xf32, #tpu.memory_space<vmem>>, vector<1x1x16xf32>,
      }
      %scan3A_621 = arith.constant 64 : i32
      %dma_start3A_622 = arith.constant 3 : i32
      %dma_start3A_623 = arith.constant 3 : i32
      %dma_start3A_624 = arith.constant 0 : i32
      %dma_start3A_625 = arith.constant 0 : i32
      %dma_start3A_626 = tpu.memref_slice %arg6[%dma_start3A_622, %dma_start3A_624, %dma_start3A_625] : memref<10x64x128xf32, #tpu.memory_space<vmem>> -> memref<1x64x128xf32, #tpu.memory_space<vmem>>
      %dma_start3A_627 = tpu.memref_squeeze %dma_start3A_626 : memref<1x64x128xf32, #tpu.memory_space<vmem>> -> memref<64x128xf32, #tpu.memory_space<vmem>>
      %dma_start3A_628 = arith.constant 0 : i32
      %dma_start3A_629 = tpu.memref_slice %arg4[%add3A_599, %add3A_601, %dma_start3A_628] : memref<50x4096x128xf32, #tpu.memory_space<hbm>> -> memref<1x64x128xf32, #tpu.memory_space<hbm>>
      %dma_start3A_630 = tpu.memref_squeeze %dma_start3A_629 : memref<1x64x128xf32, #tpu.memory_space<hbm>> -> memref<64x128xf32, #tpu.memory_space<hbm>>
      %dma_start3A_631 = tpu.memref_slice %arg8[%dma_start3A_623] : memref<10x!tpu.dma_semaphore, #tpu.memory_space<semaphore_mem>> -> memref<1x!tpu.dma_semaphore, #tpu.memory_space<semaphore_mem>>
      %dma_start3A_632 = tpu.memref_squeeze %dma_start3A_631 : memref<1x!tpu.dma_semaphore, #tpu.memory_space<semaphore_mem>> -> memref<!tpu.dma_semaphore, #tpu.memory_space<semaphore_mem>>
      %dma_start3A_633 = arith.constant 0 : i32
      %dma_start3A_634 = tpu.memref_slice %arg4[%add3A_599, %add3A_601, %dma_start3A_633] : memref<50x4096x128xf32, #tpu.memory_space<hbm>> -> memref<1x64x128xf32, #tpu.memory_space<hbm>>
      %dma_start3A_635 = tpu.memref_squeeze %dma_start3A_634 : memref<1x64x128xf32, #tpu.memory_space<hbm>> -> memref<64x128xf32, #tpu.memory_space<hbm>>
      %dma_start3A_636 = arith.constant 0 : i32
      %dma_start3A_637 = arith.constant 0 : i32
      %dma_start3A_638 = tpu.memref_slice %arg6[%dma_start3A_622, %dma_start3A_636, %dma_start3A_637] : memref<10x64x128xf32, #tpu.memory_space<vmem>> -> memref<1x64x128xf32, #tpu.memory_space<vmem>>
      %dma_start3A_639 = tpu.memref_squeeze %dma_start3A_638 : memref<1x64x128xf32, #tpu.memory_space<vmem>> -> memref<64x128xf32, #tpu.memory_space<vmem>>
      tpu.enqueue_dma source(%dma_start3A_639 : memref<64x128xf32, #tpu.memory_space<vmem>>) target(%dma_start3A_635 : memref<64x128xf32, #tpu.memory_space<hbm>>) target_semaphore(%dma_start3A_632 : memref<!tpu.dma_semaphore, #tpu.memory_space<semaphore_mem>>)
      %mul3A_640 = arith.constant 5 : i32
      %mul3A_641 = arith.muli %scan3A_217, %mul3A_640 : i32
      %add3A_642 = arith.constant 2 : i32
      %add3A_643 = arith.addi %mul3A_641, %add3A_642 : i32
      %add3A_644 = arith.constant 0 : i32
      %add3A_645 = arith.addi %mul3A_2, %add3A_644 : i32
      %dma_wait3A_646 = arith.constant 4 : i32
      %dma_wait3A_647 = arith.constant 4 : i32
      %dma_wait3A_648 = arith.constant 0 : i32
      %dma_wait3A_649 = arith.constant 0 : i32
      %dma_wait3A_650 = tpu.memref_slice %arg6[%dma_wait3A_646, %dma_wait3A_648, %dma_wait3A_649] : memref<10x64x128xf32, #tpu.memory_space<vmem>> -> memref<1x64x128xf32, #tpu.memory_space<vmem>>
      %dma_wait3A_651 = tpu.memref_squeeze %dma_wait3A_650 : memref<1x64x128xf32, #tpu.memory_space<vmem>> -> memref<64x128xf32, #tpu.memory_space<vmem>>
      %dma_wait3A_652 = arith.constant 0 : i32
      %dma_wait3A_653 = tpu.memref_slice %arg5[%add3A_643, %dma_wait3A_652] : memref<50x128xi32, #tpu.memory_space<vmem>> -> memref<1x64xi32, #tpu.memory_space<vmem>>
      %dma_wait3A_654 = tpu.memref_squeeze %dma_wait3A_653 : memref<1x64xi32, #tpu.memory_space<vmem>> -> memref<64xi32, #tpu.memory_space<vmem>>
      %dma_wait3A_655 = arith.constant 0 : i32
      %dma_wait3A_656 = arith.constant 0 : i32
      %dma_wait3A_657 = tpu.memref_slice %arg3[%dma_wait3A_655, %dma_wait3A_656] : memref<100000x128xf32, #tpu.memory_space<hbm>> -> memref<100000x128xf32, #tpu.memory_space<hbm>>
      %dma_wait3A_658 = tpu.memref_slice %arg7[%dma_wait3A_647] : memref<10x!tpu.dma_semaphore, #tpu.memory_space<semaphore_mem>> -> memref<1x!tpu.dma_semaphore, #tpu.memory_space<semaphore_mem>>
      %dma_wait3A_659 = tpu.memref_squeeze %dma_wait3A_658 : memref<1x!tpu.dma_semaphore, #tpu.memory_space<semaphore_mem>> -> memref<!tpu.dma_semaphore, #tpu.memory_space<semaphore_mem>>
      tpu.wait_indirect_dma semaphore(%dma_wait3A_659 : memref<!tpu.dma_semaphore, #tpu.memory_space<semaphore_mem>>) src(%dma_wait3A_657 : memref<100000x128xf32, #tpu.memory_space<hbm>>) dst(%dma_wait3A_651 : memref<64x128xf32, #tpu.memory_space<vmem>>)
      %scan3A_660 = arith.constant 0 : i32
      %scan3A_661 = arith.constant 0 : i32
      %scan3A_662 = arith.constant 64 : i32
      %scan3A_663 = arith.addi %scan3A_661, %scan3A_662 : i32
      %scan3A_664 = arith.constant 1 : i32
      scf.for %scan3A_904 = %scan3A_661 to %scan3A_663 step %scan3A_664  : i32 {
        %get3A = arith.constant 4 : i32
        %get3A_905 = arith.index_cast %get3A : i32 to index
        %get3A_906 = arith.index_cast %scan3A_904 : i32 to index
        %get3A_907 = arith.constant 0 : index
        %get3A_908 = tpu.vector_load %arg6[%get3A_905, %get3A_906, %get3A_907] {strides = array<i32>} : memref<10x64x128xf32, #tpu.memory_space<vmem>>, vector<1x1x16xf32>,
        %get3A_909 = vector.shape_cast %get3A_908 : vector<1x1x16xf32> to vector<16xf32>
        %mul3A_910 = arith.constant 11.3137083 : f32
        %mul3A_911 = vector.broadcast %mul3A_910 : f32 to vector<16xf32>
        %mul3A_912 = arith.mulf %get3A_909, %mul3A_911 : vector<16xf32>
        %swap3A = arith.constant 4 : i32
        %swap3A_913 = arith.index_cast %swap3A : i32 to index
        %swap3A_914 = arith.index_cast %scan3A_904 : i32 to index
        %swap3A_915 = arith.constant 0 : index
        %swap3A_916 = tpu.vector_load %arg6[%swap3A_913, %swap3A_914, %swap3A_915] {strides = array<i32>} : memref<10x64x128xf32, #tpu.memory_space<vmem>>, vector<1x1x16xf32>,
        %swap3A_917 = vector.shape_cast %swap3A_916 : vector<1x1x16xf32> to vector<16xf32>
        %swap3A_918 = vector.shape_cast %mul3A_912 : vector<16xf32> to vector<1x1x16xf32>
        tpu.vector_store %arg6[%swap3A_913, %swap3A_914, %swap3A_915], %swap3A_918 {strides = array<i32>} : memref<10x64x128xf32, #tpu.memory_space<vmem>>, vector<1x1x16xf32>,
        %get3A_919 = arith.constant 4 : i32
        %get3A_920 = arith.index_cast %get3A_919 : i32 to index
        %get3A_921 = arith.index_cast %scan3A_904 : i32 to index
        %get3A_922 = arith.constant 16 : index
        %get3A_923 = tpu.vector_load %arg6[%get3A_920, %get3A_921, %get3A_922] {strides = array<i32>} : memref<10x64x128xf32, #tpu.memory_space<vmem>>, vector<1x1x16xf32>,
        %get3A_924 = vector.shape_cast %get3A_923 : vector<1x1x16xf32> to vector<16xf32>
        %mul3A_925 = arith.constant 11.3137083 : f32
        %mul3A_926 = vector.broadcast %mul3A_925 : f32 to vector<16xf32>
        %mul3A_927 = arith.mulf %get3A_924, %mul3A_926 : vector<16xf32>
        %swap3A_928 = arith.constant 4 : i32
        %swap3A_929 = arith.index_cast %swap3A_928 : i32 to index
        %swap3A_930 = arith.index_cast %scan3A_904 : i32 to index
        %swap3A_931 = arith.constant 16 : index
        %swap3A_932 = tpu.vector_load %arg6[%swap3A_929, %swap3A_930, %swap3A_931] {strides = array<i32>} : memref<10x64x128xf32, #tpu.memory_space<vmem>>, vector<1x1x16xf32>,
        %swap3A_933 = vector.shape_cast %swap3A_932 : vector<1x1x16xf32> to vector<16xf32>
        %swap3A_934 = vector.shape_cast %mul3A_927 : vector<16xf32> to vector<1x1x16xf32>
        tpu.vector_store %arg6[%swap3A_929, %swap3A_930, %swap3A_931], %swap3A_934 {strides = array<i32>} : memref<10x64x128xf32, #tpu.memory_space<vmem>>, vector<1x1x16xf32>,
        %get3A_935 = arith.constant 4 : i32
        %get3A_936 = arith.index_cast %get3A_935 : i32 to index
        %get3A_937 = arith.index_cast %scan3A_904 : i32 to index
        %get3A_938 = arith.constant 32 : index
        %get3A_939 = tpu.vector_load %arg6[%get3A_936, %get3A_937, %get3A_938] {strides = array<i32>} : memref<10x64x128xf32, #tpu.memory_space<vmem>>, vector<1x1x16xf32>,
        %get3A_940 = vector.shape_cast %get3A_939 : vector<1x1x16xf32> to vector<16xf32>
        %mul3A_941 = arith.constant 11.3137083 : f32
        %mul3A_942 = vector.broadcast %mul3A_941 : f32 to vector<16xf32>
        %mul3A_943 = arith.mulf %get3A_940, %mul3A_942 : vector<16xf32>
        %swap3A_944 = arith.constant 4 : i32
        %swap3A_945 = arith.index_cast %swap3A_944 : i32 to index
        %swap3A_946 = arith.index_cast %scan3A_904 : i32 to index
        %swap3A_947 = arith.constant 32 : index
        %swap3A_948 = tpu.vector_load %arg6[%swap3A_945, %swap3A_946, %swap3A_947] {strides = array<i32>} : memref<10x64x128xf32, #tpu.memory_space<vmem>>, vector<1x1x16xf32>,
        %swap3A_949 = vector.shape_cast %swap3A_948 : vector<1x1x16xf32> to vector<16xf32>
        %swap3A_950 = vector.shape_cast %mul3A_943 : vector<16xf32> to vector<1x1x16xf32>
        tpu.vector_store %arg6[%swap3A_945, %swap3A_946, %swap3A_947], %swap3A_950 {strides = array<i32>} : memref<10x64x128xf32, #tpu.memory_space<vmem>>, vector<1x1x16xf32>,
        %get3A_951 = arith.constant 4 : i32
        %get3A_952 = arith.index_cast %get3A_951 : i32 to index
        %get3A_953 = arith.index_cast %scan3A_904 : i32 to index
        %get3A_954 = arith.constant 48 : index
        %get3A_955 = tpu.vector_load %arg6[%get3A_952, %get3A_953, %get3A_954] {strides = array<i32>} : memref<10x64x128xf32, #tpu.memory_space<vmem>>, vector<1x1x16xf32>,
        %get3A_956 = vector.shape_cast %get3A_955 : vector<1x1x16xf32> to vector<16xf32>
        %mul3A_957 = arith.constant 11.3137083 : f32
        %mul3A_958 = vector.broadcast %mul3A_957 : f32 to vector<16xf32>
        %mul3A_959 = arith.mulf %get3A_956, %mul3A_958 : vector<16xf32>
        %swap3A_960 = arith.constant 4 : i32
        %swap3A_961 = arith.index_cast %swap3A_960 : i32 to index
        %swap3A_962 = arith.index_cast %scan3A_904 : i32 to index
        %swap3A_963 = arith.constant 48 : index
        %swap3A_964 = tpu.vector_load %arg6[%swap3A_961, %swap3A_962, %swap3A_963] {strides = array<i32>} : memref<10x64x128xf32, #tpu.memory_space<vmem>>, vector<1x1x16xf32>,
        %swap3A_965 = vector.shape_cast %swap3A_964 : vector<1x1x16xf32> to vector<16xf32>
        %swap3A_966 = vector.shape_cast %mul3A_959 : vector<16xf32> to vector<1x1x16xf32>
        tpu.vector_store %arg6[%swap3A_961, %swap3A_962, %swap3A_963], %swap3A_966 {strides = array<i32>} : memref<10x64x128xf32, #tpu.memory_space<vmem>>, vector<1x1x16xf32>,
        %get3A_967 = arith.constant 4 : i32
        %get3A_968 = arith.index_cast %get3A_967 : i32 to index
        %get3A_969 = arith.index_cast %scan3A_904 : i32 to index
        %get3A_970 = arith.constant 64 : index
        %get3A_971 = tpu.vector_load %arg6[%get3A_968, %get3A_969, %get3A_970] {strides = array<i32>} : memref<10x64x128xf32, #tpu.memory_space<vmem>>, vector<1x1x16xf32>,
        %get3A_972 = vector.shape_cast %get3A_971 : vector<1x1x16xf32> to vector<16xf32>
        %mul3A_973 = arith.constant 11.3137083 : f32
        %mul3A_974 = vector.broadcast %mul3A_973 : f32 to vector<16xf32>
        %mul3A_975 = arith.mulf %get3A_972, %mul3A_974 : vector<16xf32>
        %swap3A_976 = arith.constant 4 : i32
        %swap3A_977 = arith.index_cast %swap3A_976 : i32 to index
        %swap3A_978 = arith.index_cast %scan3A_904 : i32 to index
        %swap3A_979 = arith.constant 64 : index
        %swap3A_980 = tpu.vector_load %arg6[%swap3A_977, %swap3A_978, %swap3A_979] {strides = array<i32>} : memref<10x64x128xf32, #tpu.memory_space<vmem>>, vector<1x1x16xf32>,
        %swap3A_981 = vector.shape_cast %swap3A_980 : vector<1x1x16xf32> to vector<16xf32>
        %swap3A_982 = vector.shape_cast %mul3A_975 : vector<16xf32> to vector<1x1x16xf32>
        tpu.vector_store %arg6[%swap3A_977, %swap3A_978, %swap3A_979], %swap3A_982 {strides = array<i32>} : memref<10x64x128xf32, #tpu.memory_space<vmem>>, vector<1x1x16xf32>,
        %get3A_983 = arith.constant 4 : i32
        %get3A_984 = arith.index_cast %get3A_983 : i32 to index
        %get3A_985 = arith.index_cast %scan3A_904 : i32 to index
        %get3A_986 = arith.constant 80 : index
        %get3A_987 = tpu.vector_load %arg6[%get3A_984, %get3A_985, %get3A_986] {strides = array<i32>} : memref<10x64x128xf32, #tpu.memory_space<vmem>>, vector<1x1x16xf32>,
        %get3A_988 = vector.shape_cast %get3A_987 : vector<1x1x16xf32> to vector<16xf32>
        %mul3A_989 = arith.constant 11.3137083 : f32
        %mul3A_990 = vector.broadcast %mul3A_989 : f32 to vector<16xf32>
        %mul3A_991 = arith.mulf %get3A_988, %mul3A_990 : vector<16xf32>
        %swap3A_992 = arith.constant 4 : i32
        %swap3A_993 = arith.index_cast %swap3A_992 : i32 to index
        %swap3A_994 = arith.index_cast %scan3A_904 : i32 to index
        %swap3A_995 = arith.constant 80 : index
        %swap3A_996 = tpu.vector_load %arg6[%swap3A_993, %swap3A_994, %swap3A_995] {strides = array<i32>} : memref<10x64x128xf32, #tpu.memory_space<vmem>>, vector<1x1x16xf32>,
        %swap3A_997 = vector.shape_cast %swap3A_996 : vector<1x1x16xf32> to vector<16xf32>
        %swap3A_998 = vector.shape_cast %mul3A_991 : vector<16xf32> to vector<1x1x16xf32>
        tpu.vector_store %arg6[%swap3A_993, %swap3A_994, %swap3A_995], %swap3A_998 {strides = array<i32>} : memref<10x64x128xf32, #tpu.memory_space<vmem>>, vector<1x1x16xf32>,
        %get3A_999 = arith.constant 4 : i32
        %get3A_1000 = arith.index_cast %get3A_999 : i32 to index
        %get3A_1001 = arith.index_cast %scan3A_904 : i32 to index
        %get3A_1002 = arith.constant 96 : index
        %get3A_1003 = tpu.vector_load %arg6[%get3A_1000, %get3A_1001, %get3A_1002] {strides = array<i32>} : memref<10x64x128xf32, #tpu.memory_space<vmem>>, vector<1x1x16xf32>,
        %get3A_1004 = vector.shape_cast %get3A_1003 : vector<1x1x16xf32> to vector<16xf32>
        %mul3A_1005 = arith.constant 11.3137083 : f32
        %mul3A_1006 = vector.broadcast %mul3A_1005 : f32 to vector<16xf32>
        %mul3A_1007 = arith.mulf %get3A_1004, %mul3A_1006 : vector<16xf32>
        %swap3A_1008 = arith.constant 4 : i32
        %swap3A_1009 = arith.index_cast %swap3A_1008 : i32 to index
        %swap3A_1010 = arith.index_cast %scan3A_904 : i32 to index
        %swap3A_1011 = arith.constant 96 : index
        %swap3A_1012 = tpu.vector_load %arg6[%swap3A_1009, %swap3A_1010, %swap3A_1011] {strides = array<i32>} : memref<10x64x128xf32, #tpu.memory_space<vmem>>, vector<1x1x16xf32>,
        %swap3A_1013 = vector.shape_cast %swap3A_1012 : vector<1x1x16xf32> to vector<16xf32>
        %swap3A_1014 = vector.shape_cast %mul3A_1007 : vector<16xf32> to vector<1x1x16xf32>
        tpu.vector_store %arg6[%swap3A_1009, %swap3A_1010, %swap3A_1011], %swap3A_1014 {strides = array<i32>} : memref<10x64x128xf32, #tpu.memory_space<vmem>>, vector<1x1x16xf32>,
        %get3A_1015 = arith.constant 4 : i32
        %get3A_1016 = arith.index_cast %get3A_1015 : i32 to index
        %get3A_1017 = arith.index_cast %scan3A_904 : i32 to index
        %get3A_1018 = arith.constant 112 : index
        %get3A_1019 = tpu.vector_load %arg6[%get3A_1016, %get3A_1017, %get3A_1018] {strides = array<i32>} : memref<10x64x128xf32, #tpu.memory_space<vmem>>, vector<1x1x16xf32>,
        %get3A_1020 = vector.shape_cast %get3A_1019 : vector<1x1x16xf32> to vector<16xf32>
        %mul3A_1021 = arith.constant 11.3137083 : f32
        %mul3A_1022 = vector.broadcast %mul3A_1021 : f32 to vector<16xf32>
        %mul3A_1023 = arith.mulf %get3A_1020, %mul3A_1022 : vector<16xf32>
        %swap3A_1024 = arith.constant 4 : i32
        %swap3A_1025 = arith.index_cast %swap3A_1024 : i32 to index
        %swap3A_1026 = arith.index_cast %scan3A_904 : i32 to index
        %swap3A_1027 = arith.constant 112 : index
        %swap3A_1028 = tpu.vector_load %arg6[%swap3A_1025, %swap3A_1026, %swap3A_1027] {strides = array<i32>} : memref<10x64x128xf32, #tpu.memory_space<vmem>>, vector<1x1x16xf32>,
        %swap3A_1029 = vector.shape_cast %swap3A_1028 : vector<1x1x16xf32> to vector<16xf32>
        %swap3A_1030 = vector.shape_cast %mul3A_1023 : vector<16xf32> to vector<1x1x16xf32>
        tpu.vector_store %arg6[%swap3A_1025, %swap3A_1026, %swap3A_1027], %swap3A_1030 {strides = array<i32>} : memref<10x64x128xf32, #tpu.memory_space<vmem>>, vector<1x1x16xf32>,
      }
      %scan3A_665 = arith.constant 64 : i32
      %dma_start3A_666 = arith.constant 4 : i32
      %dma_start3A_667 = arith.constant 4 : i32
      %dma_start3A_668 = arith.constant 0 : i32
      %dma_start3A_669 = arith.constant 0 : i32
      %dma_start3A_670 = tpu.memref_slice %arg6[%dma_start3A_666, %dma_start3A_668, %dma_start3A_669] : memref<10x64x128xf32, #tpu.memory_space<vmem>> -> memref<1x64x128xf32, #tpu.memory_space<vmem>>
      %dma_start3A_671 = tpu.memref_squeeze %dma_start3A_670 : memref<1x64x128xf32, #tpu.memory_space<vmem>> -> memref<64x128xf32, #tpu.memory_space<vmem>>
      %dma_start3A_672 = arith.constant 0 : i32
      %dma_start3A_673 = tpu.memref_slice %arg4[%add3A_643, %add3A_645, %dma_start3A_672] : memref<50x4096x128xf32, #tpu.memory_space<hbm>> -> memref<1x64x128xf32, #tpu.memory_space<hbm>>
      %dma_start3A_674 = tpu.memref_squeeze %dma_start3A_673 : memref<1x64x128xf32, #tpu.memory_space<hbm>> -> memref<64x128xf32, #tpu.memory_space<hbm>>
      %dma_start3A_675 = tpu.memref_slice %arg8[%dma_start3A_667] : memref<10x!tpu.dma_semaphore, #tpu.memory_space<semaphore_mem>> -> memref<1x!tpu.dma_semaphore, #tpu.memory_space<semaphore_mem>>
      %dma_start3A_676 = tpu.memref_squeeze %dma_start3A_675 : memref<1x!tpu.dma_semaphore, #tpu.memory_space<semaphore_mem>> -> memref<!tpu.dma_semaphore, #tpu.memory_space<semaphore_mem>>
      %dma_start3A_677 = arith.constant 0 : i32
      %dma_start3A_678 = tpu.memref_slice %arg4[%add3A_643, %add3A_645, %dma_start3A_677] : memref<50x4096x128xf32, #tpu.memory_space<hbm>> -> memref<1x64x128xf32, #tpu.memory_space<hbm>>
      %dma_start3A_679 = tpu.memref_squeeze %dma_start3A_678 : memref<1x64x128xf32, #tpu.memory_space<hbm>> -> memref<64x128xf32, #tpu.memory_space<hbm>>
      %dma_start3A_680 = arith.constant 0 : i32
      %dma_start3A_681 = arith.constant 0 : i32
      %dma_start3A_682 = tpu.memref_slice %arg6[%dma_start3A_666, %dma_start3A_680, %dma_start3A_681] : memref<10x64x128xf32, #tpu.memory_space<vmem>> -> memref<1x64x128xf32, #tpu.memory_space<vmem>>
      %dma_start3A_683 = tpu.memref_squeeze %dma_start3A_682 : memref<1x64x128xf32, #tpu.memory_space<vmem>> -> memref<64x128xf32, #tpu.memory_space<vmem>>
      tpu.enqueue_dma source(%dma_start3A_683 : memref<64x128xf32, #tpu.memory_space<vmem>>) target(%dma_start3A_679 : memref<64x128xf32, #tpu.memory_space<hbm>>) target_semaphore(%dma_start3A_676 : memref<!tpu.dma_semaphore, #tpu.memory_space<semaphore_mem>>)
      %mul3A_684 = arith.constant 5 : i32
      %mul3A_685 = arith.muli %scan3A_217, %mul3A_684 : i32
      %add3A_686 = arith.constant 2 : i32
      %add3A_687 = arith.addi %mul3A_685, %add3A_686 : i32
      %add3A_688 = arith.constant 64 : i32
      %add3A_689 = arith.addi %mul3A_2, %add3A_688 : i32
      %dma_wait3A_690 = arith.constant 5 : i32
      %dma_wait3A_691 = arith.constant 5 : i32
      %dma_wait3A_692 = arith.constant 0 : i32
      %dma_wait3A_693 = arith.constant 0 : i32
      %dma_wait3A_694 = tpu.memref_slice %arg6[%dma_wait3A_690, %dma_wait3A_692, %dma_wait3A_693] : memref<10x64x128xf32, #tpu.memory_space<vmem>> -> memref<1x64x128xf32, #tpu.memory_space<vmem>>
      %dma_wait3A_695 = tpu.memref_squeeze %dma_wait3A_694 : memref<1x64x128xf32, #tpu.memory_space<vmem>> -> memref<64x128xf32, #tpu.memory_space<vmem>>
      %dma_wait3A_696 = arith.constant 64 : i32
      %dma_wait3A_697 = tpu.memref_slice %arg5[%add3A_687, %dma_wait3A_696] : memref<50x128xi32, #tpu.memory_space<vmem>> -> memref<1x64xi32, #tpu.memory_space<vmem>>
      %dma_wait3A_698 = tpu.memref_squeeze %dma_wait3A_697 : memref<1x64xi32, #tpu.memory_space<vmem>> -> memref<64xi32, #tpu.memory_space<vmem>>
      %dma_wait3A_699 = arith.constant 0 : i32
      %dma_wait3A_700 = arith.constant 0 : i32
      %dma_wait3A_701 = tpu.memref_slice %arg3[%dma_wait3A_699, %dma_wait3A_700] : memref<100000x128xf32, #tpu.memory_space<hbm>> -> memref<100000x128xf32, #tpu.memory_space<hbm>>
      %dma_wait3A_702 = tpu.memref_slice %arg7[%dma_wait3A_691] : memref<10x!tpu.dma_semaphore, #tpu.memory_space<semaphore_mem>> -> memref<1x!tpu.dma_semaphore, #tpu.memory_space<semaphore_mem>>
      %dma_wait3A_703 = tpu.memref_squeeze %dma_wait3A_702 : memref<1x!tpu.dma_semaphore, #tpu.memory_space<semaphore_mem>> -> memref<!tpu.dma_semaphore, #tpu.memory_space<semaphore_mem>>
      tpu.wait_indirect_dma semaphore(%dma_wait3A_703 : memref<!tpu.dma_semaphore, #tpu.memory_space<semaphore_mem>>) src(%dma_wait3A_701 : memref<100000x128xf32, #tpu.memory_space<hbm>>) dst(%dma_wait3A_695 : memref<64x128xf32, #tpu.memory_space<vmem>>)
      %scan3A_704 = arith.constant 0 : i32
      %scan3A_705 = arith.constant 0 : i32
      %scan3A_706 = arith.constant 64 : i32
      %scan3A_707 = arith.addi %scan3A_705, %scan3A_706 : i32
      %scan3A_708 = arith.constant 1 : i32
      scf.for %scan3A_904 = %scan3A_705 to %scan3A_707 step %scan3A_708  : i32 {
        %get3A = arith.constant 5 : i32
        %get3A_905 = arith.index_cast %get3A : i32 to index
        %get3A_906 = arith.index_cast %scan3A_904 : i32 to index
        %get3A_907 = arith.constant 0 : index
        %get3A_908 = tpu.vector_load %arg6[%get3A_905, %get3A_906, %get3A_907] {strides = array<i32>} : memref<10x64x128xf32, #tpu.memory_space<vmem>>, vector<1x1x16xf32>,
        %get3A_909 = vector.shape_cast %get3A_908 : vector<1x1x16xf32> to vector<16xf32>
        %mul3A_910 = arith.constant 11.3137083 : f32
        %mul3A_911 = vector.broadcast %mul3A_910 : f32 to vector<16xf32>
        %mul3A_912 = arith.mulf %get3A_909, %mul3A_911 : vector<16xf32>
        %swap3A = arith.constant 5 : i32
        %swap3A_913 = arith.index_cast %swap3A : i32 to index
        %swap3A_914 = arith.index_cast %scan3A_904 : i32 to index
        %swap3A_915 = arith.constant 0 : index
        %swap3A_916 = tpu.vector_load %arg6[%swap3A_913, %swap3A_914, %swap3A_915] {strides = array<i32>} : memref<10x64x128xf32, #tpu.memory_space<vmem>>, vector<1x1x16xf32>,
        %swap3A_917 = vector.shape_cast %swap3A_916 : vector<1x1x16xf32> to vector<16xf32>
        %swap3A_918 = vector.shape_cast %mul3A_912 : vector<16xf32> to vector<1x1x16xf32>
        tpu.vector_store %arg6[%swap3A_913, %swap3A_914, %swap3A_915], %swap3A_918 {strides = array<i32>} : memref<10x64x128xf32, #tpu.memory_space<vmem>>, vector<1x1x16xf32>,
        %get3A_919 = arith.constant 5 : i32
        %get3A_920 = arith.index_cast %get3A_919 : i32 to index
        %get3A_921 = arith.index_cast %scan3A_904 : i32 to index
        %get3A_922 = arith.constant 16 : index
        %get3A_923 = tpu.vector_load %arg6[%get3A_920, %get3A_921, %get3A_922] {strides = array<i32>} : memref<10x64x128xf32, #tpu.memory_space<vmem>>, vector<1x1x16xf32>,
        %get3A_924 = vector.shape_cast %get3A_923 : vector<1x1x16xf32> to vector<16xf32>
        %mul3A_925 = arith.constant 11.3137083 : f32
        %mul3A_926 = vector.broadcast %mul3A_925 : f32 to vector<16xf32>
        %mul3A_927 = arith.mulf %get3A_924, %mul3A_926 : vector<16xf32>
        %swap3A_928 = arith.constant 5 : i32
        %swap3A_929 = arith.index_cast %swap3A_928 : i32 to index
        %swap3A_930 = arith.index_cast %scan3A_904 : i32 to index
        %swap3A_931 = arith.constant 16 : index
        %swap3A_932 = tpu.vector_load %arg6[%swap3A_929, %swap3A_930, %swap3A_931] {strides = array<i32>} : memref<10x64x128xf32, #tpu.memory_space<vmem>>, vector<1x1x16xf32>,
        %swap3A_933 = vector.shape_cast %swap3A_932 : vector<1x1x16xf32> to vector<16xf32>
        %swap3A_934 = vector.shape_cast %mul3A_927 : vector<16xf32> to vector<1x1x16xf32>
        tpu.vector_store %arg6[%swap3A_929, %swap3A_930, %swap3A_931], %swap3A_934 {strides = array<i32>} : memref<10x64x128xf32, #tpu.memory_space<vmem>>, vector<1x1x16xf32>,
        %get3A_935 = arith.constant 5 : i32
        %get3A_936 = arith.index_cast %get3A_935 : i32 to index
        %get3A_937 = arith.index_cast %scan3A_904 : i32 to index
        %get3A_938 = arith.constant 32 : index
        %get3A_939 = tpu.vector_load %arg6[%get3A_936, %get3A_937, %get3A_938] {strides = array<i32>} : memref<10x64x128xf32, #tpu.memory_space<vmem>>, vector<1x1x16xf32>,
        %get3A_940 = vector.shape_cast %get3A_939 : vector<1x1x16xf32> to vector<16xf32>
        %mul3A_941 = arith.constant 11.3137083 : f32
        %mul3A_942 = vector.broadcast %mul3A_941 : f32 to vector<16xf32>
        %mul3A_943 = arith.mulf %get3A_940, %mul3A_942 : vector<16xf32>
        %swap3A_944 = arith.constant 5 : i32
        %swap3A_945 = arith.index_cast %swap3A_944 : i32 to index
        %swap3A_946 = arith.index_cast %scan3A_904 : i32 to index
        %swap3A_947 = arith.constant 32 : index
        %swap3A_948 = tpu.vector_load %arg6[%swap3A_945, %swap3A_946, %swap3A_947] {strides = array<i32>} : memref<10x64x128xf32, #tpu.memory_space<vmem>>, vector<1x1x16xf32>,
        %swap3A_949 = vector.shape_cast %swap3A_948 : vector<1x1x16xf32> to vector<16xf32>
        %swap3A_950 = vector.shape_cast %mul3A_943 : vector<16xf32> to vector<1x1x16xf32>
        tpu.vector_store %arg6[%swap3A_945, %swap3A_946, %swap3A_947], %swap3A_950 {strides = array<i32>} : memref<10x64x128xf32, #tpu.memory_space<vmem>>, vector<1x1x16xf32>,
        %get3A_951 = arith.constant 5 : i32
        %get3A_952 = arith.index_cast %get3A_951 : i32 to index
        %get3A_953 = arith.index_cast %scan3A_904 : i32 to index
        %get3A_954 = arith.constant 48 : index
        %get3A_955 = tpu.vector_load %arg6[%get3A_952, %get3A_953, %get3A_954] {strides = array<i32>} : memref<10x64x128xf32, #tpu.memory_space<vmem>>, vector<1x1x16xf32>,
        %get3A_956 = vector.shape_cast %get3A_955 : vector<1x1x16xf32> to vector<16xf32>
        %mul3A_957 = arith.constant 11.3137083 : f32
        %mul3A_958 = vector.broadcast %mul3A_957 : f32 to vector<16xf32>
        %mul3A_959 = arith.mulf %get3A_956, %mul3A_958 : vector<16xf32>
        %swap3A_960 = arith.constant 5 : i32
        %swap3A_961 = arith.index_cast %swap3A_960 : i32 to index
        %swap3A_962 = arith.index_cast %scan3A_904 : i32 to index
        %swap3A_963 = arith.constant 48 : index
        %swap3A_964 = tpu.vector_load %arg6[%swap3A_961, %swap3A_962, %swap3A_963] {strides = array<i32>} : memref<10x64x128xf32, #tpu.memory_space<vmem>>, vector<1x1x16xf32>,
        %swap3A_965 = vector.shape_cast %swap3A_964 : vector<1x1x16xf32> to vector<16xf32>
        %swap3A_966 = vector.shape_cast %mul3A_959 : vector<16xf32> to vector<1x1x16xf32>
        tpu.vector_store %arg6[%swap3A_961, %swap3A_962, %swap3A_963], %swap3A_966 {strides = array<i32>} : memref<10x64x128xf32, #tpu.memory_space<vmem>>, vector<1x1x16xf32>,
        %get3A_967 = arith.constant 5 : i32
        %get3A_968 = arith.index_cast %get3A_967 : i32 to index
        %get3A_969 = arith.index_cast %scan3A_904 : i32 to index
        %get3A_970 = arith.constant 64 : index
        %get3A_971 = tpu.vector_load %arg6[%get3A_968, %get3A_969, %get3A_970] {strides = array<i32>} : memref<10x64x128xf32, #tpu.memory_space<vmem>>, vector<1x1x16xf32>,
        %get3A_972 = vector.shape_cast %get3A_971 : vector<1x1x16xf32> to vector<16xf32>
        %mul3A_973 = arith.constant 11.3137083 : f32
        %mul3A_974 = vector.broadcast %mul3A_973 : f32 to vector<16xf32>
        %mul3A_975 = arith.mulf %get3A_972, %mul3A_974 : vector<16xf32>
        %swap3A_976 = arith.constant 5 : i32
        %swap3A_977 = arith.index_cast %swap3A_976 : i32 to index
        %swap3A_978 = arith.index_cast %scan3A_904 : i32 to index
        %swap3A_979 = arith.constant 64 : index
        %swap3A_980 = tpu.vector_load %arg6[%swap3A_977, %swap3A_978, %swap3A_979] {strides = array<i32>} : memref<10x64x128xf32, #tpu.memory_space<vmem>>, vector<1x1x16xf32>,
        %swap3A_981 = vector.shape_cast %swap3A_980 : vector<1x1x16xf32> to vector<16xf32>
        %swap3A_982 = vector.shape_cast %mul3A_975 : vector<16xf32> to vector<1x1x16xf32>
        tpu.vector_store %arg6[%swap3A_977, %swap3A_978, %swap3A_979], %swap3A_982 {strides = array<i32>} : memref<10x64x128xf32, #tpu.memory_space<vmem>>, vector<1x1x16xf32>,
        %get3A_983 = arith.constant 5 : i32
        %get3A_984 = arith.index_cast %get3A_983 : i32 to index
        %get3A_985 = arith.index_cast %scan3A_904 : i32 to index
        %get3A_986 = arith.constant 80 : index
        %get3A_987 = tpu.vector_load %arg6[%get3A_984, %get3A_985, %get3A_986] {strides = array<i32>} : memref<10x64x128xf32, #tpu.memory_space<vmem>>, vector<1x1x16xf32>,
        %get3A_988 = vector.shape_cast %get3A_987 : vector<1x1x16xf32> to vector<16xf32>
        %mul3A_989 = arith.constant 11.3137083 : f32
        %mul3A_990 = vector.broadcast %mul3A_989 : f32 to vector<16xf32>
        %mul3A_991 = arith.mulf %get3A_988, %mul3A_990 : vector<16xf32>
        %swap3A_992 = arith.constant 5 : i32
        %swap3A_993 = arith.index_cast %swap3A_992 : i32 to index
        %swap3A_994 = arith.index_cast %scan3A_904 : i32 to index
        %swap3A_995 = arith.constant 80 : index
        %swap3A_996 = tpu.vector_load %arg6[%swap3A_993, %swap3A_994, %swap3A_995] {strides = array<i32>} : memref<10x64x128xf32, #tpu.memory_space<vmem>>, vector<1x1x16xf32>,
        %swap3A_997 = vector.shape_cast %swap3A_996 : vector<1x1x16xf32> to vector<16xf32>
        %swap3A_998 = vector.shape_cast %mul3A_991 : vector<16xf32> to vector<1x1x16xf32>
        tpu.vector_store %arg6[%swap3A_993, %swap3A_994, %swap3A_995], %swap3A_998 {strides = array<i32>} : memref<10x64x128xf32, #tpu.memory_space<vmem>>, vector<1x1x16xf32>,
        %get3A_999 = arith.constant 5 : i32
        %get3A_1000 = arith.index_cast %get3A_999 : i32 to index
        %get3A_1001 = arith.index_cast %scan3A_904 : i32 to index
        %get3A_1002 = arith.constant 96 : index
        %get3A_1003 = tpu.vector_load %arg6[%get3A_1000, %get3A_1001, %get3A_1002] {strides = array<i32>} : memref<10x64x128xf32, #tpu.memory_space<vmem>>, vector<1x1x16xf32>,
        %get3A_1004 = vector.shape_cast %get3A_1003 : vector<1x1x16xf32> to vector<16xf32>
        %mul3A_1005 = arith.constant 11.3137083 : f32
        %mul3A_1006 = vector.broadcast %mul3A_1005 : f32 to vector<16xf32>
        %mul3A_1007 = arith.mulf %get3A_1004, %mul3A_1006 : vector<16xf32>
        %swap3A_1008 = arith.constant 5 : i32
        %swap3A_1009 = arith.index_cast %swap3A_1008 : i32 to index
        %swap3A_1010 = arith.index_cast %scan3A_904 : i32 to index
        %swap3A_1011 = arith.constant 96 : index
        %swap3A_1012 = tpu.vector_load %arg6[%swap3A_1009, %swap3A_1010, %swap3A_1011] {strides = array<i32>} : memref<10x64x128xf32, #tpu.memory_space<vmem>>, vector<1x1x16xf32>,
        %swap3A_1013 = vector.shape_cast %swap3A_1012 : vector<1x1x16xf32> to vector<16xf32>
        %swap3A_1014 = vector.shape_cast %mul3A_1007 : vector<16xf32> to vector<1x1x16xf32>
        tpu.vector_store %arg6[%swap3A_1009, %swap3A_1010, %swap3A_1011], %swap3A_1014 {strides = array<i32>} : memref<10x64x128xf32, #tpu.memory_space<vmem>>, vector<1x1x16xf32>,
        %get3A_1015 = arith.constant 5 : i32
        %get3A_1016 = arith.index_cast %get3A_1015 : i32 to index
        %get3A_1017 = arith.index_cast %scan3A_904 : i32 to index
        %get3A_1018 = arith.constant 112 : index
        %get3A_1019 = tpu.vector_load %arg6[%get3A_1016, %get3A_1017, %get3A_1018] {strides = array<i32>} : memref<10x64x128xf32, #tpu.memory_space<vmem>>, vector<1x1x16xf32>,
        %get3A_1020 = vector.shape_cast %get3A_1019 : vector<1x1x16xf32> to vector<16xf32>
        %mul3A_1021 = arith.constant 11.3137083 : f32
        %mul3A_1022 = vector.broadcast %mul3A_1021 : f32 to vector<16xf32>
        %mul3A_1023 = arith.mulf %get3A_1020, %mul3A_1022 : vector<16xf32>
        %swap3A_1024 = arith.constant 5 : i32
        %swap3A_1025 = arith.index_cast %swap3A_1024 : i32 to index
        %swap3A_1026 = arith.index_cast %scan3A_904 : i32 to index
        %swap3A_1027 = arith.constant 112 : index
        %swap3A_1028 = tpu.vector_load %arg6[%swap3A_1025, %swap3A_1026, %swap3A_1027] {strides = array<i32>} : memref<10x64x128xf32, #tpu.memory_space<vmem>>, vector<1x1x16xf32>,
        %swap3A_1029 = vector.shape_cast %swap3A_1028 : vector<1x1x16xf32> to vector<16xf32>
        %swap3A_1030 = vector.shape_cast %mul3A_1023 : vector<16xf32> to vector<1x1x16xf32>
        tpu.vector_store %arg6[%swap3A_1025, %swap3A_1026, %swap3A_1027], %swap3A_1030 {strides = array<i32>} : memref<10x64x128xf32, #tpu.memory_space<vmem>>, vector<1x1x16xf32>,
      }
      %scan3A_709 = arith.constant 64 : i32
      %dma_start3A_710 = arith.constant 5 : i32
      %dma_start3A_711 = arith.constant 5 : i32
      %dma_start3A_712 = arith.constant 0 : i32
      %dma_start3A_713 = arith.constant 0 : i32
      %dma_start3A_714 = tpu.memref_slice %arg6[%dma_start3A_710, %dma_start3A_712, %dma_start3A_713] : memref<10x64x128xf32, #tpu.memory_space<vmem>> -> memref<1x64x128xf32, #tpu.memory_space<vmem>>
      %dma_start3A_715 = tpu.memref_squeeze %dma_start3A_714 : memref<1x64x128xf32, #tpu.memory_space<vmem>> -> memref<64x128xf32, #tpu.memory_space<vmem>>
      %dma_start3A_716 = arith.constant 0 : i32
      %dma_start3A_717 = tpu.memref_slice %arg4[%add3A_687, %add3A_689, %dma_start3A_716] : memref<50x4096x128xf32, #tpu.memory_space<hbm>> -> memref<1x64x128xf32, #tpu.memory_space<hbm>>
      %dma_start3A_718 = tpu.memref_squeeze %dma_start3A_717 : memref<1x64x128xf32, #tpu.memory_space<hbm>> -> memref<64x128xf32, #tpu.memory_space<hbm>>
      %dma_start3A_719 = tpu.memref_slice %arg8[%dma_start3A_711] : memref<10x!tpu.dma_semaphore, #tpu.memory_space<semaphore_mem>> -> memref<1x!tpu.dma_semaphore, #tpu.memory_space<semaphore_mem>>
      %dma_start3A_720 = tpu.memref_squeeze %dma_start3A_719 : memref<1x!tpu.dma_semaphore, #tpu.memory_space<semaphore_mem>> -> memref<!tpu.dma_semaphore, #tpu.memory_space<semaphore_mem>>
      %dma_start3A_721 = arith.constant 0 : i32
      %dma_start3A_722 = tpu.memref_slice %arg4[%add3A_687, %add3A_689, %dma_start3A_721] : memref<50x4096x128xf32, #tpu.memory_space<hbm>> -> memref<1x64x128xf32, #tpu.memory_space<hbm>>
      %dma_start3A_723 = tpu.memref_squeeze %dma_start3A_722 : memref<1x64x128xf32, #tpu.memory_space<hbm>> -> memref<64x128xf32, #tpu.memory_space<hbm>>
      %dma_start3A_724 = arith.constant 0 : i32
      %dma_start3A_725 = arith.constant 0 : i32
      %dma_start3A_726 = tpu.memref_slice %arg6[%dma_start3A_710, %dma_start3A_724, %dma_start3A_725] : memref<10x64x128xf32, #tpu.memory_space<vmem>> -> memref<1x64x128xf32, #tpu.memory_space<vmem>>
      %dma_start3A_727 = tpu.memref_squeeze %dma_start3A_726 : memref<1x64x128xf32, #tpu.memory_space<vmem>> -> memref<64x128xf32, #tpu.memory_space<vmem>>
      tpu.enqueue_dma source(%dma_start3A_727 : memref<64x128xf32, #tpu.memory_space<vmem>>) target(%dma_start3A_723 : memref<64x128xf32, #tpu.memory_space<hbm>>) target_semaphore(%dma_start3A_720 : memref<!tpu.dma_semaphore, #tpu.memory_space<semaphore_mem>>)
      %mul3A_728 = arith.constant 5 : i32
      %mul3A_729 = arith.muli %scan3A_217, %mul3A_728 : i32
      %add3A_730 = arith.constant 3 : i32
      %add3A_731 = arith.addi %mul3A_729, %add3A_730 : i32
      %add3A_732 = arith.constant 0 : i32
      %add3A_733 = arith.addi %mul3A_2, %add3A_732 : i32
      %dma_wait3A_734 = arith.constant 6 : i32
      %dma_wait3A_735 = arith.constant 6 : i32
      %dma_wait3A_736 = arith.constant 0 : i32
      %dma_wait3A_737 = arith.constant 0 : i32
      %dma_wait3A_738 = tpu.memref_slice %arg6[%dma_wait3A_734, %dma_wait3A_736, %dma_wait3A_737] : memref<10x64x128xf32, #tpu.memory_space<vmem>> -> memref<1x64x128xf32, #tpu.memory_space<vmem>>
      %dma_wait3A_739 = tpu.memref_squeeze %dma_wait3A_738 : memref<1x64x128xf32, #tpu.memory_space<vmem>> -> memref<64x128xf32, #tpu.memory_space<vmem>>
      %dma_wait3A_740 = arith.constant 0 : i32
      %dma_wait3A_741 = tpu.memref_slice %arg5[%add3A_731, %dma_wait3A_740] : memref<50x128xi32, #tpu.memory_space<vmem>> -> memref<1x64xi32, #tpu.memory_space<vmem>>
      %dma_wait3A_742 = tpu.memref_squeeze %dma_wait3A_741 : memref<1x64xi32, #tpu.memory_space<vmem>> -> memref<64xi32, #tpu.memory_space<vmem>>
      %dma_wait3A_743 = arith.constant 0 : i32
      %dma_wait3A_744 = arith.constant 0 : i32
      %dma_wait3A_745 = tpu.memref_slice %arg3[%dma_wait3A_743, %dma_wait3A_744] : memref<100000x128xf32, #tpu.memory_space<hbm>> -> memref<100000x128xf32, #tpu.memory_space<hbm>>
      %dma_wait3A_746 = tpu.memref_slice %arg7[%dma_wait3A_735] : memref<10x!tpu.dma_semaphore, #tpu.memory_space<semaphore_mem>> -> memref<1x!tpu.dma_semaphore, #tpu.memory_space<semaphore_mem>>
      %dma_wait3A_747 = tpu.memref_squeeze %dma_wait3A_746 : memref<1x!tpu.dma_semaphore, #tpu.memory_space<semaphore_mem>> -> memref<!tpu.dma_semaphore, #tpu.memory_space<semaphore_mem>>
      tpu.wait_indirect_dma semaphore(%dma_wait3A_747 : memref<!tpu.dma_semaphore, #tpu.memory_space<semaphore_mem>>) src(%dma_wait3A_745 : memref<100000x128xf32, #tpu.memory_space<hbm>>) dst(%dma_wait3A_739 : memref<64x128xf32, #tpu.memory_space<vmem>>)
      %scan3A_748 = arith.constant 0 : i32
      %scan3A_749 = arith.constant 0 : i32
      %scan3A_750 = arith.constant 64 : i32
      %scan3A_751 = arith.addi %scan3A_749, %scan3A_750 : i32
      %scan3A_752 = arith.constant 1 : i32
      scf.for %scan3A_904 = %scan3A_749 to %scan3A_751 step %scan3A_752  : i32 {
        %get3A = arith.constant 6 : i32
        %get3A_905 = arith.index_cast %get3A : i32 to index
        %get3A_906 = arith.index_cast %scan3A_904 : i32 to index
        %get3A_907 = arith.constant 0 : index
        %get3A_908 = tpu.vector_load %arg6[%get3A_905, %get3A_906, %get3A_907] {strides = array<i32>} : memref<10x64x128xf32, #tpu.memory_space<vmem>>, vector<1x1x16xf32>,
        %get3A_909 = vector.shape_cast %get3A_908 : vector<1x1x16xf32> to vector<16xf32>
        %mul3A_910 = arith.constant 11.3137083 : f32
        %mul3A_911 = vector.broadcast %mul3A_910 : f32 to vector<16xf32>
        %mul3A_912 = arith.mulf %get3A_909, %mul3A_911 : vector<16xf32>
        %swap3A = arith.constant 6 : i32
        %swap3A_913 = arith.index_cast %swap3A : i32 to index
        %swap3A_914 = arith.index_cast %scan3A_904 : i32 to index
        %swap3A_915 = arith.constant 0 : index
        %swap3A_916 = tpu.vector_load %arg6[%swap3A_913, %swap3A_914, %swap3A_915] {strides = array<i32>} : memref<10x64x128xf32, #tpu.memory_space<vmem>>, vector<1x1x16xf32>,
        %swap3A_917 = vector.shape_cast %swap3A_916 : vector<1x1x16xf32> to vector<16xf32>
        %swap3A_918 = vector.shape_cast %mul3A_912 : vector<16xf32> to vector<1x1x16xf32>
        tpu.vector_store %arg6[%swap3A_913, %swap3A_914, %swap3A_915], %swap3A_918 {strides = array<i32>} : memref<10x64x128xf32, #tpu.memory_space<vmem>>, vector<1x1x16xf32>,
        %get3A_919 = arith.constant 6 : i32
        %get3A_920 = arith.index_cast %get3A_919 : i32 to index
        %get3A_921 = arith.index_cast %scan3A_904 : i32 to index
        %get3A_922 = arith.constant 16 : index
        %get3A_923 = tpu.vector_load %arg6[%get3A_920, %get3A_921, %get3A_922] {strides = array<i32>} : memref<10x64x128xf32, #tpu.memory_space<vmem>>, vector<1x1x16xf32>,
        %get3A_924 = vector.shape_cast %get3A_923 : vector<1x1x16xf32> to vector<16xf32>
        %mul3A_925 = arith.constant 11.3137083 : f32
        %mul3A_926 = vector.broadcast %mul3A_925 : f32 to vector<16xf32>
        %mul3A_927 = arith.mulf %get3A_924, %mul3A_926 : vector<16xf32>
        %swap3A_928 = arith.constant 6 : i32
        %swap3A_929 = arith.index_cast %swap3A_928 : i32 to index
        %swap3A_930 = arith.index_cast %scan3A_904 : i32 to index
        %swap3A_931 = arith.constant 16 : index
        %swap3A_932 = tpu.vector_load %arg6[%swap3A_929, %swap3A_930, %swap3A_931] {strides = array<i32>} : memref<10x64x128xf32, #tpu.memory_space<vmem>>, vector<1x1x16xf32>,
        %swap3A_933 = vector.shape_cast %swap3A_932 : vector<1x1x16xf32> to vector<16xf32>
        %swap3A_934 = vector.shape_cast %mul3A_927 : vector<16xf32> to vector<1x1x16xf32>
        tpu.vector_store %arg6[%swap3A_929, %swap3A_930, %swap3A_931], %swap3A_934 {strides = array<i32>} : memref<10x64x128xf32, #tpu.memory_space<vmem>>, vector<1x1x16xf32>,
        %get3A_935 = arith.constant 6 : i32
        %get3A_936 = arith.index_cast %get3A_935 : i32 to index
        %get3A_937 = arith.index_cast %scan3A_904 : i32 to index
        %get3A_938 = arith.constant 32 : index
        %get3A_939 = tpu.vector_load %arg6[%get3A_936, %get3A_937, %get3A_938] {strides = array<i32>} : memref<10x64x128xf32, #tpu.memory_space<vmem>>, vector<1x1x16xf32>,
        %get3A_940 = vector.shape_cast %get3A_939 : vector<1x1x16xf32> to vector<16xf32>
        %mul3A_941 = arith.constant 11.3137083 : f32
        %mul3A_942 = vector.broadcast %mul3A_941 : f32 to vector<16xf32>
        %mul3A_943 = arith.mulf %get3A_940, %mul3A_942 : vector<16xf32>
        %swap3A_944 = arith.constant 6 : i32
        %swap3A_945 = arith.index_cast %swap3A_944 : i32 to index
        %swap3A_946 = arith.index_cast %scan3A_904 : i32 to index
        %swap3A_947 = arith.constant 32 : index
        %swap3A_948 = tpu.vector_load %arg6[%swap3A_945, %swap3A_946, %swap3A_947] {strides = array<i32>} : memref<10x64x128xf32, #tpu.memory_space<vmem>>, vector<1x1x16xf32>,
        %swap3A_949 = vector.shape_cast %swap3A_948 : vector<1x1x16xf32> to vector<16xf32>
        %swap3A_950 = vector.shape_cast %mul3A_943 : vector<16xf32> to vector<1x1x16xf32>
        tpu.vector_store %arg6[%swap3A_945, %swap3A_946, %swap3A_947], %swap3A_950 {strides = array<i32>} : memref<10x64x128xf32, #tpu.memory_space<vmem>>, vector<1x1x16xf32>,
        %get3A_951 = arith.constant 6 : i32
        %get3A_952 = arith.index_cast %get3A_951 : i32 to index
        %get3A_953 = arith.index_cast %scan3A_904 : i32 to index
        %get3A_954 = arith.constant 48 : index
        %get3A_955 = tpu.vector_load %arg6[%get3A_952, %get3A_953, %get3A_954] {strides = array<i32>} : memref<10x64x128xf32, #tpu.memory_space<vmem>>, vector<1x1x16xf32>,
        %get3A_956 = vector.shape_cast %get3A_955 : vector<1x1x16xf32> to vector<16xf32>
        %mul3A_957 = arith.constant 11.3137083 : f32
        %mul3A_958 = vector.broadcast %mul3A_957 : f32 to vector<16xf32>
        %mul3A_959 = arith.mulf %get3A_956, %mul3A_958 : vector<16xf32>
        %swap3A_960 = arith.constant 6 : i32
        %swap3A_961 = arith.index_cast %swap3A_960 : i32 to index
        %swap3A_962 = arith.index_cast %scan3A_904 : i32 to index
        %swap3A_963 = arith.constant 48 : index
        %swap3A_964 = tpu.vector_load %arg6[%swap3A_961, %swap3A_962, %swap3A_963] {strides = array<i32>} : memref<10x64x128xf32, #tpu.memory_space<vmem>>, vector<1x1x16xf32>,
        %swap3A_965 = vector.shape_cast %swap3A_964 : vector<1x1x16xf32> to vector<16xf32>
        %swap3A_966 = vector.shape_cast %mul3A_959 : vector<16xf32> to vector<1x1x16xf32>
        tpu.vector_store %arg6[%swap3A_961, %swap3A_962, %swap3A_963], %swap3A_966 {strides = array<i32>} : memref<10x64x128xf32, #tpu.memory_space<vmem>>, vector<1x1x16xf32>,
        %get3A_967 = arith.constant 6 : i32
        %get3A_968 = arith.index_cast %get3A_967 : i32 to index
        %get3A_969 = arith.index_cast %scan3A_904 : i32 to index
        %get3A_970 = arith.constant 64 : index
        %get3A_971 = tpu.vector_load %arg6[%get3A_968, %get3A_969, %get3A_970] {strides = array<i32>} : memref<10x64x128xf32, #tpu.memory_space<vmem>>, vector<1x1x16xf32>,
        %get3A_972 = vector.shape_cast %get3A_971 : vector<1x1x16xf32> to vector<16xf32>
        %mul3A_973 = arith.constant 11.3137083 : f32
        %mul3A_974 = vector.broadcast %mul3A_973 : f32 to vector<16xf32>
        %mul3A_975 = arith.mulf %get3A_972, %mul3A_974 : vector<16xf32>
        %swap3A_976 = arith.constant 6 : i32
        %swap3A_977 = arith.index_cast %swap3A_976 : i32 to index
        %swap3A_978 = arith.index_cast %scan3A_904 : i32 to index
        %swap3A_979 = arith.constant 64 : index
        %swap3A_980 = tpu.vector_load %arg6[%swap3A_977, %swap3A_978, %swap3A_979] {strides = array<i32>} : memref<10x64x128xf32, #tpu.memory_space<vmem>>, vector<1x1x16xf32>,
        %swap3A_981 = vector.shape_cast %swap3A_980 : vector<1x1x16xf32> to vector<16xf32>
        %swap3A_982 = vector.shape_cast %mul3A_975 : vector<16xf32> to vector<1x1x16xf32>
        tpu.vector_store %arg6[%swap3A_977, %swap3A_978, %swap3A_979], %swap3A_982 {strides = array<i32>} : memref<10x64x128xf32, #tpu.memory_space<vmem>>, vector<1x1x16xf32>,
        %get3A_983 = arith.constant 6 : i32
        %get3A_984 = arith.index_cast %get3A_983 : i32 to index
        %get3A_985 = arith.index_cast %scan3A_904 : i32 to index
        %get3A_986 = arith.constant 80 : index
        %get3A_987 = tpu.vector_load %arg6[%get3A_984, %get3A_985, %get3A_986] {strides = array<i32>} : memref<10x64x128xf32, #tpu.memory_space<vmem>>, vector<1x1x16xf32>,
        %get3A_988 = vector.shape_cast %get3A_987 : vector<1x1x16xf32> to vector<16xf32>
        %mul3A_989 = arith.constant 11.3137083 : f32
        %mul3A_990 = vector.broadcast %mul3A_989 : f32 to vector<16xf32>
        %mul3A_991 = arith.mulf %get3A_988, %mul3A_990 : vector<16xf32>
        %swap3A_992 = arith.constant 6 : i32
        %swap3A_993 = arith.index_cast %swap3A_992 : i32 to index
        %swap3A_994 = arith.index_cast %scan3A_904 : i32 to index
        %swap3A_995 = arith.constant 80 : index
        %swap3A_996 = tpu.vector_load %arg6[%swap3A_993, %swap3A_994, %swap3A_995] {strides = array<i32>} : memref<10x64x128xf32, #tpu.memory_space<vmem>>, vector<1x1x16xf32>,
        %swap3A_997 = vector.shape_cast %swap3A_996 : vector<1x1x16xf32> to vector<16xf32>
        %swap3A_998 = vector.shape_cast %mul3A_991 : vector<16xf32> to vector<1x1x16xf32>
        tpu.vector_store %arg6[%swap3A_993, %swap3A_994, %swap3A_995], %swap3A_998 {strides = array<i32>} : memref<10x64x128xf32, #tpu.memory_space<vmem>>, vector<1x1x16xf32>,
        %get3A_999 = arith.constant 6 : i32
        %get3A_1000 = arith.index_cast %get3A_999 : i32 to index
        %get3A_1001 = arith.index_cast %scan3A_904 : i32 to index
        %get3A_1002 = arith.constant 96 : index
        %get3A_1003 = tpu.vector_load %arg6[%get3A_1000, %get3A_1001, %get3A_1002] {strides = array<i32>} : memref<10x64x128xf32, #tpu.memory_space<vmem>>, vector<1x1x16xf32>,
        %get3A_1004 = vector.shape_cast %get3A_1003 : vector<1x1x16xf32> to vector<16xf32>
        %mul3A_1005 = arith.constant 11.3137083 : f32
        %mul3A_1006 = vector.broadcast %mul3A_1005 : f32 to vector<16xf32>
        %mul3A_1007 = arith.mulf %get3A_1004, %mul3A_1006 : vector<16xf32>
        %swap3A_1008 = arith.constant 6 : i32
        %swap3A_1009 = arith.index_cast %swap3A_1008 : i32 to index
        %swap3A_1010 = arith.index_cast %scan3A_904 : i32 to index
        %swap3A_1011 = arith.constant 96 : index
        %swap3A_1012 = tpu.vector_load %arg6[%swap3A_1009, %swap3A_1010, %swap3A_1011] {strides = array<i32>} : memref<10x64x128xf32, #tpu.memory_space<vmem>>, vector<1x1x16xf32>,
        %swap3A_1013 = vector.shape_cast %swap3A_1012 : vector<1x1x16xf32> to vector<16xf32>
        %swap3A_1014 = vector.shape_cast %mul3A_1007 : vector<16xf32> to vector<1x1x16xf32>
        tpu.vector_store %arg6[%swap3A_1009, %swap3A_1010, %swap3A_1011], %swap3A_1014 {strides = array<i32>} : memref<10x64x128xf32, #tpu.memory_space<vmem>>, vector<1x1x16xf32>,
        %get3A_1015 = arith.constant 6 : i32
        %get3A_1016 = arith.index_cast %get3A_1015 : i32 to index
        %get3A_1017 = arith.index_cast %scan3A_904 : i32 to index
        %get3A_1018 = arith.constant 112 : index
        %get3A_1019 = tpu.vector_load %arg6[%get3A_1016, %get3A_1017, %get3A_1018] {strides = array<i32>} : memref<10x64x128xf32, #tpu.memory_space<vmem>>, vector<1x1x16xf32>,
        %get3A_1020 = vector.shape_cast %get3A_1019 : vector<1x1x16xf32> to vector<16xf32>
        %mul3A_1021 = arith.constant 11.3137083 : f32
        %mul3A_1022 = vector.broadcast %mul3A_1021 : f32 to vector<16xf32>
        %mul3A_1023 = arith.mulf %get3A_1020, %mul3A_1022 : vector<16xf32>
        %swap3A_1024 = arith.constant 6 : i32
        %swap3A_1025 = arith.index_cast %swap3A_1024 : i32 to index
        %swap3A_1026 = arith.index_cast %scan3A_904 : i32 to index
        %swap3A_1027 = arith.constant 112 : index
        %swap3A_1028 = tpu.vector_load %arg6[%swap3A_1025, %swap3A_1026, %swap3A_1027] {strides = array<i32>} : memref<10x64x128xf32, #tpu.memory_space<vmem>>, vector<1x1x16xf32>,
        %swap3A_1029 = vector.shape_cast %swap3A_1028 : vector<1x1x16xf32> to vector<16xf32>
        %swap3A_1030 = vector.shape_cast %mul3A_1023 : vector<16xf32> to vector<1x1x16xf32>
        tpu.vector_store %arg6[%swap3A_1025, %swap3A_1026, %swap3A_1027], %swap3A_1030 {strides = array<i32>} : memref<10x64x128xf32, #tpu.memory_space<vmem>>, vector<1x1x16xf32>,
      }
      %scan3A_753 = arith.constant 64 : i32
      %dma_start3A_754 = arith.constant 6 : i32
      %dma_start3A_755 = arith.constant 6 : i32
      %dma_start3A_756 = arith.constant 0 : i32
      %dma_start3A_757 = arith.constant 0 : i32
      %dma_start3A_758 = tpu.memref_slice %arg6[%dma_start3A_754, %dma_start3A_756, %dma_start3A_757] : memref<10x64x128xf32, #tpu.memory_space<vmem>> -> memref<1x64x128xf32, #tpu.memory_space<vmem>>
      %dma_start3A_759 = tpu.memref_squeeze %dma_start3A_758 : memref<1x64x128xf32, #tpu.memory_space<vmem>> -> memref<64x128xf32, #tpu.memory_space<vmem>>
      %dma_start3A_760 = arith.constant 0 : i32
      %dma_start3A_761 = tpu.memref_slice %arg4[%add3A_731, %add3A_733, %dma_start3A_760] : memref<50x4096x128xf32, #tpu.memory_space<hbm>> -> memref<1x64x128xf32, #tpu.memory_space<hbm>>
      %dma_start3A_762 = tpu.memref_squeeze %dma_start3A_761 : memref<1x64x128xf32, #tpu.memory_space<hbm>> -> memref<64x128xf32, #tpu.memory_space<hbm>>
      %dma_start3A_763 = tpu.memref_slice %arg8[%dma_start3A_755] : memref<10x!tpu.dma_semaphore, #tpu.memory_space<semaphore_mem>> -> memref<1x!tpu.dma_semaphore, #tpu.memory_space<semaphore_mem>>
      %dma_start3A_764 = tpu.memref_squeeze %dma_start3A_763 : memref<1x!tpu.dma_semaphore, #tpu.memory_space<semaphore_mem>> -> memref<!tpu.dma_semaphore, #tpu.memory_space<semaphore_mem>>
      %dma_start3A_765 = arith.constant 0 : i32
      %dma_start3A_766 = tpu.memref_slice %arg4[%add3A_731, %add3A_733, %dma_start3A_765] : memref<50x4096x128xf32, #tpu.memory_space<hbm>> -> memref<1x64x128xf32, #tpu.memory_space<hbm>>
      %dma_start3A_767 = tpu.memref_squeeze %dma_start3A_766 : memref<1x64x128xf32, #tpu.memory_space<hbm>> -> memref<64x128xf32, #tpu.memory_space<hbm>>
      %dma_start3A_768 = arith.constant 0 : i32
      %dma_start3A_769 = arith.constant 0 : i32
      %dma_start3A_770 = tpu.memref_slice %arg6[%dma_start3A_754, %dma_start3A_768, %dma_start3A_769] : memref<10x64x128xf32, #tpu.memory_space<vmem>> -> memref<1x64x128xf32, #tpu.memory_space<vmem>>
      %dma_start3A_771 = tpu.memref_squeeze %dma_start3A_770 : memref<1x64x128xf32, #tpu.memory_space<vmem>> -> memref<64x128xf32, #tpu.memory_space<vmem>>
      tpu.enqueue_dma source(%dma_start3A_771 : memref<64x128xf32, #tpu.memory_space<vmem>>) target(%dma_start3A_767 : memref<64x128xf32, #tpu.memory_space<hbm>>) target_semaphore(%dma_start3A_764 : memref<!tpu.dma_semaphore, #tpu.memory_space<semaphore_mem>>)
      %mul3A_772 = arith.constant 5 : i32
      %mul3A_773 = arith.muli %scan3A_217, %mul3A_772 : i32
      %add3A_774 = arith.constant 3 : i32
      %add3A_775 = arith.addi %mul3A_773, %add3A_774 : i32
      %add3A_776 = arith.constant 64 : i32
      %add3A_777 = arith.addi %mul3A_2, %add3A_776 : i32
      %dma_wait3A_778 = arith.constant 7 : i32
      %dma_wait3A_779 = arith.constant 7 : i32
      %dma_wait3A_780 = arith.constant 0 : i32
      %dma_wait3A_781 = arith.constant 0 : i32
      %dma_wait3A_782 = tpu.memref_slice %arg6[%dma_wait3A_778, %dma_wait3A_780, %dma_wait3A_781] : memref<10x64x128xf32, #tpu.memory_space<vmem>> -> memref<1x64x128xf32, #tpu.memory_space<vmem>>
      %dma_wait3A_783 = tpu.memref_squeeze %dma_wait3A_782 : memref<1x64x128xf32, #tpu.memory_space<vmem>> -> memref<64x128xf32, #tpu.memory_space<vmem>>
      %dma_wait3A_784 = arith.constant 64 : i32
      %dma_wait3A_785 = tpu.memref_slice %arg5[%add3A_775, %dma_wait3A_784] : memref<50x128xi32, #tpu.memory_space<vmem>> -> memref<1x64xi32, #tpu.memory_space<vmem>>
      %dma_wait3A_786 = tpu.memref_squeeze %dma_wait3A_785 : memref<1x64xi32, #tpu.memory_space<vmem>> -> memref<64xi32, #tpu.memory_space<vmem>>
      %dma_wait3A_787 = arith.constant 0 : i32
      %dma_wait3A_788 = arith.constant 0 : i32
      %dma_wait3A_789 = tpu.memref_slice %arg3[%dma_wait3A_787, %dma_wait3A_788] : memref<100000x128xf32, #tpu.memory_space<hbm>> -> memref<100000x128xf32, #tpu.memory_space<hbm>>
      %dma_wait3A_790 = tpu.memref_slice %arg7[%dma_wait3A_779] : memref<10x!tpu.dma_semaphore, #tpu.memory_space<semaphore_mem>> -> memref<1x!tpu.dma_semaphore, #tpu.memory_space<semaphore_mem>>
      %dma_wait3A_791 = tpu.memref_squeeze %dma_wait3A_790 : memref<1x!tpu.dma_semaphore, #tpu.memory_space<semaphore_mem>> -> memref<!tpu.dma_semaphore, #tpu.memory_space<semaphore_mem>>
      tpu.wait_indirect_dma semaphore(%dma_wait3A_791 : memref<!tpu.dma_semaphore, #tpu.memory_space<semaphore_mem>>) src(%dma_wait3A_789 : memref<100000x128xf32, #tpu.memory_space<hbm>>) dst(%dma_wait3A_783 : memref<64x128xf32, #tpu.memory_space<vmem>>)
      %scan3A_792 = arith.constant 0 : i32
      %scan3A_793 = arith.constant 0 : i32
      %scan3A_794 = arith.constant 64 : i32
      %scan3A_795 = arith.addi %scan3A_793, %scan3A_794 : i32
      %scan3A_796 = arith.constant 1 : i32
      scf.for %scan3A_904 = %scan3A_793 to %scan3A_795 step %scan3A_796  : i32 {
        %get3A = arith.constant 7 : i32
        %get3A_905 = arith.index_cast %get3A : i32 to index
        %get3A_906 = arith.index_cast %scan3A_904 : i32 to index
        %get3A_907 = arith.constant 0 : index
        %get3A_908 = tpu.vector_load %arg6[%get3A_905, %get3A_906, %get3A_907] {strides = array<i32>} : memref<10x64x128xf32, #tpu.memory_space<vmem>>, vector<1x1x16xf32>,
        %get3A_909 = vector.shape_cast %get3A_908 : vector<1x1x16xf32> to vector<16xf32>
        %mul3A_910 = arith.constant 11.3137083 : f32
        %mul3A_911 = vector.broadcast %mul3A_910 : f32 to vector<16xf32>
        %mul3A_912 = arith.mulf %get3A_909, %mul3A_911 : vector<16xf32>
        %swap3A = arith.constant 7 : i32
        %swap3A_913 = arith.index_cast %swap3A : i32 to index
        %swap3A_914 = arith.index_cast %scan3A_904 : i32 to index
        %swap3A_915 = arith.constant 0 : index
        %swap3A_916 = tpu.vector_load %arg6[%swap3A_913, %swap3A_914, %swap3A_915] {strides = array<i32>} : memref<10x64x128xf32, #tpu.memory_space<vmem>>, vector<1x1x16xf32>,
        %swap3A_917 = vector.shape_cast %swap3A_916 : vector<1x1x16xf32> to vector<16xf32>
        %swap3A_918 = vector.shape_cast %mul3A_912 : vector<16xf32> to vector<1x1x16xf32>
        tpu.vector_store %arg6[%swap3A_913, %swap3A_914, %swap3A_915], %swap3A_918 {strides = array<i32>} : memref<10x64x128xf32, #tpu.memory_space<vmem>>, vector<1x1x16xf32>,
        %get3A_919 = arith.constant 7 : i32
        %get3A_920 = arith.index_cast %get3A_919 : i32 to index
        %get3A_921 = arith.index_cast %scan3A_904 : i32 to index
        %get3A_922 = arith.constant 16 : index
        %get3A_923 = tpu.vector_load %arg6[%get3A_920, %get3A_921, %get3A_922] {strides = array<i32>} : memref<10x64x128xf32, #tpu.memory_space<vmem>>, vector<1x1x16xf32>,
        %get3A_924 = vector.shape_cast %get3A_923 : vector<1x1x16xf32> to vector<16xf32>
        %mul3A_925 = arith.constant 11.3137083 : f32
        %mul3A_926 = vector.broadcast %mul3A_925 : f32 to vector<16xf32>
        %mul3A_927 = arith.mulf %get3A_924, %mul3A_926 : vector<16xf32>
        %swap3A_928 = arith.constant 7 : i32
        %swap3A_929 = arith.index_cast %swap3A_928 : i32 to index
        %swap3A_930 = arith.index_cast %scan3A_904 : i32 to index
        %swap3A_931 = arith.constant 16 : index
        %swap3A_932 = tpu.vector_load %arg6[%swap3A_929, %swap3A_930, %swap3A_931] {strides = array<i32>} : memref<10x64x128xf32, #tpu.memory_space<vmem>>, vector<1x1x16xf32>,
        %swap3A_933 = vector.shape_cast %swap3A_932 : vector<1x1x16xf32> to vector<16xf32>
        %swap3A_934 = vector.shape_cast %mul3A_927 : vector<16xf32> to vector<1x1x16xf32>
        tpu.vector_store %arg6[%swap3A_929, %swap3A_930, %swap3A_931], %swap3A_934 {strides = array<i32>} : memref<10x64x128xf32, #tpu.memory_space<vmem>>, vector<1x1x16xf32>,
        %get3A_935 = arith.constant 7 : i32
        %get3A_936 = arith.index_cast %get3A_935 : i32 to index
        %get3A_937 = arith.index_cast %scan3A_904 : i32 to index
        %get3A_938 = arith.constant 32 : index
        %get3A_939 = tpu.vector_load %arg6[%get3A_936, %get3A_937, %get3A_938] {strides = array<i32>} : memref<10x64x128xf32, #tpu.memory_space<vmem>>, vector<1x1x16xf32>,
        %get3A_940 = vector.shape_cast %get3A_939 : vector<1x1x16xf32> to vector<16xf32>
        %mul3A_941 = arith.constant 11.3137083 : f32
        %mul3A_942 = vector.broadcast %mul3A_941 : f32 to vector<16xf32>
        %mul3A_943 = arith.mulf %get3A_940, %mul3A_942 : vector<16xf32>
        %swap3A_944 = arith.constant 7 : i32
        %swap3A_945 = arith.index_cast %swap3A_944 : i32 to index
        %swap3A_946 = arith.index_cast %scan3A_904 : i32 to index
        %swap3A_947 = arith.constant 32 : index
        %swap3A_948 = tpu.vector_load %arg6[%swap3A_945, %swap3A_946, %swap3A_947] {strides = array<i32>} : memref<10x64x128xf32, #tpu.memory_space<vmem>>, vector<1x1x16xf32>,
        %swap3A_949 = vector.shape_cast %swap3A_948 : vector<1x1x16xf32> to vector<16xf32>
        %swap3A_950 = vector.shape_cast %mul3A_943 : vector<16xf32> to vector<1x1x16xf32>
        tpu.vector_store %arg6[%swap3A_945, %swap3A_946, %swap3A_947], %swap3A_950 {strides = array<i32>} : memref<10x64x128xf32, #tpu.memory_space<vmem>>, vector<1x1x16xf32>,
        %get3A_951 = arith.constant 7 : i32
        %get3A_952 = arith.index_cast %get3A_951 : i32 to index
        %get3A_953 = arith.index_cast %scan3A_904 : i32 to index
        %get3A_954 = arith.constant 48 : index
        %get3A_955 = tpu.vector_load %arg6[%get3A_952, %get3A_953, %get3A_954] {strides = array<i32>} : memref<10x64x128xf32, #tpu.memory_space<vmem>>, vector<1x1x16xf32>,
        %get3A_956 = vector.shape_cast %get3A_955 : vector<1x1x16xf32> to vector<16xf32>
        %mul3A_957 = arith.constant 11.3137083 : f32
        %mul3A_958 = vector.broadcast %mul3A_957 : f32 to vector<16xf32>
        %mul3A_959 = arith.mulf %get3A_956, %mul3A_958 : vector<16xf32>
        %swap3A_960 = arith.constant 7 : i32
        %swap3A_961 = arith.index_cast %swap3A_960 : i32 to index
        %swap3A_962 = arith.index_cast %scan3A_904 : i32 to index
        %swap3A_963 = arith.constant 48 : index
        %swap3A_964 = tpu.vector_load %arg6[%swap3A_961, %swap3A_962, %swap3A_963] {strides = array<i32>} : memref<10x64x128xf32, #tpu.memory_space<vmem>>, vector<1x1x16xf32>,
        %swap3A_965 = vector.shape_cast %swap3A_964 : vector<1x1x16xf32> to vector<16xf32>
        %swap3A_966 = vector.shape_cast %mul3A_959 : vector<16xf32> to vector<1x1x16xf32>
        tpu.vector_store %arg6[%swap3A_961, %swap3A_962, %swap3A_963], %swap3A_966 {strides = array<i32>} : memref<10x64x128xf32, #tpu.memory_space<vmem>>, vector<1x1x16xf32>,
        %get3A_967 = arith.constant 7 : i32
        %get3A_968 = arith.index_cast %get3A_967 : i32 to index
        %get3A_969 = arith.index_cast %scan3A_904 : i32 to index
        %get3A_970 = arith.constant 64 : index
        %get3A_971 = tpu.vector_load %arg6[%get3A_968, %get3A_969, %get3A_970] {strides = array<i32>} : memref<10x64x128xf32, #tpu.memory_space<vmem>>, vector<1x1x16xf32>,
        %get3A_972 = vector.shape_cast %get3A_971 : vector<1x1x16xf32> to vector<16xf32>
        %mul3A_973 = arith.constant 11.3137083 : f32
        %mul3A_974 = vector.broadcast %mul3A_973 : f32 to vector<16xf32>
        %mul3A_975 = arith.mulf %get3A_972, %mul3A_974 : vector<16xf32>
        %swap3A_976 = arith.constant 7 : i32
        %swap3A_977 = arith.index_cast %swap3A_976 : i32 to index
        %swap3A_978 = arith.index_cast %scan3A_904 : i32 to index
        %swap3A_979 = arith.constant 64 : index
        %swap3A_980 = tpu.vector_load %arg6[%swap3A_977, %swap3A_978, %swap3A_979] {strides = array<i32>} : memref<10x64x128xf32, #tpu.memory_space<vmem>>, vector<1x1x16xf32>,
        %swap3A_981 = vector.shape_cast %swap3A_980 : vector<1x1x16xf32> to vector<16xf32>
        %swap3A_982 = vector.shape_cast %mul3A_975 : vector<16xf32> to vector<1x1x16xf32>
        tpu.vector_store %arg6[%swap3A_977, %swap3A_978, %swap3A_979], %swap3A_982 {strides = array<i32>} : memref<10x64x128xf32, #tpu.memory_space<vmem>>, vector<1x1x16xf32>,
        %get3A_983 = arith.constant 7 : i32
        %get3A_984 = arith.index_cast %get3A_983 : i32 to index
        %get3A_985 = arith.index_cast %scan3A_904 : i32 to index
        %get3A_986 = arith.constant 80 : index
        %get3A_987 = tpu.vector_load %arg6[%get3A_984, %get3A_985, %get3A_986] {strides = array<i32>} : memref<10x64x128xf32, #tpu.memory_space<vmem>>, vector<1x1x16xf32>,
        %get3A_988 = vector.shape_cast %get3A_987 : vector<1x1x16xf32> to vector<16xf32>
        %mul3A_989 = arith.constant 11.3137083 : f32
        %mul3A_990 = vector.broadcast %mul3A_989 : f32 to vector<16xf32>
        %mul3A_991 = arith.mulf %get3A_988, %mul3A_990 : vector<16xf32>
        %swap3A_992 = arith.constant 7 : i32
        %swap3A_993 = arith.index_cast %swap3A_992 : i32 to index
        %swap3A_994 = arith.index_cast %scan3A_904 : i32 to index
        %swap3A_995 = arith.constant 80 : index
        %swap3A_996 = tpu.vector_load %arg6[%swap3A_993, %swap3A_994, %swap3A_995] {strides = array<i32>} : memref<10x64x128xf32, #tpu.memory_space<vmem>>, vector<1x1x16xf32>,
        %swap3A_997 = vector.shape_cast %swap3A_996 : vector<1x1x16xf32> to vector<16xf32>
        %swap3A_998 = vector.shape_cast %mul3A_991 : vector<16xf32> to vector<1x1x16xf32>
        tpu.vector_store %arg6[%swap3A_993, %swap3A_994, %swap3A_995], %swap3A_998 {strides = array<i32>} : memref<10x64x128xf32, #tpu.memory_space<vmem>>, vector<1x1x16xf32>,
        %get3A_999 = arith.constant 7 : i32
        %get3A_1000 = arith.index_cast %get3A_999 : i32 to index
        %get3A_1001 = arith.index_cast %scan3A_904 : i32 to index
        %get3A_1002 = arith.constant 96 : index
        %get3A_1003 = tpu.vector_load %arg6[%get3A_1000, %get3A_1001, %get3A_1002] {strides = array<i32>} : memref<10x64x128xf32, #tpu.memory_space<vmem>>, vector<1x1x16xf32>,
        %get3A_1004 = vector.shape_cast %get3A_1003 : vector<1x1x16xf32> to vector<16xf32>
        %mul3A_1005 = arith.constant 11.3137083 : f32
        %mul3A_1006 = vector.broadcast %mul3A_1005 : f32 to vector<16xf32>
        %mul3A_1007 = arith.mulf %get3A_1004, %mul3A_1006 : vector<16xf32>
        %swap3A_1008 = arith.constant 7 : i32
        %swap3A_1009 = arith.index_cast %swap3A_1008 : i32 to index
        %swap3A_1010 = arith.index_cast %scan3A_904 : i32 to index
        %swap3A_1011 = arith.constant 96 : index
        %swap3A_1012 = tpu.vector_load %arg6[%swap3A_1009, %swap3A_1010, %swap3A_1011] {strides = array<i32>} : memref<10x64x128xf32, #tpu.memory_space<vmem>>, vector<1x1x16xf32>,
        %swap3A_1013 = vector.shape_cast %swap3A_1012 : vector<1x1x16xf32> to vector<16xf32>
        %swap3A_1014 = vector.shape_cast %mul3A_1007 : vector<16xf32> to vector<1x1x16xf32>
        tpu.vector_store %arg6[%swap3A_1009, %swap3A_1010, %swap3A_1011], %swap3A_1014 {strides = array<i32>} : memref<10x64x128xf32, #tpu.memory_space<vmem>>, vector<1x1x16xf32>,
        %get3A_1015 = arith.constant 7 : i32
        %get3A_1016 = arith.index_cast %get3A_1015 : i32 to index
        %get3A_1017 = arith.index_cast %scan3A_904 : i32 to index
        %get3A_1018 = arith.constant 112 : index
        %get3A_1019 = tpu.vector_load %arg6[%get3A_1016, %get3A_1017, %get3A_1018] {strides = array<i32>} : memref<10x64x128xf32, #tpu.memory_space<vmem>>, vector<1x1x16xf32>,
        %get3A_1020 = vector.shape_cast %get3A_1019 : vector<1x1x16xf32> to vector<16xf32>
        %mul3A_1021 = arith.constant 11.3137083 : f32
        %mul3A_1022 = vector.broadcast %mul3A_1021 : f32 to vector<16xf32>
        %mul3A_1023 = arith.mulf %get3A_1020, %mul3A_1022 : vector<16xf32>
        %swap3A_1024 = arith.constant 7 : i32
        %swap3A_1025 = arith.index_cast %swap3A_1024 : i32 to index
        %swap3A_1026 = arith.index_cast %scan3A_904 : i32 to index
        %swap3A_1027 = arith.constant 112 : index
        %swap3A_1028 = tpu.vector_load %arg6[%swap3A_1025, %swap3A_1026, %swap3A_1027] {strides = array<i32>} : memref<10x64x128xf32, #tpu.memory_space<vmem>>, vector<1x1x16xf32>,
        %swap3A_1029 = vector.shape_cast %swap3A_1028 : vector<1x1x16xf32> to vector<16xf32>
        %swap3A_1030 = vector.shape_cast %mul3A_1023 : vector<16xf32> to vector<1x1x16xf32>
        tpu.vector_store %arg6[%swap3A_1025, %swap3A_1026, %swap3A_1027], %swap3A_1030 {strides = array<i32>} : memref<10x64x128xf32, #tpu.memory_space<vmem>>, vector<1x1x16xf32>,
      }
      %scan3A_797 = arith.constant 64 : i32
      %dma_start3A_798 = arith.constant 7 : i32
      %dma_start3A_799 = arith.constant 7 : i32
      %dma_start3A_800 = arith.constant 0 : i32
      %dma_start3A_801 = arith.constant 0 : i32
      %dma_start3A_802 = tpu.memref_slice %arg6[%dma_start3A_798, %dma_start3A_800, %dma_start3A_801] : memref<10x64x128xf32, #tpu.memory_space<vmem>> -> memref<1x64x128xf32, #tpu.memory_space<vmem>>
      %dma_start3A_803 = tpu.memref_squeeze %dma_start3A_802 : memref<1x64x128xf32, #tpu.memory_space<vmem>> -> memref<64x128xf32, #tpu.memory_space<vmem>>
      %dma_start3A_804 = arith.constant 0 : i32
      %dma_start3A_805 = tpu.memref_slice %arg4[%add3A_775, %add3A_777, %dma_start3A_804] : memref<50x4096x128xf32, #tpu.memory_space<hbm>> -> memref<1x64x128xf32, #tpu.memory_space<hbm>>
      %dma_start3A_806 = tpu.memref_squeeze %dma_start3A_805 : memref<1x64x128xf32, #tpu.memory_space<hbm>> -> memref<64x128xf32, #tpu.memory_space<hbm>>
      %dma_start3A_807 = tpu.memref_slice %arg8[%dma_start3A_799] : memref<10x!tpu.dma_semaphore, #tpu.memory_space<semaphore_mem>> -> memref<1x!tpu.dma_semaphore, #tpu.memory_space<semaphore_mem>>
      %dma_start3A_808 = tpu.memref_squeeze %dma_start3A_807 : memref<1x!tpu.dma_semaphore, #tpu.memory_space<semaphore_mem>> -> memref<!tpu.dma_semaphore, #tpu.memory_space<semaphore_mem>>
      %dma_start3A_809 = arith.constant 0 : i32
      %dma_start3A_810 = tpu.memref_slice %arg4[%add3A_775, %add3A_777, %dma_start3A_809] : memref<50x4096x128xf32, #tpu.memory_space<hbm>> -> memref<1x64x128xf32, #tpu.memory_space<hbm>>
      %dma_start3A_811 = tpu.memref_squeeze %dma_start3A_810 : memref<1x64x128xf32, #tpu.memory_space<hbm>> -> memref<64x128xf32, #tpu.memory_space<hbm>>
      %dma_start3A_812 = arith.constant 0 : i32
      %dma_start3A_813 = arith.constant 0 : i32
      %dma_start3A_814 = tpu.memref_slice %arg6[%dma_start3A_798, %dma_start3A_812, %dma_start3A_813] : memref<10x64x128xf32, #tpu.memory_space<vmem>> -> memref<1x64x128xf32, #tpu.memory_space<vmem>>
      %dma_start3A_815 = tpu.memref_squeeze %dma_start3A_814 : memref<1x64x128xf32, #tpu.memory_space<vmem>> -> memref<64x128xf32, #tpu.memory_space<vmem>>
      tpu.enqueue_dma source(%dma_start3A_815 : memref<64x128xf32, #tpu.memory_space<vmem>>) target(%dma_start3A_811 : memref<64x128xf32, #tpu.memory_space<hbm>>) target_semaphore(%dma_start3A_808 : memref<!tpu.dma_semaphore, #tpu.memory_space<semaphore_mem>>)
      %mul3A_816 = arith.constant 5 : i32
      %mul3A_817 = arith.muli %scan3A_217, %mul3A_816 : i32
      %add3A_818 = arith.constant 4 : i32
      %add3A_819 = arith.addi %mul3A_817, %add3A_818 : i32
      %add3A_820 = arith.constant 0 : i32
      %add3A_821 = arith.addi %mul3A_2, %add3A_820 : i32
      %dma_wait3A_822 = arith.constant 8 : i32
      %dma_wait3A_823 = arith.constant 8 : i32
      %dma_wait3A_824 = arith.constant 0 : i32
      %dma_wait3A_825 = arith.constant 0 : i32
      %dma_wait3A_826 = tpu.memref_slice %arg6[%dma_wait3A_822, %dma_wait3A_824, %dma_wait3A_825] : memref<10x64x128xf32, #tpu.memory_space<vmem>> -> memref<1x64x128xf32, #tpu.memory_space<vmem>>
      %dma_wait3A_827 = tpu.memref_squeeze %dma_wait3A_826 : memref<1x64x128xf32, #tpu.memory_space<vmem>> -> memref<64x128xf32, #tpu.memory_space<vmem>>
      %dma_wait3A_828 = arith.constant 0 : i32
      %dma_wait3A_829 = tpu.memref_slice %arg5[%add3A_819, %dma_wait3A_828] : memref<50x128xi32, #tpu.memory_space<vmem>> -> memref<1x64xi32, #tpu.memory_space<vmem>>
      %dma_wait3A_830 = tpu.memref_squeeze %dma_wait3A_829 : memref<1x64xi32, #tpu.memory_space<vmem>> -> memref<64xi32, #tpu.memory_space<vmem>>
      %dma_wait3A_831 = arith.constant 0 : i32
      %dma_wait3A_832 = arith.constant 0 : i32
      %dma_wait3A_833 = tpu.memref_slice %arg3[%dma_wait3A_831, %dma_wait3A_832] : memref<100000x128xf32, #tpu.memory_space<hbm>> -> memref<100000x128xf32, #tpu.memory_space<hbm>>
      %dma_wait3A_834 = tpu.memref_slice %arg7[%dma_wait3A_823] : memref<10x!tpu.dma_semaphore, #tpu.memory_space<semaphore_mem>> -> memref<1x!tpu.dma_semaphore, #tpu.memory_space<semaphore_mem>>
      %dma_wait3A_835 = tpu.memref_squeeze %dma_wait3A_834 : memref<1x!tpu.dma_semaphore, #tpu.memory_space<semaphore_mem>> -> memref<!tpu.dma_semaphore, #tpu.memory_space<semaphore_mem>>
      tpu.wait_indirect_dma semaphore(%dma_wait3A_835 : memref<!tpu.dma_semaphore, #tpu.memory_space<semaphore_mem>>) src(%dma_wait3A_833 : memref<100000x128xf32, #tpu.memory_space<hbm>>) dst(%dma_wait3A_827 : memref<64x128xf32, #tpu.memory_space<vmem>>)
      %scan3A_836 = arith.constant 0 : i32
      %scan3A_837 = arith.constant 0 : i32
      %scan3A_838 = arith.constant 64 : i32
      %scan3A_839 = arith.addi %scan3A_837, %scan3A_838 : i32
      %scan3A_840 = arith.constant 1 : i32
      scf.for %scan3A_904 = %scan3A_837 to %scan3A_839 step %scan3A_840  : i32 {
        %get3A = arith.constant 8 : i32
        %get3A_905 = arith.index_cast %get3A : i32 to index
        %get3A_906 = arith.index_cast %scan3A_904 : i32 to index
        %get3A_907 = arith.constant 0 : index
        %get3A_908 = tpu.vector_load %arg6[%get3A_905, %get3A_906, %get3A_907] {strides = array<i32>} : memref<10x64x128xf32, #tpu.memory_space<vmem>>, vector<1x1x16xf32>,
        %get3A_909 = vector.shape_cast %get3A_908 : vector<1x1x16xf32> to vector<16xf32>
        %mul3A_910 = arith.constant 11.3137083 : f32
        %mul3A_911 = vector.broadcast %mul3A_910 : f32 to vector<16xf32>
        %mul3A_912 = arith.mulf %get3A_909, %mul3A_911 : vector<16xf32>
        %swap3A = arith.constant 8 : i32
        %swap3A_913 = arith.index_cast %swap3A : i32 to index
        %swap3A_914 = arith.index_cast %scan3A_904 : i32 to index
        %swap3A_915 = arith.constant 0 : index
        %swap3A_916 = tpu.vector_load %arg6[%swap3A_913, %swap3A_914, %swap3A_915] {strides = array<i32>} : memref<10x64x128xf32, #tpu.memory_space<vmem>>, vector<1x1x16xf32>,
        %swap3A_917 = vector.shape_cast %swap3A_916 : vector<1x1x16xf32> to vector<16xf32>
        %swap3A_918 = vector.shape_cast %mul3A_912 : vector<16xf32> to vector<1x1x16xf32>
        tpu.vector_store %arg6[%swap3A_913, %swap3A_914, %swap3A_915], %swap3A_918 {strides = array<i32>} : memref<10x64x128xf32, #tpu.memory_space<vmem>>, vector<1x1x16xf32>,
        %get3A_919 = arith.constant 8 : i32
        %get3A_920 = arith.index_cast %get3A_919 : i32 to index
        %get3A_921 = arith.index_cast %scan3A_904 : i32 to index
        %get3A_922 = arith.constant 16 : index
        %get3A_923 = tpu.vector_load %arg6[%get3A_920, %get3A_921, %get3A_922] {strides = array<i32>} : memref<10x64x128xf32, #tpu.memory_space<vmem>>, vector<1x1x16xf32>,
        %get3A_924 = vector.shape_cast %get3A_923 : vector<1x1x16xf32> to vector<16xf32>
        %mul3A_925 = arith.constant 11.3137083 : f32
        %mul3A_926 = vector.broadcast %mul3A_925 : f32 to vector<16xf32>
        %mul3A_927 = arith.mulf %get3A_924, %mul3A_926 : vector<16xf32>
        %swap3A_928 = arith.constant 8 : i32
        %swap3A_929 = arith.index_cast %swap3A_928 : i32 to index
        %swap3A_930 = arith.index_cast %scan3A_904 : i32 to index
        %swap3A_931 = arith.constant 16 : index
        %swap3A_932 = tpu.vector_load %arg6[%swap3A_929, %swap3A_930, %swap3A_931] {strides = array<i32>} : memref<10x64x128xf32, #tpu.memory_space<vmem>>, vector<1x1x16xf32>,
        %swap3A_933 = vector.shape_cast %swap3A_932 : vector<1x1x16xf32> to vector<16xf32>
        %swap3A_934 = vector.shape_cast %mul3A_927 : vector<16xf32> to vector<1x1x16xf32>
        tpu.vector_store %arg6[%swap3A_929, %swap3A_930, %swap3A_931], %swap3A_934 {strides = array<i32>} : memref<10x64x128xf32, #tpu.memory_space<vmem>>, vector<1x1x16xf32>,
        %get3A_935 = arith.constant 8 : i32
        %get3A_936 = arith.index_cast %get3A_935 : i32 to index
        %get3A_937 = arith.index_cast %scan3A_904 : i32 to index
        %get3A_938 = arith.constant 32 : index
        %get3A_939 = tpu.vector_load %arg6[%get3A_936, %get3A_937, %get3A_938] {strides = array<i32>} : memref<10x64x128xf32, #tpu.memory_space<vmem>>, vector<1x1x16xf32>,
        %get3A_940 = vector.shape_cast %get3A_939 : vector<1x1x16xf32> to vector<16xf32>
        %mul3A_941 = arith.constant 11.3137083 : f32
        %mul3A_942 = vector.broadcast %mul3A_941 : f32 to vector<16xf32>
        %mul3A_943 = arith.mulf %get3A_940, %mul3A_942 : vector<16xf32>
        %swap3A_944 = arith.constant 8 : i32
        %swap3A_945 = arith.index_cast %swap3A_944 : i32 to index
        %swap3A_946 = arith.index_cast %scan3A_904 : i32 to index
        %swap3A_947 = arith.constant 32 : index
        %swap3A_948 = tpu.vector_load %arg6[%swap3A_945, %swap3A_946, %swap3A_947] {strides = array<i32>} : memref<10x64x128xf32, #tpu.memory_space<vmem>>, vector<1x1x16xf32>,
        %swap3A_949 = vector.shape_cast %swap3A_948 : vector<1x1x16xf32> to vector<16xf32>
        %swap3A_950 = vector.shape_cast %mul3A_943 : vector<16xf32> to vector<1x1x16xf32>
        tpu.vector_store %arg6[%swap3A_945, %swap3A_946, %swap3A_947], %swap3A_950 {strides = array<i32>} : memref<10x64x128xf32, #tpu.memory_space<vmem>>, vector<1x1x16xf32>,
        %get3A_951 = arith.constant 8 : i32
        %get3A_952 = arith.index_cast %get3A_951 : i32 to index
        %get3A_953 = arith.index_cast %scan3A_904 : i32 to index
        %get3A_954 = arith.constant 48 : index
        %get3A_955 = tpu.vector_load %arg6[%get3A_952, %get3A_953, %get3A_954] {strides = array<i32>} : memref<10x64x128xf32, #tpu.memory_space<vmem>>, vector<1x1x16xf32>,
        %get3A_956 = vector.shape_cast %get3A_955 : vector<1x1x16xf32> to vector<16xf32>
        %mul3A_957 = arith.constant 11.3137083 : f32
        %mul3A_958 = vector.broadcast %mul3A_957 : f32 to vector<16xf32>
        %mul3A_959 = arith.mulf %get3A_956, %mul3A_958 : vector<16xf32>
        %swap3A_960 = arith.constant 8 : i32
        %swap3A_961 = arith.index_cast %swap3A_960 : i32 to index
        %swap3A_962 = arith.index_cast %scan3A_904 : i32 to index
        %swap3A_963 = arith.constant 48 : index
        %swap3A_964 = tpu.vector_load %arg6[%swap3A_961, %swap3A_962, %swap3A_963] {strides = array<i32>} : memref<10x64x128xf32, #tpu.memory_space<vmem>>, vector<1x1x16xf32>,
        %swap3A_965 = vector.shape_cast %swap3A_964 : vector<1x1x16xf32> to vector<16xf32>
        %swap3A_966 = vector.shape_cast %mul3A_959 : vector<16xf32> to vector<1x1x16xf32>
        tpu.vector_store %arg6[%swap3A_961, %swap3A_962, %swap3A_963], %swap3A_966 {strides = array<i32>} : memref<10x64x128xf32, #tpu.memory_space<vmem>>, vector<1x1x16xf32>,
        %get3A_967 = arith.constant 8 : i32
        %get3A_968 = arith.index_cast %get3A_967 : i32 to index
        %get3A_969 = arith.index_cast %scan3A_904 : i32 to index
        %get3A_970 = arith.constant 64 : index
        %get3A_971 = tpu.vector_load %arg6[%get3A_968, %get3A_969, %get3A_970] {strides = array<i32>} : memref<10x64x128xf32, #tpu.memory_space<vmem>>, vector<1x1x16xf32>,
        %get3A_972 = vector.shape_cast %get3A_971 : vector<1x1x16xf32> to vector<16xf32>
        %mul3A_973 = arith.constant 11.3137083 : f32
        %mul3A_974 = vector.broadcast %mul3A_973 : f32 to vector<16xf32>
        %mul3A_975 = arith.mulf %get3A_972, %mul3A_974 : vector<16xf32>
        %swap3A_976 = arith.constant 8 : i32
        %swap3A_977 = arith.index_cast %swap3A_976 : i32 to index
        %swap3A_978 = arith.index_cast %scan3A_904 : i32 to index
        %swap3A_979 = arith.constant 64 : index
        %swap3A_980 = tpu.vector_load %arg6[%swap3A_977, %swap3A_978, %swap3A_979] {strides = array<i32>} : memref<10x64x128xf32, #tpu.memory_space<vmem>>, vector<1x1x16xf32>,
        %swap3A_981 = vector.shape_cast %swap3A_980 : vector<1x1x16xf32> to vector<16xf32>
        %swap3A_982 = vector.shape_cast %mul3A_975 : vector<16xf32> to vector<1x1x16xf32>
        tpu.vector_store %arg6[%swap3A_977, %swap3A_978, %swap3A_979], %swap3A_982 {strides = array<i32>} : memref<10x64x128xf32, #tpu.memory_space<vmem>>, vector<1x1x16xf32>,
        %get3A_983 = arith.constant 8 : i32
        %get3A_984 = arith.index_cast %get3A_983 : i32 to index
        %get3A_985 = arith.index_cast %scan3A_904 : i32 to index
        %get3A_986 = arith.constant 80 : index
        %get3A_987 = tpu.vector_load %arg6[%get3A_984, %get3A_985, %get3A_986] {strides = array<i32>} : memref<10x64x128xf32, #tpu.memory_space<vmem>>, vector<1x1x16xf32>,
        %get3A_988 = vector.shape_cast %get3A_987 : vector<1x1x16xf32> to vector<16xf32>
        %mul3A_989 = arith.constant 11.3137083 : f32
        %mul3A_990 = vector.broadcast %mul3A_989 : f32 to vector<16xf32>
        %mul3A_991 = arith.mulf %get3A_988, %mul3A_990 : vector<16xf32>
        %swap3A_992 = arith.constant 8 : i32
        %swap3A_993 = arith.index_cast %swap3A_992 : i32 to index
        %swap3A_994 = arith.index_cast %scan3A_904 : i32 to index
        %swap3A_995 = arith.constant 80 : index
        %swap3A_996 = tpu.vector_load %arg6[%swap3A_993, %swap3A_994, %swap3A_995] {strides = array<i32>} : memref<10x64x128xf32, #tpu.memory_space<vmem>>, vector<1x1x16xf32>,
        %swap3A_997 = vector.shape_cast %swap3A_996 : vector<1x1x16xf32> to vector<16xf32>
        %swap3A_998 = vector.shape_cast %mul3A_991 : vector<16xf32> to vector<1x1x16xf32>
        tpu.vector_store %arg6[%swap3A_993, %swap3A_994, %swap3A_995], %swap3A_998 {strides = array<i32>} : memref<10x64x128xf32, #tpu.memory_space<vmem>>, vector<1x1x16xf32>,
        %get3A_999 = arith.constant 8 : i32
        %get3A_1000 = arith.index_cast %get3A_999 : i32 to index
        %get3A_1001 = arith.index_cast %scan3A_904 : i32 to index
        %get3A_1002 = arith.constant 96 : index
        %get3A_1003 = tpu.vector_load %arg6[%get3A_1000, %get3A_1001, %get3A_1002] {strides = array<i32>} : memref<10x64x128xf32, #tpu.memory_space<vmem>>, vector<1x1x16xf32>,
        %get3A_1004 = vector.shape_cast %get3A_1003 : vector<1x1x16xf32> to vector<16xf32>
        %mul3A_1005 = arith.constant 11.3137083 : f32
        %mul3A_1006 = vector.broadcast %mul3A_1005 : f32 to vector<16xf32>
        %mul3A_1007 = arith.mulf %get3A_1004, %mul3A_1006 : vector<16xf32>
        %swap3A_1008 = arith.constant 8 : i32
        %swap3A_1009 = arith.index_cast %swap3A_1008 : i32 to index
        %swap3A_1010 = arith.index_cast %scan3A_904 : i32 to index
        %swap3A_1011 = arith.constant 96 : index
        %swap3A_1012 = tpu.vector_load %arg6[%swap3A_1009, %swap3A_1010, %swap3A_1011] {strides = array<i32>} : memref<10x64x128xf32, #tpu.memory_space<vmem>>, vector<1x1x16xf32>,
        %swap3A_1013 = vector.shape_cast %swap3A_1012 : vector<1x1x16xf32> to vector<16xf32>
        %swap3A_1014 = vector.shape_cast %mul3A_1007 : vector<16xf32> to vector<1x1x16xf32>
        tpu.vector_store %arg6[%swap3A_1009, %swap3A_1010, %swap3A_1011], %swap3A_1014 {strides = array<i32>} : memref<10x64x128xf32, #tpu.memory_space<vmem>>, vector<1x1x16xf32>,
        %get3A_1015 = arith.constant 8 : i32
        %get3A_1016 = arith.index_cast %get3A_1015 : i32 to index
        %get3A_1017 = arith.index_cast %scan3A_904 : i32 to index
        %get3A_1018 = arith.constant 112 : index
        %get3A_1019 = tpu.vector_load %arg6[%get3A_1016, %get3A_1017, %get3A_1018] {strides = array<i32>} : memref<10x64x128xf32, #tpu.memory_space<vmem>>, vector<1x1x16xf32>,
        %get3A_1020 = vector.shape_cast %get3A_1019 : vector<1x1x16xf32> to vector<16xf32>
        %mul3A_1021 = arith.constant 11.3137083 : f32
        %mul3A_1022 = vector.broadcast %mul3A_1021 : f32 to vector<16xf32>
        %mul3A_1023 = arith.mulf %get3A_1020, %mul3A_1022 : vector<16xf32>
        %swap3A_1024 = arith.constant 8 : i32
        %swap3A_1025 = arith.index_cast %swap3A_1024 : i32 to index
        %swap3A_1026 = arith.index_cast %scan3A_904 : i32 to index
        %swap3A_1027 = arith.constant 112 : index
        %swap3A_1028 = tpu.vector_load %arg6[%swap3A_1025, %swap3A_1026, %swap3A_1027] {strides = array<i32>} : memref<10x64x128xf32, #tpu.memory_space<vmem>>, vector<1x1x16xf32>,
        %swap3A_1029 = vector.shape_cast %swap3A_1028 : vector<1x1x16xf32> to vector<16xf32>
        %swap3A_1030 = vector.shape_cast %mul3A_1023 : vector<16xf32> to vector<1x1x16xf32>
        tpu.vector_store %arg6[%swap3A_1025, %swap3A_1026, %swap3A_1027], %swap3A_1030 {strides = array<i32>} : memref<10x64x128xf32, #tpu.memory_space<vmem>>, vector<1x1x16xf32>,
      }
      %scan3A_841 = arith.constant 64 : i32
      %dma_start3A_842 = arith.constant 8 : i32
      %dma_start3A_843 = arith.constant 8 : i32
      %dma_start3A_844 = arith.constant 0 : i32
      %dma_start3A_845 = arith.constant 0 : i32
      %dma_start3A_846 = tpu.memref_slice %arg6[%dma_start3A_842, %dma_start3A_844, %dma_start3A_845] : memref<10x64x128xf32, #tpu.memory_space<vmem>> -> memref<1x64x128xf32, #tpu.memory_space<vmem>>
      %dma_start3A_847 = tpu.memref_squeeze %dma_start3A_846 : memref<1x64x128xf32, #tpu.memory_space<vmem>> -> memref<64x128xf32, #tpu.memory_space<vmem>>
      %dma_start3A_848 = arith.constant 0 : i32
      %dma_start3A_849 = tpu.memref_slice %arg4[%add3A_819, %add3A_821, %dma_start3A_848] : memref<50x4096x128xf32, #tpu.memory_space<hbm>> -> memref<1x64x128xf32, #tpu.memory_space<hbm>>
      %dma_start3A_850 = tpu.memref_squeeze %dma_start3A_849 : memref<1x64x128xf32, #tpu.memory_space<hbm>> -> memref<64x128xf32, #tpu.memory_space<hbm>>
      %dma_start3A_851 = tpu.memref_slice %arg8[%dma_start3A_843] : memref<10x!tpu.dma_semaphore, #tpu.memory_space<semaphore_mem>> -> memref<1x!tpu.dma_semaphore, #tpu.memory_space<semaphore_mem>>
      %dma_start3A_852 = tpu.memref_squeeze %dma_start3A_851 : memref<1x!tpu.dma_semaphore, #tpu.memory_space<semaphore_mem>> -> memref<!tpu.dma_semaphore, #tpu.memory_space<semaphore_mem>>
      %dma_start3A_853 = arith.constant 0 : i32
      %dma_start3A_854 = tpu.memref_slice %arg4[%add3A_819, %add3A_821, %dma_start3A_853] : memref<50x4096x128xf32, #tpu.memory_space<hbm>> -> memref<1x64x128xf32, #tpu.memory_space<hbm>>
      %dma_start3A_855 = tpu.memref_squeeze %dma_start3A_854 : memref<1x64x128xf32, #tpu.memory_space<hbm>> -> memref<64x128xf32, #tpu.memory_space<hbm>>
      %dma_start3A_856 = arith.constant 0 : i32
      %dma_start3A_857 = arith.constant 0 : i32
      %dma_start3A_858 = tpu.memref_slice %arg6[%dma_start3A_842, %dma_start3A_856, %dma_start3A_857] : memref<10x64x128xf32, #tpu.memory_space<vmem>> -> memref<1x64x128xf32, #tpu.memory_space<vmem>>
      %dma_start3A_859 = tpu.memref_squeeze %dma_start3A_858 : memref<1x64x128xf32, #tpu.memory_space<vmem>> -> memref<64x128xf32, #tpu.memory_space<vmem>>
      tpu.enqueue_dma source(%dma_start3A_859 : memref<64x128xf32, #tpu.memory_space<vmem>>) target(%dma_start3A_855 : memref<64x128xf32, #tpu.memory_space<hbm>>) target_semaphore(%dma_start3A_852 : memref<!tpu.dma_semaphore, #tpu.memory_space<semaphore_mem>>)
      %mul3A_860 = arith.constant 5 : i32
      %mul3A_861 = arith.muli %scan3A_217, %mul3A_860 : i32
      %add3A_862 = arith.constant 4 : i32
      %add3A_863 = arith.addi %mul3A_861, %add3A_862 : i32
      %add3A_864 = arith.constant 64 : i32
      %add3A_865 = arith.addi %mul3A_2, %add3A_864 : i32
      %dma_wait3A_866 = arith.constant 9 : i32
      %dma_wait3A_867 = arith.constant 9 : i32
      %dma_wait3A_868 = arith.constant 0 : i32
      %dma_wait3A_869 = arith.constant 0 : i32
      %dma_wait3A_870 = tpu.memref_slice %arg6[%dma_wait3A_866, %dma_wait3A_868, %dma_wait3A_869] : memref<10x64x128xf32, #tpu.memory_space<vmem>> -> memref<1x64x128xf32, #tpu.memory_space<vmem>>
      %dma_wait3A_871 = tpu.memref_squeeze %dma_wait3A_870 : memref<1x64x128xf32, #tpu.memory_space<vmem>> -> memref<64x128xf32, #tpu.memory_space<vmem>>
      %dma_wait3A_872 = arith.constant 64 : i32
      %dma_wait3A_873 = tpu.memref_slice %arg5[%add3A_863, %dma_wait3A_872] : memref<50x128xi32, #tpu.memory_space<vmem>> -> memref<1x64xi32, #tpu.memory_space<vmem>>
      %dma_wait3A_874 = tpu.memref_squeeze %dma_wait3A_873 : memref<1x64xi32, #tpu.memory_space<vmem>> -> memref<64xi32, #tpu.memory_space<vmem>>
      %dma_wait3A_875 = arith.constant 0 : i32
      %dma_wait3A_876 = arith.constant 0 : i32
      %dma_wait3A_877 = tpu.memref_slice %arg3[%dma_wait3A_875, %dma_wait3A_876] : memref<100000x128xf32, #tpu.memory_space<hbm>> -> memref<100000x128xf32, #tpu.memory_space<hbm>>
      %dma_wait3A_878 = tpu.memref_slice %arg7[%dma_wait3A_867] : memref<10x!tpu.dma_semaphore, #tpu.memory_space<semaphore_mem>> -> memref<1x!tpu.dma_semaphore, #tpu.memory_space<semaphore_mem>>
      %dma_wait3A_879 = tpu.memref_squeeze %dma_wait3A_878 : memref<1x!tpu.dma_semaphore, #tpu.memory_space<semaphore_mem>> -> memref<!tpu.dma_semaphore, #tpu.memory_space<semaphore_mem>>
      tpu.wait_indirect_dma semaphore(%dma_wait3A_879 : memref<!tpu.dma_semaphore, #tpu.memory_space<semaphore_mem>>) src(%dma_wait3A_877 : memref<100000x128xf32, #tpu.memory_space<hbm>>) dst(%dma_wait3A_871 : memref<64x128xf32, #tpu.memory_space<vmem>>)
      %scan3A_880 = arith.constant 0 : i32
      %scan3A_881 = arith.constant 0 : i32
      %scan3A_882 = arith.constant 64 : i32
      %scan3A_883 = arith.addi %scan3A_881, %scan3A_882 : i32
      %scan3A_884 = arith.constant 1 : i32
      scf.for %scan3A_904 = %scan3A_881 to %scan3A_883 step %scan3A_884  : i32 {
        %get3A = arith.constant 9 : i32
        %get3A_905 = arith.index_cast %get3A : i32 to index
        %get3A_906 = arith.index_cast %scan3A_904 : i32 to index
        %get3A_907 = arith.constant 0 : index
        %get3A_908 = tpu.vector_load %arg6[%get3A_905, %get3A_906, %get3A_907] {strides = array<i32>} : memref<10x64x128xf32, #tpu.memory_space<vmem>>, vector<1x1x16xf32>,
        %get3A_909 = vector.shape_cast %get3A_908 : vector<1x1x16xf32> to vector<16xf32>
        %mul3A_910 = arith.constant 11.3137083 : f32
        %mul3A_911 = vector.broadcast %mul3A_910 : f32 to vector<16xf32>
        %mul3A_912 = arith.mulf %get3A_909, %mul3A_911 : vector<16xf32>
        %swap3A = arith.constant 9 : i32
        %swap3A_913 = arith.index_cast %swap3A : i32 to index
        %swap3A_914 = arith.index_cast %scan3A_904 : i32 to index
        %swap3A_915 = arith.constant 0 : index
        %swap3A_916 = tpu.vector_load %arg6[%swap3A_913, %swap3A_914, %swap3A_915] {strides = array<i32>} : memref<10x64x128xf32, #tpu.memory_space<vmem>>, vector<1x1x16xf32>,
        %swap3A_917 = vector.shape_cast %swap3A_916 : vector<1x1x16xf32> to vector<16xf32>
        %swap3A_918 = vector.shape_cast %mul3A_912 : vector<16xf32> to vector<1x1x16xf32>
        tpu.vector_store %arg6[%swap3A_913, %swap3A_914, %swap3A_915], %swap3A_918 {strides = array<i32>} : memref<10x64x128xf32, #tpu.memory_space<vmem>>, vector<1x1x16xf32>,
        %get3A_919 = arith.constant 9 : i32
        %get3A_920 = arith.index_cast %get3A_919 : i32 to index
        %get3A_921 = arith.index_cast %scan3A_904 : i32 to index
        %get3A_922 = arith.constant 16 : index
        %get3A_923 = tpu.vector_load %arg6[%get3A_920, %get3A_921, %get3A_922] {strides = array<i32>} : memref<10x64x128xf32, #tpu.memory_space<vmem>>, vector<1x1x16xf32>,
        %get3A_924 = vector.shape_cast %get3A_923 : vector<1x1x16xf32> to vector<16xf32>
        %mul3A_925 = arith.constant 11.3137083 : f32
        %mul3A_926 = vector.broadcast %mul3A_925 : f32 to vector<16xf32>
        %mul3A_927 = arith.mulf %get3A_924, %mul3A_926 : vector<16xf32>
        %swap3A_928 = arith.constant 9 : i32
        %swap3A_929 = arith.index_cast %swap3A_928 : i32 to index
        %swap3A_930 = arith.index_cast %scan3A_904 : i32 to index
        %swap3A_931 = arith.constant 16 : index
        %swap3A_932 = tpu.vector_load %arg6[%swap3A_929, %swap3A_930, %swap3A_931] {strides = array<i32>} : memref<10x64x128xf32, #tpu.memory_space<vmem>>, vector<1x1x16xf32>,
        %swap3A_933 = vector.shape_cast %swap3A_932 : vector<1x1x16xf32> to vector<16xf32>
        %swap3A_934 = vector.shape_cast %mul3A_927 : vector<16xf32> to vector<1x1x16xf32>
        tpu.vector_store %arg6[%swap3A_929, %swap3A_930, %swap3A_931], %swap3A_934 {strides = array<i32>} : memref<10x64x128xf32, #tpu.memory_space<vmem>>, vector<1x1x16xf32>,
        %get3A_935 = arith.constant 9 : i32
        %get3A_936 = arith.index_cast %get3A_935 : i32 to index
        %get3A_937 = arith.index_cast %scan3A_904 : i32 to index
        %get3A_938 = arith.constant 32 : index
        %get3A_939 = tpu.vector_load %arg6[%get3A_936, %get3A_937, %get3A_938] {strides = array<i32>} : memref<10x64x128xf32, #tpu.memory_space<vmem>>, vector<1x1x16xf32>,
        %get3A_940 = vector.shape_cast %get3A_939 : vector<1x1x16xf32> to vector<16xf32>
        %mul3A_941 = arith.constant 11.3137083 : f32
        %mul3A_942 = vector.broadcast %mul3A_941 : f32 to vector<16xf32>
        %mul3A_943 = arith.mulf %get3A_940, %mul3A_942 : vector<16xf32>
        %swap3A_944 = arith.constant 9 : i32
        %swap3A_945 = arith.index_cast %swap3A_944 : i32 to index
        %swap3A_946 = arith.index_cast %scan3A_904 : i32 to index
        %swap3A_947 = arith.constant 32 : index
        %swap3A_948 = tpu.vector_load %arg6[%swap3A_945, %swap3A_946, %swap3A_947] {strides = array<i32>} : memref<10x64x128xf32, #tpu.memory_space<vmem>>, vector<1x1x16xf32>,
        %swap3A_949 = vector.shape_cast %swap3A_948 : vector<1x1x16xf32> to vector<16xf32>
        %swap3A_950 = vector.shape_cast %mul3A_943 : vector<16xf32> to vector<1x1x16xf32>
        tpu.vector_store %arg6[%swap3A_945, %swap3A_946, %swap3A_947], %swap3A_950 {strides = array<i32>} : memref<10x64x128xf32, #tpu.memory_space<vmem>>, vector<1x1x16xf32>,
        %get3A_951 = arith.constant 9 : i32
        %get3A_952 = arith.index_cast %get3A_951 : i32 to index
        %get3A_953 = arith.index_cast %scan3A_904 : i32 to index
        %get3A_954 = arith.constant 48 : index
        %get3A_955 = tpu.vector_load %arg6[%get3A_952, %get3A_953, %get3A_954] {strides = array<i32>} : memref<10x64x128xf32, #tpu.memory_space<vmem>>, vector<1x1x16xf32>,
        %get3A_956 = vector.shape_cast %get3A_955 : vector<1x1x16xf32> to vector<16xf32>
        %mul3A_957 = arith.constant 11.3137083 : f32
        %mul3A_958 = vector.broadcast %mul3A_957 : f32 to vector<16xf32>
        %mul3A_959 = arith.mulf %get3A_956, %mul3A_958 : vector<16xf32>
        %swap3A_960 = arith.constant 9 : i32
        %swap3A_961 = arith.index_cast %swap3A_960 : i32 to index
        %swap3A_962 = arith.index_cast %scan3A_904 : i32 to index
        %swap3A_963 = arith.constant 48 : index
        %swap3A_964 = tpu.vector_load %arg6[%swap3A_961, %swap3A_962, %swap3A_963] {strides = array<i32>} : memref<10x64x128xf32, #tpu.memory_space<vmem>>, vector<1x1x16xf32>,
        %swap3A_965 = vector.shape_cast %swap3A_964 : vector<1x1x16xf32> to vector<16xf32>
        %swap3A_966 = vector.shape_cast %mul3A_959 : vector<16xf32> to vector<1x1x16xf32>
        tpu.vector_store %arg6[%swap3A_961, %swap3A_962, %swap3A_963], %swap3A_966 {strides = array<i32>} : memref<10x64x128xf32, #tpu.memory_space<vmem>>, vector<1x1x16xf32>,
        %get3A_967 = arith.constant 9 : i32
        %get3A_968 = arith.index_cast %get3A_967 : i32 to index
        %get3A_969 = arith.index_cast %scan3A_904 : i32 to index
        %get3A_970 = arith.constant 64 : index
        %get3A_971 = tpu.vector_load %arg6[%get3A_968, %get3A_969, %get3A_970] {strides = array<i32>} : memref<10x64x128xf32, #tpu.memory_space<vmem>>, vector<1x1x16xf32>,
        %get3A_972 = vector.shape_cast %get3A_971 : vector<1x1x16xf32> to vector<16xf32>
        %mul3A_973 = arith.constant 11.3137083 : f32
        %mul3A_974 = vector.broadcast %mul3A_973 : f32 to vector<16xf32>
        %mul3A_975 = arith.mulf %get3A_972, %mul3A_974 : vector<16xf32>
        %swap3A_976 = arith.constant 9 : i32
        %swap3A_977 = arith.index_cast %swap3A_976 : i32 to index
        %swap3A_978 = arith.index_cast %scan3A_904 : i32 to index
        %swap3A_979 = arith.constant 64 : index
        %swap3A_980 = tpu.vector_load %arg6[%swap3A_977, %swap3A_978, %swap3A_979] {strides = array<i32>} : memref<10x64x128xf32, #tpu.memory_space<vmem>>, vector<1x1x16xf32>,
        %swap3A_981 = vector.shape_cast %swap3A_980 : vector<1x1x16xf32> to vector<16xf32>
        %swap3A_982 = vector.shape_cast %mul3A_975 : vector<16xf32> to vector<1x1x16xf32>
        tpu.vector_store %arg6[%swap3A_977, %swap3A_978, %swap3A_979], %swap3A_982 {strides = array<i32>} : memref<10x64x128xf32, #tpu.memory_space<vmem>>, vector<1x1x16xf32>,
        %get3A_983 = arith.constant 9 : i32
        %get3A_984 = arith.index_cast %get3A_983 : i32 to index
        %get3A_985 = arith.index_cast %scan3A_904 : i32 to index
        %get3A_986 = arith.constant 80 : index
        %get3A_987 = tpu.vector_load %arg6[%get3A_984, %get3A_985, %get3A_986] {strides = array<i32>} : memref<10x64x128xf32, #tpu.memory_space<vmem>>, vector<1x1x16xf32>,
        %get3A_988 = vector.shape_cast %get3A_987 : vector<1x1x16xf32> to vector<16xf32>
        %mul3A_989 = arith.constant 11.3137083 : f32
        %mul3A_990 = vector.broadcast %mul3A_989 : f32 to vector<16xf32>
        %mul3A_991 = arith.mulf %get3A_988, %mul3A_990 : vector<16xf32>
        %swap3A_992 = arith.constant 9 : i32
        %swap3A_993 = arith.index_cast %swap3A_992 : i32 to index
        %swap3A_994 = arith.index_cast %scan3A_904 : i32 to index
        %swap3A_995 = arith.constant 80 : index
        %swap3A_996 = tpu.vector_load %arg6[%swap3A_993, %swap3A_994, %swap3A_995] {strides = array<i32>} : memref<10x64x128xf32, #tpu.memory_space<vmem>>, vector<1x1x16xf32>,
        %swap3A_997 = vector.shape_cast %swap3A_996 : vector<1x1x16xf32> to vector<16xf32>
        %swap3A_998 = vector.shape_cast %mul3A_991 : vector<16xf32> to vector<1x1x16xf32>
        tpu.vector_store %arg6[%swap3A_993, %swap3A_994, %swap3A_995], %swap3A_998 {strides = array<i32>} : memref<10x64x128xf32, #tpu.memory_space<vmem>>, vector<1x1x16xf32>,
        %get3A_999 = arith.constant 9 : i32
        %get3A_1000 = arith.index_cast %get3A_999 : i32 to index
        %get3A_1001 = arith.index_cast %scan3A_904 : i32 to index
        %get3A_1002 = arith.constant 96 : index
        %get3A_1003 = tpu.vector_load %arg6[%get3A_1000, %get3A_1001, %get3A_1002] {strides = array<i32>} : memref<10x64x128xf32, #tpu.memory_space<vmem>>, vector<1x1x16xf32>,
        %get3A_1004 = vector.shape_cast %get3A_1003 : vector<1x1x16xf32> to vector<16xf32>
        %mul3A_1005 = arith.constant 11.3137083 : f32
        %mul3A_1006 = vector.broadcast %mul3A_1005 : f32 to vector<16xf32>
        %mul3A_1007 = arith.mulf %get3A_1004, %mul3A_1006 : vector<16xf32>
        %swap3A_1008 = arith.constant 9 : i32
        %swap3A_1009 = arith.index_cast %swap3A_1008 : i32 to index
        %swap3A_1010 = arith.index_cast %scan3A_904 : i32 to index
        %swap3A_1011 = arith.constant 96 : index
        %swap3A_1012 = tpu.vector_load %arg6[%swap3A_1009, %swap3A_1010, %swap3A_1011] {strides = array<i32>} : memref<10x64x128xf32, #tpu.memory_space<vmem>>, vector<1x1x16xf32>,
        %swap3A_1013 = vector.shape_cast %swap3A_1012 : vector<1x1x16xf32> to vector<16xf32>
        %swap3A_1014 = vector.shape_cast %mul3A_1007 : vector<16xf32> to vector<1x1x16xf32>
        tpu.vector_store %arg6[%swap3A_1009, %swap3A_1010, %swap3A_1011], %swap3A_1014 {strides = array<i32>} : memref<10x64x128xf32, #tpu.memory_space<vmem>>, vector<1x1x16xf32>,
        %get3A_1015 = arith.constant 9 : i32
        %get3A_1016 = arith.index_cast %get3A_1015 : i32 to index
        %get3A_1017 = arith.index_cast %scan3A_904 : i32 to index
        %get3A_1018 = arith.constant 112 : index
        %get3A_1019 = tpu.vector_load %arg6[%get3A_1016, %get3A_1017, %get3A_1018] {strides = array<i32>} : memref<10x64x128xf32, #tpu.memory_space<vmem>>, vector<1x1x16xf32>,
        %get3A_1020 = vector.shape_cast %get3A_1019 : vector<1x1x16xf32> to vector<16xf32>
        %mul3A_1021 = arith.constant 11.3137083 : f32
        %mul3A_1022 = vector.broadcast %mul3A_1021 : f32 to vector<16xf32>
        %mul3A_1023 = arith.mulf %get3A_1020, %mul3A_1022 : vector<16xf32>
        %swap3A_1024 = arith.constant 9 : i32
        %swap3A_1025 = arith.index_cast %swap3A_1024 : i32 to index
        %swap3A_1026 = arith.index_cast %scan3A_904 : i32 to index
        %swap3A_1027 = arith.constant 112 : index
        %swap3A_1028 = tpu.vector_load %arg6[%swap3A_1025, %swap3A_1026, %swap3A_1027] {strides = array<i32>} : memref<10x64x128xf32, #tpu.memory_space<vmem>>, vector<1x1x16xf32>,
        %swap3A_1029 = vector.shape_cast %swap3A_1028 : vector<1x1x16xf32> to vector<16xf32>
        %swap3A_1030 = vector.shape_cast %mul3A_1023 : vector<16xf32> to vector<1x1x16xf32>
        tpu.vector_store %arg6[%swap3A_1025, %swap3A_1026, %swap3A_1027], %swap3A_1030 {strides = array<i32>} : memref<10x64x128xf32, #tpu.memory_space<vmem>>, vector<1x1x16xf32>,
      }
      %scan3A_885 = arith.constant 64 : i32
      %dma_start3A_886 = arith.constant 9 : i32
      %dma_start3A_887 = arith.constant 9 : i32
      %dma_start3A_888 = arith.constant 0 : i32
      %dma_start3A_889 = arith.constant 0 : i32
      %dma_start3A_890 = tpu.memref_slice %arg6[%dma_start3A_886, %dma_start3A_888, %dma_start3A_889] : memref<10x64x128xf32, #tpu.memory_space<vmem>> -> memref<1x64x128xf32, #tpu.memory_space<vmem>>
      %dma_start3A_891 = tpu.memref_squeeze %dma_start3A_890 : memref<1x64x128xf32, #tpu.memory_space<vmem>> -> memref<64x128xf32, #tpu.memory_space<vmem>>
      %dma_start3A_892 = arith.constant 0 : i32
      %dma_start3A_893 = tpu.memref_slice %arg4[%add3A_863, %add3A_865, %dma_start3A_892] : memref<50x4096x128xf32, #tpu.memory_space<hbm>> -> memref<1x64x128xf32, #tpu.memory_space<hbm>>
      %dma_start3A_894 = tpu.memref_squeeze %dma_start3A_893 : memref<1x64x128xf32, #tpu.memory_space<hbm>> -> memref<64x128xf32, #tpu.memory_space<hbm>>
      %dma_start3A_895 = tpu.memref_slice %arg8[%dma_start3A_887] : memref<10x!tpu.dma_semaphore, #tpu.memory_space<semaphore_mem>> -> memref<1x!tpu.dma_semaphore, #tpu.memory_space<semaphore_mem>>
      %dma_start3A_896 = tpu.memref_squeeze %dma_start3A_895 : memref<1x!tpu.dma_semaphore, #tpu.memory_space<semaphore_mem>> -> memref<!tpu.dma_semaphore, #tpu.memory_space<semaphore_mem>>
      %dma_start3A_897 = arith.constant 0 : i32
      %dma_start3A_898 = tpu.memref_slice %arg4[%add3A_863, %add3A_865, %dma_start3A_897] : memref<50x4096x128xf32, #tpu.memory_space<hbm>> -> memref<1x64x128xf32, #tpu.memory_space<hbm>>
      %dma_start3A_899 = tpu.memref_squeeze %dma_start3A_898 : memref<1x64x128xf32, #tpu.memory_space<hbm>> -> memref<64x128xf32, #tpu.memory_space<hbm>>
      %dma_start3A_900 = arith.constant 0 : i32
      %dma_start3A_901 = arith.constant 0 : i32
      %dma_start3A_902 = tpu.memref_slice %arg6[%dma_start3A_886, %dma_start3A_900, %dma_start3A_901] : memref<10x64x128xf32, #tpu.memory_space<vmem>> -> memref<1x64x128xf32, #tpu.memory_space<vmem>>
      %dma_start3A_903 = tpu.memref_squeeze %dma_start3A_902 : memref<1x64x128xf32, #tpu.memory_space<vmem>> -> memref<64x128xf32, #tpu.memory_space<vmem>>
      tpu.enqueue_dma source(%dma_start3A_903 : memref<64x128xf32, #tpu.memory_space<vmem>>) target(%dma_start3A_899 : memref<64x128xf32, #tpu.memory_space<hbm>>) target_semaphore(%dma_start3A_896 : memref<!tpu.dma_semaphore, #tpu.memory_space<semaphore_mem>>)
    }
    %scan3A_7 = arith.constant 10 : i32
    %add3A_8 = arith.constant 0 : i32
    %add3A_9 = arith.addi %mul3A_2, %add3A_8 : i32
    %dma_wait3A = arith.constant 0 : i32
    %dma_wait3A_10 = arith.constant 45 : i32
    %dma_wait3A_11 = arith.constant 0 : i32
    %dma_wait3A_12 = arith.constant 0 : i32
    %dma_wait3A_13 = arith.constant 0 : i32
    %dma_wait3A_14 = tpu.memref_slice %arg6[%dma_wait3A, %dma_wait3A_12, %dma_wait3A_13] : memref<10x64x128xf32, #tpu.memory_space<vmem>> -> memref<1x64x128xf32, #tpu.memory_space<vmem>>
    %dma_wait3A_15 = tpu.memref_squeeze %dma_wait3A_14 : memref<1x64x128xf32, #tpu.memory_space<vmem>> -> memref<64x128xf32, #tpu.memory_space<vmem>>
    %dma_wait3A_16 = arith.constant 0 : i32
    %dma_wait3A_17 = tpu.memref_slice %arg4[%dma_wait3A_10, %add3A_9, %dma_wait3A_16] : memref<50x4096x128xf32, #tpu.memory_space<hbm>> -> memref<1x64x128xf32, #tpu.memory_space<hbm>>
    %dma_wait3A_18 = tpu.memref_squeeze %dma_wait3A_17 : memref<1x64x128xf32, #tpu.memory_space<hbm>> -> memref<64x128xf32, #tpu.memory_space<hbm>>
    %dma_wait3A_19 = tpu.memref_slice %arg8[%dma_wait3A_11] : memref<10x!tpu.dma_semaphore, #tpu.memory_space<semaphore_mem>> -> memref<1x!tpu.dma_semaphore, #tpu.memory_space<semaphore_mem>>
    %dma_wait3A_20 = tpu.memref_squeeze %dma_wait3A_19 : memref<1x!tpu.dma_semaphore, #tpu.memory_space<semaphore_mem>> -> memref<!tpu.dma_semaphore, #tpu.memory_space<semaphore_mem>>
    %dma_wait3A_21 = arith.constant 0 : i32
    %dma_wait3A_22 = tpu.memref_slice %arg4[%dma_wait3A_10, %add3A_9, %dma_wait3A_21] : memref<50x4096x128xf32, #tpu.memory_space<hbm>> -> memref<1x64x128xf32, #tpu.memory_space<hbm>>
    %dma_wait3A_23 = tpu.memref_squeeze %dma_wait3A_22 : memref<1x64x128xf32, #tpu.memory_space<hbm>> -> memref<64x128xf32, #tpu.memory_space<hbm>>
    %dma_wait3A_24 = arith.constant 0 : i32
    %dma_wait3A_25 = arith.constant 0 : i32
    %dma_wait3A_26 = tpu.memref_slice %arg6[%dma_wait3A, %dma_wait3A_24, %dma_wait3A_25] : memref<10x64x128xf32, #tpu.memory_space<vmem>> -> memref<1x64x128xf32, #tpu.memory_space<vmem>>
    %dma_wait3A_27 = tpu.memref_squeeze %dma_wait3A_26 : memref<1x64x128xf32, #tpu.memory_space<vmem>> -> memref<64x128xf32, #tpu.memory_space<vmem>>
    tpu.wait_dma2 semaphore(%dma_wait3A_20 : memref<!tpu.dma_semaphore, #tpu.memory_space<semaphore_mem>>) src(%dma_wait3A_27 : memref<64x128xf32, #tpu.memory_space<vmem>>) dst(%dma_wait3A_23 : memref<64x128xf32, #tpu.memory_space<hbm>>)
    %add3A_28 = arith.constant 64 : i32
    %add3A_29 = arith.addi %mul3A_2, %add3A_28 : i32
    %dma_wait3A_30 = arith.constant 1 : i32
    %dma_wait3A_31 = arith.constant 45 : i32
    %dma_wait3A_32 = arith.constant 1 : i32
    %dma_wait3A_33 = arith.constant 0 : i32
    %dma_wait3A_34 = arith.constant 0 : i32
    %dma_wait3A_35 = tpu.memref_slice %arg6[%dma_wait3A_30, %dma_wait3A_33, %dma_wait3A_34] : memref<10x64x128xf32, #tpu.memory_space<vmem>> -> memref<1x64x128xf32, #tpu.memory_space<vmem>>
    %dma_wait3A_36 = tpu.memref_squeeze %dma_wait3A_35 : memref<1x64x128xf32, #tpu.memory_space<vmem>> -> memref<64x128xf32, #tpu.memory_space<vmem>>
    %dma_wait3A_37 = arith.constant 0 : i32
    %dma_wait3A_38 = tpu.memref_slice %arg4[%dma_wait3A_31, %add3A_29, %dma_wait3A_37] : memref<50x4096x128xf32, #tpu.memory_space<hbm>> -> memref<1x64x128xf32, #tpu.memory_space<hbm>>
    %dma_wait3A_39 = tpu.memref_squeeze %dma_wait3A_38 : memref<1x64x128xf32, #tpu.memory_space<hbm>> -> memref<64x128xf32, #tpu.memory_space<hbm>>
    %dma_wait3A_40 = tpu.memref_slice %arg8[%dma_wait3A_32] : memref<10x!tpu.dma_semaphore, #tpu.memory_space<semaphore_mem>> -> memref<1x!tpu.dma_semaphore, #tpu.memory_space<semaphore_mem>>
    %dma_wait3A_41 = tpu.memref_squeeze %dma_wait3A_40 : memref<1x!tpu.dma_semaphore, #tpu.memory_space<semaphore_mem>> -> memref<!tpu.dma_semaphore, #tpu.memory_space<semaphore_mem>>
    %dma_wait3A_42 = arith.constant 0 : i32
    %dma_wait3A_43 = tpu.memref_slice %arg4[%dma_wait3A_31, %add3A_29, %dma_wait3A_42] : memref<50x4096x128xf32, #tpu.memory_space<hbm>> -> memref<1x64x128xf32, #tpu.memory_space<hbm>>
    %dma_wait3A_44 = tpu.memref_squeeze %dma_wait3A_43 : memref<1x64x128xf32, #tpu.memory_space<hbm>> -> memref<64x128xf32, #tpu.memory_space<hbm>>
    %dma_wait3A_45 = arith.constant 0 : i32
    %dma_wait3A_46 = arith.constant 0 : i32
    %dma_wait3A_47 = tpu.memref_slice %arg6[%dma_wait3A_30, %dma_wait3A_45, %dma_wait3A_46] : memref<10x64x128xf32, #tpu.memory_space<vmem>> -> memref<1x64x128xf32, #tpu.memory_space<vmem>>
    %dma_wait3A_48 = tpu.memref_squeeze %dma_wait3A_47 : memref<1x64x128xf32, #tpu.memory_space<vmem>> -> memref<64x128xf32, #tpu.memory_space<vmem>>
    tpu.wait_dma2 semaphore(%dma_wait3A_41 : memref<!tpu.dma_semaphore, #tpu.memory_space<semaphore_mem>>) src(%dma_wait3A_48 : memref<64x128xf32, #tpu.memory_space<vmem>>) dst(%dma_wait3A_44 : memref<64x128xf32, #tpu.memory_space<hbm>>)
    %add3A_49 = arith.constant 0 : i32
    %add3A_50 = arith.addi %mul3A_2, %add3A_49 : i32
    %dma_wait3A_51 = arith.constant 2 : i32
    %dma_wait3A_52 = arith.constant 46 : i32
    %dma_wait3A_53 = arith.constant 2 : i32
    %dma_wait3A_54 = arith.constant 0 : i32
    %dma_wait3A_55 = arith.constant 0 : i32
    %dma_wait3A_56 = tpu.memref_slice %arg6[%dma_wait3A_51, %dma_wait3A_54, %dma_wait3A_55] : memref<10x64x128xf32, #tpu.memory_space<vmem>> -> memref<1x64x128xf32, #tpu.memory_space<vmem>>
    %dma_wait3A_57 = tpu.memref_squeeze %dma_wait3A_56 : memref<1x64x128xf32, #tpu.memory_space<vmem>> -> memref<64x128xf32, #tpu.memory_space<vmem>>
    %dma_wait3A_58 = arith.constant 0 : i32
    %dma_wait3A_59 = tpu.memref_slice %arg4[%dma_wait3A_52, %add3A_50, %dma_wait3A_58] : memref<50x4096x128xf32, #tpu.memory_space<hbm>> -> memref<1x64x128xf32, #tpu.memory_space<hbm>>
    %dma_wait3A_60 = tpu.memref_squeeze %dma_wait3A_59 : memref<1x64x128xf32, #tpu.memory_space<hbm>> -> memref<64x128xf32, #tpu.memory_space<hbm>>
    %dma_wait3A_61 = tpu.memref_slice %arg8[%dma_wait3A_53] : memref<10x!tpu.dma_semaphore, #tpu.memory_space<semaphore_mem>> -> memref<1x!tpu.dma_semaphore, #tpu.memory_space<semaphore_mem>>
    %dma_wait3A_62 = tpu.memref_squeeze %dma_wait3A_61 : memref<1x!tpu.dma_semaphore, #tpu.memory_space<semaphore_mem>> -> memref<!tpu.dma_semaphore, #tpu.memory_space<semaphore_mem>>
    %dma_wait3A_63 = arith.constant 0 : i32
    %dma_wait3A_64 = tpu.memref_slice %arg4[%dma_wait3A_52, %add3A_50, %dma_wait3A_63] : memref<50x4096x128xf32, #tpu.memory_space<hbm>> -> memref<1x64x128xf32, #tpu.memory_space<hbm>>
    %dma_wait3A_65 = tpu.memref_squeeze %dma_wait3A_64 : memref<1x64x128xf32, #tpu.memory_space<hbm>> -> memref<64x128xf32, #tpu.memory_space<hbm>>
    %dma_wait3A_66 = arith.constant 0 : i32
    %dma_wait3A_67 = arith.constant 0 : i32
    %dma_wait3A_68 = tpu.memref_slice %arg6[%dma_wait3A_51, %dma_wait3A_66, %dma_wait3A_67] : memref<10x64x128xf32, #tpu.memory_space<vmem>> -> memref<1x64x128xf32, #tpu.memory_space<vmem>>
    %dma_wait3A_69 = tpu.memref_squeeze %dma_wait3A_68 : memref<1x64x128xf32, #tpu.memory_space<vmem>> -> memref<64x128xf32, #tpu.memory_space<vmem>>
    tpu.wait_dma2 semaphore(%dma_wait3A_62 : memref<!tpu.dma_semaphore, #tpu.memory_space<semaphore_mem>>) src(%dma_wait3A_69 : memref<64x128xf32, #tpu.memory_space<vmem>>) dst(%dma_wait3A_65 : memref<64x128xf32, #tpu.memory_space<hbm>>)
    %add3A_70 = arith.constant 64 : i32
    %add3A_71 = arith.addi %mul3A_2, %add3A_70 : i32
    %dma_wait3A_72 = arith.constant 3 : i32
    %dma_wait3A_73 = arith.constant 46 : i32
    %dma_wait3A_74 = arith.constant 3 : i32
    %dma_wait3A_75 = arith.constant 0 : i32
    %dma_wait3A_76 = arith.constant 0 : i32
    %dma_wait3A_77 = tpu.memref_slice %arg6[%dma_wait3A_72, %dma_wait3A_75, %dma_wait3A_76] : memref<10x64x128xf32, #tpu.memory_space<vmem>> -> memref<1x64x128xf32, #tpu.memory_space<vmem>>
    %dma_wait3A_78 = tpu.memref_squeeze %dma_wait3A_77 : memref<1x64x128xf32, #tpu.memory_space<vmem>> -> memref<64x128xf32, #tpu.memory_space<vmem>>
    %dma_wait3A_79 = arith.constant 0 : i32
    %dma_wait3A_80 = tpu.memref_slice %arg4[%dma_wait3A_73, %add3A_71, %dma_wait3A_79] : memref<50x4096x128xf32, #tpu.memory_space<hbm>> -> memref<1x64x128xf32, #tpu.memory_space<hbm>>
    %dma_wait3A_81 = tpu.memref_squeeze %dma_wait3A_80 : memref<1x64x128xf32, #tpu.memory_space<hbm>> -> memref<64x128xf32, #tpu.memory_space<hbm>>
    %dma_wait3A_82 = tpu.memref_slice %arg8[%dma_wait3A_74] : memref<10x!tpu.dma_semaphore, #tpu.memory_space<semaphore_mem>> -> memref<1x!tpu.dma_semaphore, #tpu.memory_space<semaphore_mem>>
    %dma_wait3A_83 = tpu.memref_squeeze %dma_wait3A_82 : memref<1x!tpu.dma_semaphore, #tpu.memory_space<semaphore_mem>> -> memref<!tpu.dma_semaphore, #tpu.memory_space<semaphore_mem>>
    %dma_wait3A_84 = arith.constant 0 : i32
    %dma_wait3A_85 = tpu.memref_slice %arg4[%dma_wait3A_73, %add3A_71, %dma_wait3A_84] : memref<50x4096x128xf32, #tpu.memory_space<hbm>> -> memref<1x64x128xf32, #tpu.memory_space<hbm>>
    %dma_wait3A_86 = tpu.memref_squeeze %dma_wait3A_85 : memref<1x64x128xf32, #tpu.memory_space<hbm>> -> memref<64x128xf32, #tpu.memory_space<hbm>>
    %dma_wait3A_87 = arith.constant 0 : i32
    %dma_wait3A_88 = arith.constant 0 : i32
    %dma_wait3A_89 = tpu.memref_slice %arg6[%dma_wait3A_72, %dma_wait3A_87, %dma_wait3A_88] : memref<10x64x128xf32, #tpu.memory_space<vmem>> -> memref<1x64x128xf32, #tpu.memory_space<vmem>>
    %dma_wait3A_90 = tpu.memref_squeeze %dma_wait3A_89 : memref<1x64x128xf32, #tpu.memory_space<vmem>> -> memref<64x128xf32, #tpu.memory_space<vmem>>
    tpu.wait_dma2 semaphore(%dma_wait3A_83 : memref<!tpu.dma_semaphore, #tpu.memory_space<semaphore_mem>>) src(%dma_wait3A_90 : memref<64x128xf32, #tpu.memory_space<vmem>>) dst(%dma_wait3A_86 : memref<64x128xf32, #tpu.memory_space<hbm>>)
    %add3A_91 = arith.constant 0 : i32
    %add3A_92 = arith.addi %mul3A_2, %add3A_91 : i32
    %dma_wait3A_93 = arith.constant 4 : i32
    %dma_wait3A_94 = arith.constant 47 : i32
    %dma_wait3A_95 = arith.constant 4 : i32
    %dma_wait3A_96 = arith.constant 0 : i32
    %dma_wait3A_97 = arith.constant 0 : i32
    %dma_wait3A_98 = tpu.memref_slice %arg6[%dma_wait3A_93, %dma_wait3A_96, %dma_wait3A_97] : memref<10x64x128xf32, #tpu.memory_space<vmem>> -> memref<1x64x128xf32, #tpu.memory_space<vmem>>
    %dma_wait3A_99 = tpu.memref_squeeze %dma_wait3A_98 : memref<1x64x128xf32, #tpu.memory_space<vmem>> -> memref<64x128xf32, #tpu.memory_space<vmem>>
    %dma_wait3A_100 = arith.constant 0 : i32
    %dma_wait3A_101 = tpu.memref_slice %arg4[%dma_wait3A_94, %add3A_92, %dma_wait3A_100] : memref<50x4096x128xf32, #tpu.memory_space<hbm>> -> memref<1x64x128xf32, #tpu.memory_space<hbm>>
    %dma_wait3A_102 = tpu.memref_squeeze %dma_wait3A_101 : memref<1x64x128xf32, #tpu.memory_space<hbm>> -> memref<64x128xf32, #tpu.memory_space<hbm>>
    %dma_wait3A_103 = tpu.memref_slice %arg8[%dma_wait3A_95] : memref<10x!tpu.dma_semaphore, #tpu.memory_space<semaphore_mem>> -> memref<1x!tpu.dma_semaphore, #tpu.memory_space<semaphore_mem>>
    %dma_wait3A_104 = tpu.memref_squeeze %dma_wait3A_103 : memref<1x!tpu.dma_semaphore, #tpu.memory_space<semaphore_mem>> -> memref<!tpu.dma_semaphore, #tpu.memory_space<semaphore_mem>>
    %dma_wait3A_105 = arith.constant 0 : i32
    %dma_wait3A_106 = tpu.memref_slice %arg4[%dma_wait3A_94, %add3A_92, %dma_wait3A_105] : memref<50x4096x128xf32, #tpu.memory_space<hbm>> -> memref<1x64x128xf32, #tpu.memory_space<hbm>>
    %dma_wait3A_107 = tpu.memref_squeeze %dma_wait3A_106 : memref<1x64x128xf32, #tpu.memory_space<hbm>> -> memref<64x128xf32, #tpu.memory_space<hbm>>
    %dma_wait3A_108 = arith.constant 0 : i32
    %dma_wait3A_109 = arith.constant 0 : i32
    %dma_wait3A_110 = tpu.memref_slice %arg6[%dma_wait3A_93, %dma_wait3A_108, %dma_wait3A_109] : memref<10x64x128xf32, #tpu.memory_space<vmem>> -> memref<1x64x128xf32, #tpu.memory_space<vmem>>
    %dma_wait3A_111 = tpu.memref_squeeze %dma_wait3A_110 : memref<1x64x128xf32, #tpu.memory_space<vmem>> -> memref<64x128xf32, #tpu.memory_space<vmem>>
    tpu.wait_dma2 semaphore(%dma_wait3A_104 : memref<!tpu.dma_semaphore, #tpu.memory_space<semaphore_mem>>) src(%dma_wait3A_111 : memref<64x128xf32, #tpu.memory_space<vmem>>) dst(%dma_wait3A_107 : memref<64x128xf32, #tpu.memory_space<hbm>>)
    %add3A_112 = arith.constant 64 : i32
    %add3A_113 = arith.addi %mul3A_2, %add3A_112 : i32
    %dma_wait3A_114 = arith.constant 5 : i32
    %dma_wait3A_115 = arith.constant 47 : i32
    %dma_wait3A_116 = arith.constant 5 : i32
    %dma_wait3A_117 = arith.constant 0 : i32
    %dma_wait3A_118 = arith.constant 0 : i32
    %dma_wait3A_119 = tpu.memref_slice %arg6[%dma_wait3A_114, %dma_wait3A_117, %dma_wait3A_118] : memref<10x64x128xf32, #tpu.memory_space<vmem>> -> memref<1x64x128xf32, #tpu.memory_space<vmem>>
    %dma_wait3A_120 = tpu.memref_squeeze %dma_wait3A_119 : memref<1x64x128xf32, #tpu.memory_space<vmem>> -> memref<64x128xf32, #tpu.memory_space<vmem>>
    %dma_wait3A_121 = arith.constant 0 : i32
    %dma_wait3A_122 = tpu.memref_slice %arg4[%dma_wait3A_115, %add3A_113, %dma_wait3A_121] : memref<50x4096x128xf32, #tpu.memory_space<hbm>> -> memref<1x64x128xf32, #tpu.memory_space<hbm>>
    %dma_wait3A_123 = tpu.memref_squeeze %dma_wait3A_122 : memref<1x64x128xf32, #tpu.memory_space<hbm>> -> memref<64x128xf32, #tpu.memory_space<hbm>>
    %dma_wait3A_124 = tpu.memref_slice %arg8[%dma_wait3A_116] : memref<10x!tpu.dma_semaphore, #tpu.memory_space<semaphore_mem>> -> memref<1x!tpu.dma_semaphore, #tpu.memory_space<semaphore_mem>>
    %dma_wait3A_125 = tpu.memref_squeeze %dma_wait3A_124 : memref<1x!tpu.dma_semaphore, #tpu.memory_space<semaphore_mem>> -> memref<!tpu.dma_semaphore, #tpu.memory_space<semaphore_mem>>
    %dma_wait3A_126 = arith.constant 0 : i32
    %dma_wait3A_127 = tpu.memref_slice %arg4[%dma_wait3A_115, %add3A_113, %dma_wait3A_126] : memref<50x4096x128xf32, #tpu.memory_space<hbm>> -> memref<1x64x128xf32, #tpu.memory_space<hbm>>
    %dma_wait3A_128 = tpu.memref_squeeze %dma_wait3A_127 : memref<1x64x128xf32, #tpu.memory_space<hbm>> -> memref<64x128xf32, #tpu.memory_space<hbm>>
    %dma_wait3A_129 = arith.constant 0 : i32
    %dma_wait3A_130 = arith.constant 0 : i32
    %dma_wait3A_131 = tpu.memref_slice %arg6[%dma_wait3A_114, %dma_wait3A_129, %dma_wait3A_130] : memref<10x64x128xf32, #tpu.memory_space<vmem>> -> memref<1x64x128xf32, #tpu.memory_space<vmem>>
    %dma_wait3A_132 = tpu.memref_squeeze %dma_wait3A_131 : memref<1x64x128xf32, #tpu.memory_space<vmem>> -> memref<64x128xf32, #tpu.memory_space<vmem>>
    tpu.wait_dma2 semaphore(%dma_wait3A_125 : memref<!tpu.dma_semaphore, #tpu.memory_space<semaphore_mem>>) src(%dma_wait3A_132 : memref<64x128xf32, #tpu.memory_space<vmem>>) dst(%dma_wait3A_128 : memref<64x128xf32, #tpu.memory_space<hbm>>)
    %add3A_133 = arith.constant 0 : i32
    %add3A_134 = arith.addi %mul3A_2, %add3A_133 : i32
    %dma_wait3A_135 = arith.constant 6 : i32
    %dma_wait3A_136 = arith.constant 48 : i32
    %dma_wait3A_137 = arith.constant 6 : i32
    %dma_wait3A_138 = arith.constant 0 : i32
    %dma_wait3A_139 = arith.constant 0 : i32
    %dma_wait3A_140 = tpu.memref_slice %arg6[%dma_wait3A_135, %dma_wait3A_138, %dma_wait3A_139] : memref<10x64x128xf32, #tpu.memory_space<vmem>> -> memref<1x64x128xf32, #tpu.memory_space<vmem>>
    %dma_wait3A_141 = tpu.memref_squeeze %dma_wait3A_140 : memref<1x64x128xf32, #tpu.memory_space<vmem>> -> memref<64x128xf32, #tpu.memory_space<vmem>>
    %dma_wait3A_142 = arith.constant 0 : i32
    %dma_wait3A_143 = tpu.memref_slice %arg4[%dma_wait3A_136, %add3A_134, %dma_wait3A_142] : memref<50x4096x128xf32, #tpu.memory_space<hbm>> -> memref<1x64x128xf32, #tpu.memory_space<hbm>>
    %dma_wait3A_144 = tpu.memref_squeeze %dma_wait3A_143 : memref<1x64x128xf32, #tpu.memory_space<hbm>> -> memref<64x128xf32, #tpu.memory_space<hbm>>
    %dma_wait3A_145 = tpu.memref_slice %arg8[%dma_wait3A_137] : memref<10x!tpu.dma_semaphore, #tpu.memory_space<semaphore_mem>> -> memref<1x!tpu.dma_semaphore, #tpu.memory_space<semaphore_mem>>
    %dma_wait3A_146 = tpu.memref_squeeze %dma_wait3A_145 : memref<1x!tpu.dma_semaphore, #tpu.memory_space<semaphore_mem>> -> memref<!tpu.dma_semaphore, #tpu.memory_space<semaphore_mem>>
    %dma_wait3A_147 = arith.constant 0 : i32
    %dma_wait3A_148 = tpu.memref_slice %arg4[%dma_wait3A_136, %add3A_134, %dma_wait3A_147] : memref<50x4096x128xf32, #tpu.memory_space<hbm>> -> memref<1x64x128xf32, #tpu.memory_space<hbm>>
    %dma_wait3A_149 = tpu.memref_squeeze %dma_wait3A_148 : memref<1x64x128xf32, #tpu.memory_space<hbm>> -> memref<64x128xf32, #tpu.memory_space<hbm>>
    %dma_wait3A_150 = arith.constant 0 : i32
    %dma_wait3A_151 = arith.constant 0 : i32
    %dma_wait3A_152 = tpu.memref_slice %arg6[%dma_wait3A_135, %dma_wait3A_150, %dma_wait3A_151] : memref<10x64x128xf32, #tpu.memory_space<vmem>> -> memref<1x64x128xf32, #tpu.memory_space<vmem>>
    %dma_wait3A_153 = tpu.memref_squeeze %dma_wait3A_152 : memref<1x64x128xf32, #tpu.memory_space<vmem>> -> memref<64x128xf32, #tpu.memory_space<vmem>>
    tpu.wait_dma2 semaphore(%dma_wait3A_146 : memref<!tpu.dma_semaphore, #tpu.memory_space<semaphore_mem>>) src(%dma_wait3A_153 : memref<64x128xf32, #tpu.memory_space<vmem>>) dst(%dma_wait3A_149 : memref<64x128xf32, #tpu.memory_space<hbm>>)
    %add3A_154 = arith.constant 64 : i32
    %add3A_155 = arith.addi %mul3A_2, %add3A_154 : i32
    %dma_wait3A_156 = arith.constant 7 : i32
    %dma_wait3A_157 = arith.constant 48 : i32
    %dma_wait3A_158 = arith.constant 7 : i32
    %dma_wait3A_159 = arith.constant 0 : i32
    %dma_wait3A_160 = arith.constant 0 : i32
    %dma_wait3A_161 = tpu.memref_slice %arg6[%dma_wait3A_156, %dma_wait3A_159, %dma_wait3A_160] : memref<10x64x128xf32, #tpu.memory_space<vmem>> -> memref<1x64x128xf32, #tpu.memory_space<vmem>>
    %dma_wait3A_162 = tpu.memref_squeeze %dma_wait3A_161 : memref<1x64x128xf32, #tpu.memory_space<vmem>> -> memref<64x128xf32, #tpu.memory_space<vmem>>
    %dma_wait3A_163 = arith.constant 0 : i32
    %dma_wait3A_164 = tpu.memref_slice %arg4[%dma_wait3A_157, %add3A_155, %dma_wait3A_163] : memref<50x4096x128xf32, #tpu.memory_space<hbm>> -> memref<1x64x128xf32, #tpu.memory_space<hbm>>
    %dma_wait3A_165 = tpu.memref_squeeze %dma_wait3A_164 : memref<1x64x128xf32, #tpu.memory_space<hbm>> -> memref<64x128xf32, #tpu.memory_space<hbm>>
    %dma_wait3A_166 = tpu.memref_slice %arg8[%dma_wait3A_158] : memref<10x!tpu.dma_semaphore, #tpu.memory_space<semaphore_mem>> -> memref<1x!tpu.dma_semaphore, #tpu.memory_space<semaphore_mem>>
    %dma_wait3A_167 = tpu.memref_squeeze %dma_wait3A_166 : memref<1x!tpu.dma_semaphore, #tpu.memory_space<semaphore_mem>> -> memref<!tpu.dma_semaphore, #tpu.memory_space<semaphore_mem>>
    %dma_wait3A_168 = arith.constant 0 : i32
    %dma_wait3A_169 = tpu.memref_slice %arg4[%dma_wait3A_157, %add3A_155, %dma_wait3A_168] : memref<50x4096x128xf32, #tpu.memory_space<hbm>> -> memref<1x64x128xf32, #tpu.memory_space<hbm>>
    %dma_wait3A_170 = tpu.memref_squeeze %dma_wait3A_169 : memref<1x64x128xf32, #tpu.memory_space<hbm>> -> memref<64x128xf32, #tpu.memory_space<hbm>>
    %dma_wait3A_171 = arith.constant 0 : i32
    %dma_wait3A_172 = arith.constant 0 : i32
    %dma_wait3A_173 = tpu.memref_slice %arg6[%dma_wait3A_156, %dma_wait3A_171, %dma_wait3A_172] : memref<10x64x128xf32, #tpu.memory_space<vmem>> -> memref<1x64x128xf32, #tpu.memory_space<vmem>>
    %dma_wait3A_174 = tpu.memref_squeeze %dma_wait3A_173 : memref<1x64x128xf32, #tpu.memory_space<vmem>> -> memref<64x128xf32, #tpu.memory_space<vmem>>
    tpu.wait_dma2 semaphore(%dma_wait3A_167 : memref<!tpu.dma_semaphore, #tpu.memory_space<semaphore_mem>>) src(%dma_wait3A_174 : memref<64x128xf32, #tpu.memory_space<vmem>>) dst(%dma_wait3A_170 : memref<64x128xf32, #tpu.memory_space<hbm>>)
    %add3A_175 = arith.constant 0 : i32
    %add3A_176 = arith.addi %mul3A_2, %add3A_175 : i32
    %dma_wait3A_177 = arith.constant 8 : i32
    %dma_wait3A_178 = arith.constant 49 : i32
    %dma_wait3A_179 = arith.constant 8 : i32
    %dma_wait3A_180 = arith.constant 0 : i32
    %dma_wait3A_181 = arith.constant 0 : i32
    %dma_wait3A_182 = tpu.memref_slice %arg6[%dma_wait3A_177, %dma_wait3A_180, %dma_wait3A_181] : memref<10x64x128xf32, #tpu.memory_space<vmem>> -> memref<1x64x128xf32, #tpu.memory_space<vmem>>
    %dma_wait3A_183 = tpu.memref_squeeze %dma_wait3A_182 : memref<1x64x128xf32, #tpu.memory_space<vmem>> -> memref<64x128xf32, #tpu.memory_space<vmem>>
    %dma_wait3A_184 = arith.constant 0 : i32
    %dma_wait3A_185 = tpu.memref_slice %arg4[%dma_wait3A_178, %add3A_176, %dma_wait3A_184] : memref<50x4096x128xf32, #tpu.memory_space<hbm>> -> memref<1x64x128xf32, #tpu.memory_space<hbm>>
    %dma_wait3A_186 = tpu.memref_squeeze %dma_wait3A_185 : memref<1x64x128xf32, #tpu.memory_space<hbm>> -> memref<64x128xf32, #tpu.memory_space<hbm>>
    %dma_wait3A_187 = tpu.memref_slice %arg8[%dma_wait3A_179] : memref<10x!tpu.dma_semaphore, #tpu.memory_space<semaphore_mem>> -> memref<1x!tpu.dma_semaphore, #tpu.memory_space<semaphore_mem>>
    %dma_wait3A_188 = tpu.memref_squeeze %dma_wait3A_187 : memref<1x!tpu.dma_semaphore, #tpu.memory_space<semaphore_mem>> -> memref<!tpu.dma_semaphore, #tpu.memory_space<semaphore_mem>>
    %dma_wait3A_189 = arith.constant 0 : i32
    %dma_wait3A_190 = tpu.memref_slice %arg4[%dma_wait3A_178, %add3A_176, %dma_wait3A_189] : memref<50x4096x128xf32, #tpu.memory_space<hbm>> -> memref<1x64x128xf32, #tpu.memory_space<hbm>>
    %dma_wait3A_191 = tpu.memref_squeeze %dma_wait3A_190 : memref<1x64x128xf32, #tpu.memory_space<hbm>> -> memref<64x128xf32, #tpu.memory_space<hbm>>
    %dma_wait3A_192 = arith.constant 0 : i32
    %dma_wait3A_193 = arith.constant 0 : i32
    %dma_wait3A_194 = tpu.memref_slice %arg6[%dma_wait3A_177, %dma_wait3A_192, %dma_wait3A_193] : memref<10x64x128xf32, #tpu.memory_space<vmem>> -> memref<1x64x128xf32, #tpu.memory_space<vmem>>
    %dma_wait3A_195 = tpu.memref_squeeze %dma_wait3A_194 : memref<1x64x128xf32, #tpu.memory_space<vmem>> -> memref<64x128xf32, #tpu.memory_space<vmem>>
    tpu.wait_dma2 semaphore(%dma_wait3A_188 : memref<!tpu.dma_semaphore, #tpu.memory_space<semaphore_mem>>) src(%dma_wait3A_195 : memref<64x128xf32, #tpu.memory_space<vmem>>) dst(%dma_wait3A_191 : memref<64x128xf32, #tpu.memory_space<hbm>>)
    %add3A_196 = arith.constant 64 : i32
    %add3A_197 = arith.addi %mul3A_2, %add3A_196 : i32
    %dma_wait3A_198 = arith.constant 9 : i32
    %dma_wait3A_199 = arith.constant 49 : i32
    %dma_wait3A_200 = arith.constant 9 : i32
    %dma_wait3A_201 = arith.constant 0 : i32
    %dma_wait3A_202 = arith.constant 0 : i32
    %dma_wait3A_203 = tpu.memref_slice %arg6[%dma_wait3A_198, %dma_wait3A_201, %dma_wait3A_202] : memref<10x64x128xf32, #tpu.memory_space<vmem>> -> memref<1x64x128xf32, #tpu.memory_space<vmem>>
    %dma_wait3A_204 = tpu.memref_squeeze %dma_wait3A_203 : memref<1x64x128xf32, #tpu.memory_space<vmem>> -> memref<64x128xf32, #tpu.memory_space<vmem>>
    %dma_wait3A_205 = arith.constant 0 : i32
    %dma_wait3A_206 = tpu.memref_slice %arg4[%dma_wait3A_199, %add3A_197, %dma_wait3A_205] : memref<50x4096x128xf32, #tpu.memory_space<hbm>> -> memref<1x64x128xf32, #tpu.memory_space<hbm>>
    %dma_wait3A_207 = tpu.memref_squeeze %dma_wait3A_206 : memref<1x64x128xf32, #tpu.memory_space<hbm>> -> memref<64x128xf32, #tpu.memory_space<hbm>>
    %dma_wait3A_208 = tpu.memref_slice %arg8[%dma_wait3A_200] : memref<10x!tpu.dma_semaphore, #tpu.memory_space<semaphore_mem>> -> memref<1x!tpu.dma_semaphore, #tpu.memory_space<semaphore_mem>>
    %dma_wait3A_209 = tpu.memref_squeeze %dma_wait3A_208 : memref<1x!tpu.dma_semaphore, #tpu.memory_space<semaphore_mem>> -> memref<!tpu.dma_semaphore, #tpu.memory_space<semaphore_mem>>
    %dma_wait3A_210 = arith.constant 0 : i32
    %dma_wait3A_211 = tpu.memref_slice %arg4[%dma_wait3A_199, %add3A_197, %dma_wait3A_210] : memref<50x4096x128xf32, #tpu.memory_space<hbm>> -> memref<1x64x128xf32, #tpu.memory_space<hbm>>
    %dma_wait3A_212 = tpu.memref_squeeze %dma_wait3A_211 : memref<1x64x128xf32, #tpu.memory_space<hbm>> -> memref<64x128xf32, #tpu.memory_space<hbm>>
    %dma_wait3A_213 = arith.constant 0 : i32
    %dma_wait3A_214 = arith.constant 0 : i32
    %dma_wait3A_215 = tpu.memref_slice %arg6[%dma_wait3A_198, %dma_wait3A_213, %dma_wait3A_214] : memref<10x64x128xf32, #tpu.memory_space<vmem>> -> memref<1x64x128xf32, #tpu.memory_space<vmem>>
    %dma_wait3A_216 = tpu.memref_squeeze %dma_wait3A_215 : memref<1x64x128xf32, #tpu.memory_space<vmem>> -> memref<64x128xf32, #tpu.memory_space<vmem>>
    tpu.wait_dma2 semaphore(%dma_wait3A_209 : memref<!tpu.dma_semaphore, #tpu.memory_space<semaphore_mem>>) src(%dma_wait3A_216 : memref<64x128xf32, #tpu.memory_space<vmem>>) dst(%dma_wait3A_212 : memref<64x128xf32, #tpu.memory_space<hbm>>)
    return
  }
}

</mosaic_0001>

<sc_bundles>
// kernel: kernel.3.cloned.1.call-start
scs
__scs_entry_jumppad:
0x0: {  	(pc) =	sbr.rel $0x88, $3  }
0x1: {  	(tag) =	ssettag $0x0;
	lr =	simm.s32 $0x1  }
0x2: {  	[smem:$0x3F9F] =	sst lr;
	_ =	strace $0xD0000000  }
0x3: {  	_ = 	snop  }
0x4: {  	_ = 	snop  }
0x5: {  	_ = 	snop  }
0x6: {  	_ = 	snop  }
0x7: {  	_ = 	snop  }
__scs_overlays_trampoline_lowered:
0x8: {  	[smem:$0x3FAE] =	sst s0  }
0x9: {  	[smem:$0x3FAF] =	sst s1  }
0xa: {  	[smem:$0x3FB0] =	sst s2  }
0xb: {  	[smem:$0x3FB1] =	sst s3  }
0xc: {  	[smem:$0x3FB2] =	sst s4  }
0xd: {  	[smem:$0x3FB3] =	sst s5  }
0xe: {  	[smem:$0x3FB4] =	sst s6  }
0xf: {  	[smem:$0x3FB5] =	sst s7  }
0x10: {  	[smem:$0x3FB6] =	sst s8  }
0x11: {  	[smem:$0x3FB7] =	sst s9;
	s0 =	simm.s32 @!p0 $0x0  }
0x12: {  	s1 =	sld [smem:$0x3F9D];
	s0 =	simm.s32 @p0 $0x1  }
0x13: {  	[smem:$0x3FB8] =	sst s0;
	s0 =	simm.s32 @!p1 $0x0  }
0x14: {  	s2 =	sld [smem:$0x3F9C];
	s0 =	simm.s32 @p1 $0x1  }
0x15: {  	[smem:$0x3FB9] =	sst s0;
	s0 =	simm.s32 @!p2 $0x0  }
0x16: {  	s3 =	sld [smem:$0x3FDB];
	s0 =	simm.s32 @p2 $0x1  }
0x17: {  	s4 =	simm.s32 $0x1BF5;
	[smem:$0x3FBB] =	sst s0  }
0x18: {  	s0 =	sld [smem:$0x3F9E];
	_ =	swait.ge [sflag:s4], $0x0  }
0x19: {  	s7 =	sld [smem:$0x3F9F]  }
0x1a: {  	s8 =	sadd.s32 $0xFFFFE003, lr  }
0x1b: {  	s9 =	sadd.s32 $0xFFFFFEF7, lr;
	s5 =	simm.s32 $0xFFFFFFFF;
	p2 =	slt.u32 s8, $0xFFFFF086  }
0x1c: {  	p1 =	slt.u32 s9, $0xF7A;
	s5 =	simm.s32 @!p2 $0x0  }
0x1d: {  	s5 =	simm.s32 @p1 $0x1;
	p0 =	seq.s32 s7, s2  }
0x1e: {  	s7 =	smul.u32 @!p0 $0xF7A, s2;
	p2 =	seq.s32 @!p0 s5, $0x0  }
0x1f: {  	s9 =	smul.u32 $0xF7A, s1;
	s8 =	simm.s32 @!p0 $0x1BF5;
	p2 =	por !p2, p0  }
0x20: {  	[sflag:s8] =	ssyncset.s32 @!p0 $0xFFFFF086;
	s6 =	sadd.s32 @!p0 s3, s7;
	s7 =	simm.s32 @!p0 $0x108  }
0x21: {  	s3 =	sadd.s32 s3, s9;
	s6 =	sadd.s32 @!p0 $0x88, s6;
	s7 =	simm.s32 @p2 $0x1082  }
0x22: {  	[simem:s7], [sflag:s8] =	dma.local @!p0 [hbm:s6], $0xF7A  }
0x23: {  	s9 =	sor.u32 $0xD0000000, s2;
	s6 =	simm.s32 $0x108;
	_ =	swait.ge @!p0 [sflag:s8], $0x0  }
0x24: {  	s3 =	sadd.s32 $0x88, s3;
	s6 =	simm.s32 @!p1 $0x1082;
	[sflag:s4] =	ssyncset.s32 $0xFFFFF086  }
0x25: {  	[simem:s6], [sflag:s4] =	dma.local [hbm:s3], $0xF7A  }
0x26: {  	[smem:$0x3F9F] =	sst s1;
	(tag) =	ssettag s2;
	_ =	strace s9  }
0x27: {  	s1 =	sld [smem:$0x3FAF]  }
0x28: {  	s2 =	sld [smem:$0x3FB0]  }
0x29: {  	s4 =	sld [smem:$0x3FB2]  }
0x2a: {  	p0 =	seq.s32 s5, $0x0;
	s5 =	sld [smem:$0x3FB3]  }
0x2b: {  	s6 =	sld [smem:$0x3FB4]  }
0x2c: {  	s7 =	sld [smem:$0x3FB5]  }
0x2d: {  	s3 =	simm.s32 $0x108;
	s8 =	sld [smem:$0x3FB6]  }
0x2e: {  	s3 =	simm.s32 @!p0 $0x1082;
	s9 =	sld [smem:$0x3FB7]  }
0x2f: {  	lr =	sadd.s32 s0, s3;
	s0 =	sld [smem:$0x3FAE]  }
0x30: {  	s3 =	sld [smem:$0x3FB1]  }
0x31: {  	[smem:$0x3FBA] =	sst s10  }
0x32: {  	s10 =	sld [smem:$0x3FB8];
	_ =	sdelay $0x3  }
0x33: {  	p0 =	seq.s32 s10, $0x1;
	s10 =	sld [smem:$0x3FBA];
	_ =	sdelay $0x3  }
0x34: {  	[smem:$0x3FBA] =	sst s10  }
0x35: {  	s10 =	sld [smem:$0x3FB9];
	_ =	sdelay $0x3  }
0x36: {  	p1 =	seq.s32 s10, $0x1;
	s10 =	sld [smem:$0x3FBA];
	_ =	sdelay $0x3  }
0x37: {  	[smem:$0x3FBA] =	sst s10  }
0x38: {  	s10 =	sld [smem:$0x3FBB]  }
0x39: {  	_ = 	snop;
	(pc) =	sbr.ind lr, $3  }
0x3a: {  	_ = 	snop  }
0x3b: {  	_ = 	snop  }
0x3c: {  	p2 =	seq.s32 s10, $0x1;
	s10 =	sld [smem:$0x3FBA]  }
0x3d: {  	_ =	shalt  }
0x3e: {  	_ =	shalt  }
0x3f: {  	_ =	shalt  }
0x40: {  	_ =	shalt  }
0x41: {  	_ =	shalt  }
0x42: {  	_ =	shalt  }
0x43: {  	_ =	shalt  }
0x44: {  	_ =	shalt  }
0x45: {  	_ =	shalt  }
0x46: {  	_ =	shalt  }
0x47: {  	_ =	shalt  }
0x48: {  	_ =	shalt  }
0x49: {  	_ =	shalt  }
0x4a: {  	_ =	shalt  }
0x4b: {  	_ =	shalt  }
0x4c: {  	_ =	shalt  }
0x4d: {  	_ =	shalt  }
0x4e: {  	_ =	shalt  }
0x4f: {  	_ =	shalt  }
0x50: {  	_ =	shalt  }
0x51: {  	_ =	shalt  }
0x52: {  	_ =	shalt  }
0x53: {  	_ =	shalt  }
0x54: {  	_ =	shalt  }
0x55: {  	_ =	shalt  }
0x56: {  	_ =	shalt  }
0x57: {  	_ =	shalt  }
0x58: {  	_ =	shalt  }
0x59: {  	_ =	shalt  }
0x5a: {  	_ =	shalt  }
0x5b: {  	_ =	shalt  }
0x5c: {  	_ =	shalt  }
0x5d: {  	_ =	shalt  }
0x5e: {  	_ =	shalt  }
0x5f: {  	_ =	shalt  }
0x60: {  	_ =	shalt  }
0x61: {  	_ =	shalt  }
0x62: {  	_ =	shalt  }
0x63: {  	_ =	shalt  }
0x64: {  	_ =	shalt  }
0x65: {  	_ =	shalt  }
0x66: {  	_ =	shalt  }
0x67: {  	_ =	shalt  }
0x68: {  	_ =	shalt  }
0x69: {  	_ =	shalt  }
0x6a: {  	_ =	shalt  }
0x6b: {  	_ =	shalt  }
0x6c: {  	_ =	shalt  }
0x6d: {  	_ =	shalt  }
0x6e: {  	_ =	shalt  }
0x6f: {  	_ =	shalt  }
0x70: {  	_ =	shalt  }
0x71: {  	_ =	shalt  }
0x72: {  	_ =	shalt  }
0x73: {  	_ =	shalt  }
0x74: {  	_ =	shalt  }
0x75: {  	_ =	shalt  }
0x76: {  	_ =	shalt  }
0x77: {  	_ =	shalt  }
0x78: {  	_ =	shalt  }
0x79: {  	_ =	shalt  }
0x7a: {  	_ =	shalt  }
0x7b: {  	_ =	shalt  }
0x7c: {  	_ =	shalt  }
0x7d: {  	_ =	shalt  }
0x7e: {  	_ =	shalt  }
0x7f: {  	_ =	shalt  }
0x80: {  	_ =	shalt  }
0x81: {  	_ =	shalt  }
0x82: {  	_ =	shalt  }
0x83: {  	_ =	shalt  }
0x84: {  	_ =	shalt  }
0x85: {  	_ =	shalt  }
0x86: {  	_ =	shalt  }
0x87: {  	_ =	shalt  }
.Lfunc_end0:
.L_simem_size_0:
called_computation_lowered:
.L_overlay_start_0:
0x88: {  	s2 =	sld [smem:$0x3FD9]  }
0x89: {  	s3 =	sld [smem:$0x3FFE];
	_ =	sdelay $0x1  }
0x8a: {  	s1 =	srdreg.scid  }
0x8b: {  	s0 =	sand.u32 $0x1, s1  }
0x8c: {  	s17 =	sshll.u32 s0, $0xA;
	s2 =	sadd.s32 s3, s2  }
0x8d: {  	s2 =	sadd.s32 s2, s17  }
0x8e: {  	[smem:$0x3FC6] =	sst s2  }
0x8f: {  	_ = 	snop  }
0x90: {  	s2 =	sld [smem:$0x3FC8]  }
0x91: {  	s18 =	sld [smem:$0x3FD0];
	(tm) =	ssettm $0x1  }
0x92: {  	s4 =	sld [smem:$0x3FFB];
	_ =	sdelay $0x3  }
0x93: {  	_ =	strace s4  }
0x94: {  	s4 =	sld [smem:$0x3FFC];
	_ =	sdelay $0x3  }
0x95: {  	_ =	strace s4  }
0x96: {  	s4 =	sld [smem:$0x3FFD];
	_ =	sdelay $0x3  }
0x97: {  	_ =	strace s4  }
0x98: {  	_ =	strace $0x8FFFFFFF  }
0x99: {  	s19 =	sld [smem:$0x3FDB];
	_ =	sdelay $0x1  }
0x9a: {  	s5 =	simm.s32 $_scs_section_size  }
0x9b: {  	s6 =	simm.s32 $_size__tile_overlayer_lowered;
	s7 =	simm.s32 $_tile_overlayer_lowered  }
0x9c: {  	s22 =	simm.s32 $0x1BFF;
	s21 =	sshll.u32 s7, $0x1;
	s4 =	sadd.s32 s5, s19  }
0x9d: {  	s8 =	simm.s32 $0x0;
	s20 =	sshll.u32 s6, $0x1;
	s6 =	sadd.s32 s21, s4  }
0x9e: {  	[timem:s8], [sflag:s22] =	dma.local [hbm:s6], s20  }
0x9f: {  	_ =	swait.ge [sflag:s22], s20  }
0xa0: {  	s5 =	ssub.s32 $0x0, s20;
	[sflag:s22] =	ssyncset.done $0x0  }
0xa1: {  	[sflag:s22] =	ssyncadd.s32 s5;
	_ =	sdelay $0x1  }
0xa2: {  	s23 =	simm.s32 $0x1B8B  }
0xa3: {  	_ =	swait.ge [sflag:s23], $0x1  }
0xa4: {  	[sflag:s23] =	ssyncset.done $0x0  }
0xa5: {  	s25 =	simm.s32 $0x1B8E;
	s24 =	sld [smem:$0x3FFE];
	[sflag:s23] =	ssyncadd.s32 $0xFFFFFFFF  }
0xa6: {  	s26 =	simm.s32 $execute0_lowered;
	[smem:$0x3FD2] =	sst s25  }
0xa7: {  	s6 =	sshll.u32 s26, $0x1;
	_ =	strace $0x80000046;
	[dreg:$0x1] =	wrdreg $0xFFFFFFFF  }
0xa8: {  	s28 =	simm.s32 $_size_execute0_lowered;
	s4 =	sadd.s32 s4, s6;
	[dreg:$0x0] =	wrdreg $0x0  }
0xa9: {  	s6 =	sshll.u32 s28, $0x1;
	[dreg:$0x2] =	wrdreg s4  }
0xaa: {  	[dreg:$0x3] =	wrdreg s6  }
0xab: {  	[dreg:$0x4] =	wrdreg $0xC0  }
0xac: {  	_ =	task [dreg:s8], $0x5FFFF  }
0xad: {  	[dreg:$0x1] =	wrdreg $0xFFFFFFFF  }
0xae: {  	[dreg:$0x0] =	wrdreg $0x60  }
0xaf: {  	[dreg:$0x2] =	wrdreg s24  }
0xb0: {  	[dreg:$0x3] =	wrdreg s2  }
0xb1: {  	[dreg:$0x4] =	wrdreg s18  }
0xb2: {  	[dreg:$0x5] =	wrdreg $0x9  }
0xb3: {  	_ =	task.clear_ibuf [dreg:s8], $0x6FFFF;
	_ =	strace $0x90000046  }
0xb4: {  	s29 =	simm.s32 $0x9;
	_ =	strace $0x80000048  }
0xb5: {  	_ =	swait.ge [sflag:s29], $0x1  }
0xb6: {  	[sflag:s29] =	ssyncadd.s32 $0xFFFFFFFF  }
0xb7: {  	_ =	strace $0x90000048  }
0xb8: {  	_ =	sfence  }
0xb9: {  	s30 =	sld [smem:$0x0];
	_ =	sdelay $0x2  }
0xba: {  	s31 =	sshll.u32 s1, $0xD;
	s1 =	sshrl.u32 s1, $0x2  }
0xbb: {  	s3 =	sand.u32 $0x4000, s31;
	s1 =	sadd.s32 s1, s30  }
0xbc: {  	s0 =	sor.u32 s3, s0;
	s1 =	sshll.u32 s1, $0x11  }
0xbd: {  	s0 =	sor.u32 s1, s0  }
0xbe: {  	s0 =	sadd.s32 $0x8F2B, s0  }
0xbf: {  	[sflag:s0] =	ssyncadd.remote.s32 $0x1  }
0xc0: {  	_ =	sfence.sel $0xFFFF  }
0xc1: {  	[dreg:$0x0] =	wrdreg $0xFFFFFFFF;
	(pc) =	sbr.abs _section_cstart, $3  }
0xc2: {  	[dreg:$0x1] =	wrdreg $0xFFFFFFFF  }
0xc3: {  	_ =	task.clear_ibuf [dreg:s8], $0x2FFFF;
	_ =	strace $0x9FFFFFFF  }
0xc4: {  	(tm) =	ssettm $0x7FFFFFFF  }
0xc5: {  	_ =	shalt  }
tec
execute0_lowered:
.L_overlay_start_1:
0x0: {  	(tag) =	ssettag $0x1  }
0x1: {  	s0 =	rddreg [dreg:$0x0];
	s1 =	srdreg.scid  }
0x2: {  	s3 =	stileid.u32;
	s2 =	rddreg [dreg:$0x1];
	s6 =	simm.s32 $0x0  }
0x3: {  	s10 =	simm.s32 $0x40;
	s23 =	simm.s32 $0x1C00;
	s24 =	simm.s32 $0x7C00  }
0x4: {  	s28 =	simm.s32 $0x13C00;
	s29 =	simm.s32 $0x1;
	s30 =	simm.s32 $0x2  }
0x5: {  	s31 =	simm.s32 $0x3;
	s8 =	simm.s32 $0x7;
	s9 =	simm.s32 $0x8  }
0x6: {  	s13 =	simm.s32 $0x9;
	s15 =	simm.s32 $0xA;
	s11 =	simm.s32 $0x11  }
0x7: {  	s12 =	simm.s32 $0x12;
	s14 =	simm.s32 $0x13;
	s16 =	simm.s32 $0x14  }
0x8: {  	s1 =	sand.u32 $0x1, s1;
	s4 =	sshll.u32 s3, $0x1;
	s3 =	rddreg [dreg:$0x2]  }
0x9: {  	s18 =	simm.s32 $0x0;
	[smem:$0x7FF] =	sst s6;
	s4 =	sor.u32 s1, s4  }
0xa: {  	s1 =	ssub.s32 $0x2, s1;
	_ =	strace $0x80000047;
	s5 =	smul.u32 $0x380, s4  }
0xb: {  	s25 =	sshrl.u32 s1, $0x1;
	s6 =	sshll.u32 s4, $0xE;
	s4 =	simm.s32 $0x10  }
0xc: {  	s1 =	ssub.s32 s1, s25;
	s7 =	sor.u32 $0x2000, s6;
	s25 =	simm.s32 $0xF  }
0xd: {  	s0 =	sadd.s32 s5, s0;
	s26 =	smax.u32 s1, $0x1;
	s1 =	simm.s32 $0x4  }
0xe: {  	s5 =	simm.s32 $0x6;
	s0 =	sadd.s32 $0x400, s0;
	[dreg:$0x5] =	wrdreg s26  }
0xf: {  	s26 =	simm.s32 $0x3C00;
	[dreg:$0x4] =	wrdreg s0;
	s0 =	simm.s32 $0x5  }
.LBB2_1:
0x10: {  	[dreg:$0x6] =	wrdreg s18  }
0x11: {  	s17 =	simm.s32 $0x0;
	s21 =	rddreg [dreg:$0x4];
	s22 =	simm.s32 $0x15  }
0x12: {  	[tilespmem:s17], [sflag:$0x15] =	stream.linear.gather [hbm4b:s21+s17], $0x1900, $0x38;
	[tilespmem:$0x15C00] =	vst v63  }
0x13: {  	_ =	swait.ge [sflag:s22], $0x1900  }
0x14: {  	[sflag:s22] =	ssyncset.done $0x0  }
0x15: {  	s18 =	simm.s32 $0x0;
	[sflag:s22] =	ssyncadd.s32 $0xFFFFE700  }
.LBB2_2:
0x16: {  	p0 =	sne.s32 s18, $0x0  }
.Ltmp0:
0x17: {  	_ = 	snop;
	(pc) =	sbr.rel @!p0 .LBB2_3-.Ltmp0, $1  }
0x18: {  	_ =	sdelay $0x3  }
0x19: {  	s19 =	simm.s32 $0xB  }
0x1a: {  	s17 =	smul.u32 $0xA00, s18;
	_ =	swait.ge [sflag:s19], $0x2000  }
0x1b: {  	[sflag:s19] =	ssyncset.done $0x0  }
0x1c: {  	s20 =	simm.s32 $0xC;
	s17 =	sshra.s32 s17, $0x2;
	[sflag:s19] =	ssyncadd.s32 $0xFFFFE000  }
0x1d: {  	[tilespmem:s23], [sflag:$0x1] =	stream.indirect.gather [hbm4b:s2+s10], $0x80, s17, s10, $0xb8;
	[tilespmem:$0x15C00] =	vst v63  }
0x1e: {  	_ =	swait.ge [sflag:s20], $0x2000  }
0x1f: {  	s21 =	simm.s32 $0xD;
	[sflag:s20] =	ssyncset.done $0x0  }
0x20: {  	s19 =	smul.u32 $0x5, s18;
	s17 =	sor.u32 $0x40, s17;
	[sflag:s20] =	ssyncadd.s32 $0xFFFFE000  }
0x21: {  	[tilespmem:s26], [sflag:$0x2] =	stream.indirect.gather [hbm4b:s2+s10], $0x80, s17, s10, $0xb8;
	[tilespmem:$0x15C00] =	vst v63  }
0x22: {  	s17 =	sadd.s32 $0x1, s19;
	_ =	swait.ge [sflag:s21], $0x2000  }
0x23: {  	s26 =	simm.s32 $0x5C00;
	s22 =	sshll.u32 s17, $0x7;
	[sflag:s21] =	ssyncset.done $0x0  }
0x24: {  	s20 =	sand.u32 $0x3FFFFF80, s22;
	s22 =	simm.s32 $0xE;
	[sflag:s21] =	ssyncadd.s32 $0xFFFFE000  }
0x25: {  	[tilespmem:s26], [sflag:$0x3] =	stream.indirect.gather [hbm4b:s2+s10], $0x80, s20, s10, $0xb8;
	[tilespmem:$0x15C00] =	vst v63  }
0x26: {  	_ =	swait.ge [sflag:s22], $0x2000  }
0x27: {  	[sflag:s22] =	ssyncset.done $0x0  }
0x28: {  	s20 =	sor.u32 $0x40, s20;
	[sflag:s22] =	ssyncadd.s32 $0xFFFFE000  }
0x29: {  	[tilespmem:s24], [sflag:$0x4] =	stream.indirect.gather [hbm4b:s2+s10], $0x80, s20, s10, $0xb8;
	[tilespmem:$0x15C00] =	vst v63  }
0x2a: {  	s20 =	sadd.s32 $0x2, s19;
	_ =	swait.ge [sflag:s25], $0x2000  }
0x2b: {  	s24 =	sshll.u32 s20, $0x7;
	[sflag:s25] =	ssyncset.done $0x0  }
0x2c: {  	s22 =	simm.s32 $0x9C00;
	s21 =	sand.u32 $0x3FFFFF80, s24;
	[sflag:s25] =	ssyncadd.s32 $0xFFFFE000  }
0x2d: {  	[tilespmem:s22], [sflag:$0x5] =	stream.indirect.gather [hbm4b:s2+s10], $0x80, s21, s10, $0xb8;
	[tilespmem:$0x15C00] =	vst v63  }
0x2e: {  	_ =	swait.ge [sflag:s4], $0x2000  }
0x2f: {  	[sflag:s4] =	ssyncset.done $0x0  }
0x30: {  	s26 =	simm.s32 $0xBC00;
	s21 =	sor.u32 $0x40, s21;
	[sflag:s4] =	ssyncadd.s32 $0xFFFFE000  }
0x31: {  	[tilespmem:s26], [sflag:$0x6] =	stream.indirect.gather [hbm4b:s2+s10], $0x80, s21, s10, $0xb8;
	[tilespmem:$0x15C00] =	vst v63  }
0x32: {  	s21 =	sadd.s32 $0x3, s19;
	_ =	swait.ge [sflag:s11], $0x2000  }
0x33: {  	s24 =	sshll.u32 s21, $0x7;
	[sflag:s11] =	ssyncset.done $0x0  }
0x34: {  	s26 =	simm.s32 $0xDC00;
	s22 =	sand.u32 $0x3FFFFF80, s24;
	[sflag:s11] =	ssyncadd.s32 $0xFFFFE000  }
0x35: {  	[tilespmem:s26], [sflag:$0x7] =	stream.indirect.gather [hbm4b:s2+s10], $0x80, s22, s10, $0xb8;
	[tilespmem:$0x15C00] =	vst v63  }
0x36: {  	_ =	swait.ge [sflag:s12], $0x2000  }
0x37: {  	[sflag:s12] =	ssyncset.done $0x0  }
0x38: {  	s22 =	sor.u32 $0x40, s22;
	s26 =	simm.s32 $0xFC00;
	[sflag:s12] =	ssyncadd.s32 $0xFFFFE000  }
0x39: {  	[tilespmem:s26], [sflag:$0x8] =	stream.indirect.gather [hbm4b:s2+s10], $0x80, s22, s10, $0xb8;
	[tilespmem:$0x15C00] =	vst v63  }
0x3a: {  	s26 =	sadd.s32 $0x4, s19;
	_ =	swait.ge [sflag:s14], $0x2000  }
0x3b: {  	s24 =	simm.s32 $0x11C00;
	s19 =	sshll.u32 s26, $0x9;
	[sflag:s14] =	ssyncset.done $0x0  }
.Ltmp1:
0x3c: {  	s22 =	sshrl.u32 s19, $0x2;
	[sflag:s14] =	ssyncadd.s32 $0xFFFFE000;
	(pc) =	sbr.rel .LBB2_5-.Ltmp1, $4  }
0x3d: {  	[tilespmem:s24], [sflag:$0x9] =	stream.indirect.gather [hbm4b:s2+s10], $0x80, s22, s10, $0xb8;
	[tilespmem:$0x15C00] =	vst v63  }
0x3e: {  	_ =	swait.ge [sflag:s16], $0x2000  }
0x3f: {  	s24 =	sshll.u32 s17, $0x13;
	s17 =	sshll.u32 s20, $0x13;
	[sflag:s16] =	ssyncset.done $0x0  }
0x40: {  	s22 =	sshll.u32 s21, $0x13;
	s20 =	sshll.u32 s26, $0x13;
	[sflag:s16] =	ssyncadd.s32 $0xFFFFE000  }
.LBB2_3:
0x41: {  	s17 =	simm.s32 $0x0  }
0x42: {  	[tilespmem:s23], [sflag:$0x1] =	stream.indirect.gather [hbm4b:s2+s10], $0x80, s17, s10, $0xb8;
	[tilespmem:$0x15C00] =	vst v63  }
0x43: {  	_ = 	snop  }
0x44: {  	[tilespmem:s26], [sflag:$0x2] =	stream.indirect.gather [hbm4b:s2+s10], $0x80, s10, s10, $0xb8;
	[tilespmem:$0x15C00] =	vst v63  }
0x45: {  	s19 =	simm.s32 $0x5C00;
	s26 =	simm.s32 $0x80  }
0x46: {  	[tilespmem:s19], [sflag:$0x3] =	stream.indirect.gather [hbm4b:s2+s10], $0x80, s26, s10, $0xb8;
	[tilespmem:$0x15C00] =	vst v63  }
0x47: {  	s20 =	simm.s32 $0xC0  }
0x48: {  	[tilespmem:s24], [sflag:$0x4] =	stream.indirect.gather [hbm4b:s2+s10], $0x80, s20, s10, $0xb8;
	[tilespmem:$0x15C00] =	vst v63  }
0x49: {  	s21 =	simm.s32 $0x100;
	s22 =	simm.s32 $0x9C00  }
0x4a: {  	[tilespmem:s22], [sflag:$0x5] =	stream.indirect.gather [hbm4b:s2+s10], $0x80, s21, s10, $0xb8;
	[tilespmem:$0x15C00] =	vst v63  }
0x4b: {  	s26 =	simm.s32 $0xBC00;
	s24 =	simm.s32 $0x140  }
0x4c: {  	[tilespmem:s26], [sflag:$0x6] =	stream.indirect.gather [hbm4b:s2+s10], $0x80, s24, s10, $0xb8;
	[tilespmem:$0x15C00] =	vst v63  }
0x4d: {  	s19 =	simm.s32 $0x180;
	s20 =	simm.s32 $0xDC00  }
0x4e: {  	[tilespmem:s20], [sflag:$0x7] =	stream.indirect.gather [hbm4b:s2+s10], $0x80, s19, s10, $0xb8;
	[tilespmem:$0x15C00] =	vst v63  }
0x4f: {  	s17 =	simm.s32 $0x100000;
	s21 =	simm.s32 $0x1C0;
	s22 =	simm.s32 $0xFC00  }
0x50: {  	[tilespmem:s22], [sflag:$0x8] =	stream.indirect.gather [hbm4b:s2+s10], $0x80, s21, s10, $0xb8;
	[tilespmem:$0x15C00] =	vst v63  }
0x51: {  	s24 =	simm.s32 $0x200;
	s26 =	simm.s32 $0x11C00;
	s20 =	simm.s32 $0x200000  }
0x52: {  	[tilespmem:s26], [sflag:$0x9] =	stream.indirect.gather [hbm4b:s2+s10], $0x80, s24, s10, $0xb8;
	[tilespmem:$0x15C00] =	vst v63  }
0x53: {  	s19 =	simm.s32 $0x800;
	s22 =	simm.s32 $0x180000;
	s24 =	simm.s32 $0x80000  }
.LBB2_5:
0x54: {  	s19 =	sshrl.u32 s19, $0x2  }
0x55: {  	s19 =	sadd.s32 $0x40, s19  }
0x56: {  	[tilespmem:s28], [sflag:$0xA] =	stream.indirect.gather [hbm4b:s2+s10], $0x80, s19, s10, $0xb8;
	[tilespmem:$0x15C00] =	vst v63  }
0x57: {  	_ =	swait.ge [sflag:s29], $0x2000  }
0x58: {  	[sflag:s29] =	ssyncset.done $0x0  }
0x59: {  	s21 =	simm.s32 $0x0;
	[sflag:s29] =	ssyncadd.s32 $0xFFFFE000  }
0x5a: {  	v2 =	vld [tilespmem:s21+$0x1C00]  }
0x5b: {  	v5 =	vld [tilespmem:s21+$0x1C10]  }
0x5c: {  	v4 =	vld [tilespmem:s21+$0x1C20]  }
0x5d: {  	v3 =	vld [tilespmem:s21+$0x1C30]  }
0x5e: {  	v0 =	vld [tilespmem:s21+$0x1C40]  }
0x5f: {  	v1 =	vld [tilespmem:s21+$0x1C50];
	v6 =	vmul.f32 $1.131370830e+01, v2  }
0x60: {  	s19 =	simm.s32 $0x200;
	v5 =	vmul.f32 $1.131370830e+01, v5;
	v2 =	vld [tilespmem:s21+$0x1C60]  }
.LBB2_6:
0x61: {  	s26 =	sshra.s32 s19, $0x2;
	p0 =	sne.s32 s19, $0x7E00;
	[tilespmem:s21+$0x1C00] =	vst v6;
	v4 =	vmul.f32 $1.131370830e+01, v4;
	v6 =	vld [tilespmem:s21+$0x1C70]  }
0x62: {  	v7 =	vld [tilespmem:s26+$0x1C00];
	[tilespmem:s21+$0x1C10] =	vst v5;
	v3 =	vmul.f32 $1.131370830e+01, v3  }
0x63: {  	v5 =	vld [tilespmem:s26+$0x1C10];
	[tilespmem:s21+$0x1C20] =	vst v4;
	v0 =	vmul.f32 $1.131370830e+01, v0  }
.Ltmp2:
0x64: {  	v4 =	vld [tilespmem:s26+$0x1C20];
	[tilespmem:s21+$0x1C30] =	vst v3;
	v1 =	vmul.f32 $1.131370830e+01, v1;
	(pc) =	sbr.rel @p0 .LBB2_6-.Ltmp2, $4  }
0x65: {  	v3 =	vld [tilespmem:s26+$0x1C30];
	[tilespmem:s21+$0x1C40] =	vst v0;
	v2 =	vmul.f32 $1.131370830e+01, v2  }
0x66: {  	v0 =	vld [tilespmem:s26+$0x1C40];
	[tilespmem:s21+$0x1C50] =	vst v1;
	v8 =	vmul.f32 $1.131370830e+01, v6  }
0x67: {  	v6 =	vmul.f32 $1.131370830e+01, v7;
	v1 =	vld [tilespmem:s26+$0x1C50];
	[tilespmem:s21+$0x1C60] =	vst v2  }
0x68: {  	s19 =	sadd.s32 $0x200, s19;
	v5 =	vmul.f32 $1.131370830e+01, v5;
	v2 =	vld [tilespmem:s26+$0x1C60];
	[tilespmem:s21+$0x1C70] =	vst v8;
	s21 =	smov.u32 s26  }
0x69: {  	[tilespmem:s21+$0x1C00] =	vst v6;
	v4 =	vmul.f32 $1.131370830e+01, v4;
	v6 =	vld [tilespmem:s21+$0x1C70]  }
0x6a: {  	[tilespmem:s21+$0x1C10] =	vst v5;
	v3 =	vmul.f32 $1.131370830e+01, v3  }
0x6b: {  	[tilespmem:s21+$0x1C20] =	vst v4;
	v0 =	vmul.f32 $1.131370830e+01, v0  }
0x6c: {  	s19 =	smul.u32 $0x280000, s18;
	[tilespmem:s21+$0x1C30] =	vst v3;
	v1 =	vmul.f32 $1.131370830e+01, v1  }
0x6d: {  	[tilespmem:s21+$0x1C40] =	vst v0;
	v0 =	vmul.f32 $1.131370830e+01, v2  }
0x6e: {  	s26 =	sor.u32 s6, s19;
	[tilespmem:s21+$0x1C50] =	vst v1;
	v1 =	vmul.f32 $1.131370830e+01, v6  }
0x6f: {  	s26 =	sshrl.u32 s26, $0x3;
	[tilespmem:s21+$0x1C60] =	vst v0  }
0x70: {  	[tilespmem:s21+$0x1C70] =	vst v1;
	s21 =	sadd.s32 s3, s26;
	s26 =	simm.s32 $0x0  }
0x71: {  	[hbm4b:s21+s26] =	stream.linear.scatter [tilespmem:s23], [sflag:$0xB], $0x2000, $0x38;
	[tilespmem:$0x15C00] =	vst v63  }
0x72: {  	_ =	swait.ge [sflag:s30], $0x2000  }
0x73: {  	[sflag:s30] =	ssyncset.done $0x0  }
0x74: {  	s21 =	simm.s32 $0x0;
	[sflag:s30] =	ssyncadd.s32 $0xFFFFE000  }
0x75: {  	v3 =	vld [tilespmem:s21+$0x3C00]  }
0x76: {  	v5 =	vld [tilespmem:s21+$0x3C10]  }
0x77: {  	v4 =	vld [tilespmem:s21+$0x3C20]  }
0x78: {  	v2 =	vld [tilespmem:s21+$0x3C30]  }
0x79: {  	v0 =	vld [tilespmem:s21+$0x3C40]  }
0x7a: {  	v1 =	vld [tilespmem:s21+$0x3C50];
	v6 =	vmul.f32 $1.131370830e+01, v3  }
0x7b: {  	s26 =	simm.s32 $0x200;
	v5 =	vmul.f32 $1.131370830e+01, v5;
	v3 =	vld [tilespmem:s21+$0x3C60]  }
.LBB2_8:
0x7c: {  	s23 =	sshra.s32 s26, $0x2;
	p0 =	sne.s32 s26, $0x7E00;
	[tilespmem:s21+$0x3C00] =	vst v6;
	v4 =	vmul.f32 $1.131370830e+01, v4;
	v6 =	vld [tilespmem:s21+$0x3C70]  }
0x7d: {  	v7 =	vld [tilespmem:s23+$0x3C00];
	[tilespmem:s21+$0x3C10] =	vst v5;
	v2 =	vmul.f32 $1.131370830e+01, v2  }
0x7e: {  	v5 =	vld [tilespmem:s23+$0x3C10];
	[tilespmem:s21+$0x3C20] =	vst v4;
	v0 =	vmul.f32 $1.131370830e+01, v0  }
.Ltmp3:
0x7f: {  	v4 =	vld [tilespmem:s23+$0x3C20];
	[tilespmem:s21+$0x3C30] =	vst v2;
	v1 =	vmul.f32 $1.131370830e+01, v1;
	(pc) =	sbr.rel @p0 .LBB2_8-.Ltmp3, $4  }
0x80: {  	v2 =	vld [tilespmem:s23+$0x3C30];
	[tilespmem:s21+$0x3C40] =	vst v0;
	v3 =	vmul.f32 $1.131370830e+01, v3  }
0x81: {  	v0 =	vld [tilespmem:s23+$0x3C40];
	[tilespmem:s21+$0x3C50] =	vst v1;
	v8 =	vmul.f32 $1.131370830e+01, v6  }
0x82: {  	v6 =	vmul.f32 $1.131370830e+01, v7;
	v1 =	vld [tilespmem:s23+$0x3C50];
	[tilespmem:s21+$0x3C60] =	vst v3  }
0x83: {  	s26 =	sadd.s32 $0x200, s26;
	v5 =	vmul.f32 $1.131370830e+01, v5;
	v3 =	vld [tilespmem:s23+$0x3C60];
	[tilespmem:s21+$0x3C70] =	vst v8;
	s21 =	smov.u32 s23  }
0x84: {  	[tilespmem:s21+$0x3C00] =	vst v6;
	v4 =	vmul.f32 $1.131370830e+01, v4;
	v6 =	vld [tilespmem:s21+$0x3C70]  }
0x85: {  	[tilespmem:s21+$0x3C10] =	vst v5;
	v2 =	vmul.f32 $1.131370830e+01, v2  }
0x86: {  	[tilespmem:s21+$0x3C20] =	vst v4;
	v0 =	vmul.f32 $1.131370830e+01, v0  }
0x87: {  	[tilespmem:s21+$0x3C30] =	vst v2;
	v1 =	vmul.f32 $1.131370830e+01, v1  }
0x88: {  	[tilespmem:s21+$0x3C40] =	vst v0;
	v0 =	vmul.f32 $1.131370830e+01, v3  }
0x89: {  	s19 =	sor.u32 s7, s19;
	[tilespmem:s21+$0x3C50] =	vst v1;
	v1 =	vmul.f32 $1.131370830e+01, v6  }
0x8a: {  	s19 =	sshrl.u32 s19, $0x3;
	[tilespmem:s21+$0x3C60] =	vst v0  }
0x8b: {  	s23 =	simm.s32 $0x0;
	s26 =	simm.s32 $0x3C00;
	s19 =	sadd.s32 s3, s19;
	[tilespmem:s21+$0x3C70] =	vst v1  }
0x8c: {  	[hbm4b:s19+s23] =	stream.linear.scatter [tilespmem:s26], [sflag:$0xC], $0x2000, $0x38;
	[tilespmem:$0x15C00] =	vst v63  }
0x8d: {  	_ =	swait.ge [sflag:s31], $0x2000  }
0x8e: {  	[sflag:s31] =	ssyncset.done $0x0  }
0x8f: {  	s19 =	simm.s32 $0x0;
	[sflag:s31] =	ssyncadd.s32 $0xFFFFE000  }
0x90: {  	v3 =	vld [tilespmem:s19+$0x5C00]  }
0x91: {  	v5 =	vld [tilespmem:s19+$0x5C10]  }
0x92: {  	v4 =	vld [tilespmem:s19+$0x5C20]  }
0x93: {  	v2 =	vld [tilespmem:s19+$0x5C30]  }
0x94: {  	v0 =	vld [tilespmem:s19+$0x5C40]  }
0x95: {  	v1 =	vld [tilespmem:s19+$0x5C50];
	v6 =	vmul.f32 $1.131370830e+01, v3  }
0x96: {  	s21 =	simm.s32 $0x200;
	v5 =	vmul.f32 $1.131370830e+01, v5;
	v3 =	vld [tilespmem:s19+$0x5C60]  }
.LBB2_10:
0x97: {  	s23 =	sshra.s32 s21, $0x2;
	p0 =	sne.s32 s21, $0x7E00;
	[tilespmem:s19+$0x5C00] =	vst v6;
	v4 =	vmul.f32 $1.131370830e+01, v4;
	v6 =	vld [tilespmem:s19+$0x5C70]  }
0x98: {  	v7 =	vld [tilespmem:s23+$0x5C00];
	[tilespmem:s19+$0x5C10] =	vst v5;
	v2 =	vmul.f32 $1.131370830e+01, v2  }
0x99: {  	v5 =	vld [tilespmem:s23+$0x5C10];
	[tilespmem:s19+$0x5C20] =	vst v4;
	v0 =	vmul.f32 $1.131370830e+01, v0  }
.Ltmp4:
0x9a: {  	v4 =	vld [tilespmem:s23+$0x5C20];
	[tilespmem:s19+$0x5C30] =	vst v2;
	v1 =	vmul.f32 $1.131370830e+01, v1;
	(pc) =	sbr.rel @p0 .LBB2_10-.Ltmp4, $4  }
0x9b: {  	v2 =	vld [tilespmem:s23+$0x5C30];
	[tilespmem:s19+$0x5C40] =	vst v0;
	v3 =	vmul.f32 $1.131370830e+01, v3  }
0x9c: {  	v0 =	vld [tilespmem:s23+$0x5C40];
	[tilespmem:s19+$0x5C50] =	vst v1;
	v8 =	vmul.f32 $1.131370830e+01, v6  }
0x9d: {  	v6 =	vmul.f32 $1.131370830e+01, v7;
	v1 =	vld [tilespmem:s23+$0x5C50];
	[tilespmem:s19+$0x5C60] =	vst v3  }
0x9e: {  	s21 =	sadd.s32 $0x200, s21;
	v5 =	vmul.f32 $1.131370830e+01, v5;
	v3 =	vld [tilespmem:s23+$0x5C60];
	[tilespmem:s19+$0x5C70] =	vst v8;
	s19 =	smov.u32 s23  }
0x9f: {  	[tilespmem:s19+$0x5C00] =	vst v6;
	v4 =	vmul.f32 $1.131370830e+01, v4;
	v6 =	vld [tilespmem:s19+$0x5C70]  }
0xa0: {  	[tilespmem:s19+$0x5C10] =	vst v5;
	v2 =	vmul.f32 $1.131370830e+01, v2  }
0xa1: {  	[tilespmem:s19+$0x5C20] =	vst v4;
	v0 =	vmul.f32 $1.131370830e+01, v0  }
0xa2: {  	[tilespmem:s19+$0x5C30] =	vst v2;
	v1 =	vmul.f32 $1.131370830e+01, v1  }
0xa3: {  	[tilespmem:s19+$0x5C40] =	vst v0;
	v0 =	vmul.f32 $1.131370830e+01, v3  }
0xa4: {  	s21 =	sor.u32 s6, s24;
	[tilespmem:s19+$0x5C50] =	vst v1;
	v1 =	vmul.f32 $1.131370830e+01, v6  }
0xa5: {  	s21 =	sshrl.u32 s21, $0x3;
	[tilespmem:s19+$0x5C60] =	vst v0  }
0xa6: {  	s23 =	simm.s32 $0x5C00;
	[tilespmem:s19+$0x5C70] =	vst v1;
	s19 =	sadd.s32 s3, s21;
	s21 =	simm.s32 $0x0  }
0xa7: {  	[hbm4b:s19+s21] =	stream.linear.scatter [tilespmem:s23], [sflag:$0xD], $0x2000, $0x38;
	[tilespmem:$0x15C00] =	vst v63  }
0xa8: {  	_ =	swait.ge [sflag:s1], $0x2000  }
0xa9: {  	[sflag:s1] =	ssyncset.done $0x0  }
0xaa: {  	s19 =	simm.s32 $0x0;
	[sflag:s1] =	ssyncadd.s32 $0xFFFFE000  }
0xab: {  	v3 =	vld [tilespmem:s19+$0x7C00]  }
0xac: {  	v5 =	vld [tilespmem:s19+$0x7C10]  }
0xad: {  	v4 =	vld [tilespmem:s19+$0x7C20]  }
0xae: {  	v2 =	vld [tilespmem:s19+$0x7C30]  }
0xaf: {  	v0 =	vld [tilespmem:s19+$0x7C40]  }
0xb0: {  	v1 =	vld [tilespmem:s19+$0x7C50];
	v6 =	vmul.f32 $1.131370830e+01, v3  }
0xb1: {  	s21 =	simm.s32 $0x200;
	v5 =	vmul.f32 $1.131370830e+01, v5;
	v3 =	vld [tilespmem:s19+$0x7C60]  }
.LBB2_12:
0xb2: {  	s23 =	sshra.s32 s21, $0x2;
	p0 =	sne.s32 s21, $0x7E00;
	[tilespmem:s19+$0x7C00] =	vst v6;
	v4 =	vmul.f32 $1.131370830e+01, v4;
	v6 =	vld [tilespmem:s19+$0x7C70]  }
0xb3: {  	v7 =	vld [tilespmem:s23+$0x7C00];
	[tilespmem:s19+$0x7C10] =	vst v5;
	v2 =	vmul.f32 $1.131370830e+01, v2  }
0xb4: {  	v5 =	vld [tilespmem:s23+$0x7C10];
	[tilespmem:s19+$0x7C20] =	vst v4;
	v0 =	vmul.f32 $1.131370830e+01, v0  }
.Ltmp5:
0xb5: {  	v4 =	vld [tilespmem:s23+$0x7C20];
	[tilespmem:s19+$0x7C30] =	vst v2;
	v1 =	vmul.f32 $1.131370830e+01, v1;
	(pc) =	sbr.rel @p0 .LBB2_12-.Ltmp5, $4  }
0xb6: {  	v2 =	vld [tilespmem:s23+$0x7C30];
	[tilespmem:s19+$0x7C40] =	vst v0;
	v3 =	vmul.f32 $1.131370830e+01, v3  }
0xb7: {  	v0 =	vld [tilespmem:s23+$0x7C40];
	[tilespmem:s19+$0x7C50] =	vst v1;
	v8 =	vmul.f32 $1.131370830e+01, v6  }
0xb8: {  	v6 =	vmul.f32 $1.131370830e+01, v7;
	v1 =	vld [tilespmem:s23+$0x7C50];
	[tilespmem:s19+$0x7C60] =	vst v3  }
0xb9: {  	s21 =	sadd.s32 $0x200, s21;
	v5 =	vmul.f32 $1.131370830e+01, v5;
	v3 =	vld [tilespmem:s23+$0x7C60];
	[tilespmem:s19+$0x7C70] =	vst v8;
	s19 =	smov.u32 s23  }
0xba: {  	[tilespmem:s19+$0x7C00] =	vst v6;
	v4 =	vmul.f32 $1.131370830e+01, v4;
	v6 =	vld [tilespmem:s19+$0x7C70]  }
0xbb: {  	[tilespmem:s19+$0x7C10] =	vst v5;
	v2 =	vmul.f32 $1.131370830e+01, v2  }
0xbc: {  	[tilespmem:s19+$0x7C20] =	vst v4;
	v0 =	vmul.f32 $1.131370830e+01, v0  }
0xbd: {  	[tilespmem:s19+$0x7C30] =	vst v2;
	v1 =	vmul.f32 $1.131370830e+01, v1  }
0xbe: {  	[tilespmem:s19+$0x7C40] =	vst v0;
	v0 =	vmul.f32 $1.131370830e+01, v3  }
0xbf: {  	s21 =	sor.u32 s7, s24;
	[tilespmem:s19+$0x7C50] =	vst v1;
	v1 =	vmul.f32 $1.131370830e+01, v6  }
0xc0: {  	s21 =	sshrl.u32 s21, $0x3;
	[tilespmem:s19+$0x7C60] =	vst v0  }
0xc1: {  	s23 =	simm.s32 $0x0;
	s24 =	simm.s32 $0x7C00;
	s21 =	sadd.s32 s3, s21;
	[tilespmem:s19+$0x7C70] =	vst v1  }
0xc2: {  	[hbm4b:s21+s23] =	stream.linear.scatter [tilespmem:s24], [sflag:$0xE], $0x2000, $0x38;
	[tilespmem:$0x15C00] =	vst v63  }
0xc3: {  	_ =	swait.ge [sflag:s0], $0x2000  }
0xc4: {  	[sflag:s0] =	ssyncset.done $0x0  }
0xc5: {  	s19 =	simm.s32 $0x0;
	[sflag:s0] =	ssyncadd.s32 $0xFFFFE000  }
0xc6: {  	v3 =	vld [tilespmem:s19+$0x9C00]  }
0xc7: {  	v5 =	vld [tilespmem:s19+$0x9C10]  }
0xc8: {  	v4 =	vld [tilespmem:s19+$0x9C20]  }
0xc9: {  	v2 =	vld [tilespmem:s19+$0x9C30]  }
0xca: {  	v0 =	vld [tilespmem:s19+$0x9C40]  }
0xcb: {  	v1 =	vld [tilespmem:s19+$0x9C50];
	v6 =	vmul.f32 $1.131370830e+01, v3  }
0xcc: {  	s21 =	simm.s32 $0x200;
	v5 =	vmul.f32 $1.131370830e+01, v5;
	v3 =	vld [tilespmem:s19+$0x9C60]  }
.LBB2_14:
0xcd: {  	s23 =	sshra.s32 s21, $0x2;
	p0 =	sne.s32 s21, $0x7E00;
	[tilespmem:s19+$0x9C00] =	vst v6;
	v4 =	vmul.f32 $1.131370830e+01, v4;
	v6 =	vld [tilespmem:s19+$0x9C70]  }
0xce: {  	v7 =	vld [tilespmem:s23+$0x9C00];
	[tilespmem:s19+$0x9C10] =	vst v5;
	v2 =	vmul.f32 $1.131370830e+01, v2  }
0xcf: {  	v5 =	vld [tilespmem:s23+$0x9C10];
	[tilespmem:s19+$0x9C20] =	vst v4;
	v0 =	vmul.f32 $1.131370830e+01, v0  }
.Ltmp6:
0xd0: {  	v4 =	vld [tilespmem:s23+$0x9C20];
	[tilespmem:s19+$0x9C30] =	vst v2;
	v1 =	vmul.f32 $1.131370830e+01, v1;
	(pc) =	sbr.rel @p0 .LBB2_14-.Ltmp6, $4  }
0xd1: {  	v2 =	vld [tilespmem:s23+$0x9C30];
	[tilespmem:s19+$0x9C40] =	vst v0;
	v3 =	vmul.f32 $1.131370830e+01, v3  }
0xd2: {  	v0 =	vld [tilespmem:s23+$0x9C40];
	[tilespmem:s19+$0x9C50] =	vst v1;
	v8 =	vmul.f32 $1.131370830e+01, v6  }
0xd3: {  	v6 =	vmul.f32 $1.131370830e+01, v7;
	v1 =	vld [tilespmem:s23+$0x9C50];
	[tilespmem:s19+$0x9C60] =	vst v3  }
0xd4: {  	s21 =	sadd.s32 $0x200, s21;
	v5 =	vmul.f32 $1.131370830e+01, v5;
	v3 =	vld [tilespmem:s23+$0x9C60];
	[tilespmem:s19+$0x9C70] =	vst v8;
	s19 =	smov.u32 s23  }
0xd5: {  	[tilespmem:s19+$0x9C00] =	vst v6;
	v4 =	vmul.f32 $1.131370830e+01, v4;
	v6 =	vld [tilespmem:s19+$0x9C70]  }
0xd6: {  	[tilespmem:s19+$0x9C10] =	vst v5;
	v2 =	vmul.f32 $1.131370830e+01, v2  }
0xd7: {  	[tilespmem:s19+$0x9C20] =	vst v4;
	v0 =	vmul.f32 $1.131370830e+01, v0  }
0xd8: {  	[tilespmem:s19+$0x9C30] =	vst v2;
	v1 =	vmul.f32 $1.131370830e+01, v1  }
0xd9: {  	[tilespmem:s19+$0x9C40] =	vst v0;
	v0 =	vmul.f32 $1.131370830e+01, v3  }
0xda: {  	s21 =	sor.u32 s6, s17;
	[tilespmem:s19+$0x9C50] =	vst v1;
	v1 =	vmul.f32 $1.131370830e+01, v6  }
0xdb: {  	s21 =	sshrl.u32 s21, $0x3;
	[tilespmem:s19+$0x9C60] =	vst v0  }
0xdc: {  	s23 =	simm.s32 $0x9C00;
	[tilespmem:s19+$0x9C70] =	vst v1;
	s19 =	sadd.s32 s3, s21;
	s21 =	simm.s32 $0x0  }
0xdd: {  	[hbm4b:s19+s21] =	stream.linear.scatter [tilespmem:s23], [sflag:$0xF], $0x2000, $0x38;
	[tilespmem:$0x15C00] =	vst v63  }
0xde: {  	_ =	swait.ge [sflag:s5], $0x2000  }
0xdf: {  	[sflag:s5] =	ssyncset.done $0x0  }
0xe0: {  	s19 =	simm.s32 $0x0;
	[sflag:s5] =	ssyncadd.s32 $0xFFFFE000  }
0xe1: {  	v3 =	vld [tilespmem:s19+$0xBC00]  }
0xe2: {  	v5 =	vld [tilespmem:s19+$0xBC10]  }
0xe3: {  	v4 =	vld [tilespmem:s19+$0xBC20]  }
0xe4: {  	v2 =	vld [tilespmem:s19+$0xBC30]  }
0xe5: {  	v0 =	vld [tilespmem:s19+$0xBC40]  }
0xe6: {  	v1 =	vld [tilespmem:s19+$0xBC50];
	v6 =	vmul.f32 $1.131370830e+01, v3  }
0xe7: {  	s21 =	simm.s32 $0x200;
	v5 =	vmul.f32 $1.131370830e+01, v5;
	v3 =	vld [tilespmem:s19+$0xBC60]  }
.LBB2_16:
0xe8: {  	s23 =	sshra.s32 s21, $0x2;
	p0 =	sne.s32 s21, $0x7E00;
	[tilespmem:s19+$0xBC00] =	vst v6;
	v4 =	vmul.f32 $1.131370830e+01, v4;
	v6 =	vld [tilespmem:s19+$0xBC70]  }
0xe9: {  	v7 =	vld [tilespmem:s23+$0xBC00];
	[tilespmem:s19+$0xBC10] =	vst v5;
	v2 =	vmul.f32 $1.131370830e+01, v2  }
0xea: {  	v5 =	vld [tilespmem:s23+$0xBC10];
	[tilespmem:s19+$0xBC20] =	vst v4;
	v0 =	vmul.f32 $1.131370830e+01, v0  }
.Ltmp7:
0xeb: {  	v4 =	vld [tilespmem:s23+$0xBC20];
	[tilespmem:s19+$0xBC30] =	vst v2;
	v1 =	vmul.f32 $1.131370830e+01, v1;
	(pc) =	sbr.rel @p0 .LBB2_16-.Ltmp7, $4  }
0xec: {  	v2 =	vld [tilespmem:s23+$0xBC30];
	[tilespmem:s19+$0xBC40] =	vst v0;
	v3 =	vmul.f32 $1.131370830e+01, v3  }
0xed: {  	v0 =	vld [tilespmem:s23+$0xBC40];
	[tilespmem:s19+$0xBC50] =	vst v1;
	v8 =	vmul.f32 $1.131370830e+01, v6  }
0xee: {  	v6 =	vmul.f32 $1.131370830e+01, v7;
	v1 =	vld [tilespmem:s23+$0xBC50];
	[tilespmem:s19+$0xBC60] =	vst v3  }
0xef: {  	s21 =	sadd.s32 $0x200, s21;
	v5 =	vmul.f32 $1.131370830e+01, v5;
	v3 =	vld [tilespmem:s23+$0xBC60];
	[tilespmem:s19+$0xBC70] =	vst v8;
	s19 =	smov.u32 s23  }
0xf0: {  	[tilespmem:s19+$0xBC00] =	vst v6;
	v4 =	vmul.f32 $1.131370830e+01, v4;
	v6 =	vld [tilespmem:s19+$0xBC70]  }
0xf1: {  	[tilespmem:s19+$0xBC10] =	vst v5;
	v2 =	vmul.f32 $1.131370830e+01, v2  }
0xf2: {  	[tilespmem:s19+$0xBC20] =	vst v4;
	v0 =	vmul.f32 $1.131370830e+01, v0  }
0xf3: {  	[tilespmem:s19+$0xBC30] =	vst v2;
	v1 =	vmul.f32 $1.131370830e+01, v1  }
0xf4: {  	[tilespmem:s19+$0xBC40] =	vst v0;
	v0 =	vmul.f32 $1.131370830e+01, v3  }
0xf5: {  	s17 =	sor.u32 s7, s17;
	[tilespmem:s19+$0xBC50] =	vst v1;
	v1 =	vmul.f32 $1.131370830e+01, v6  }
0xf6: {  	s17 =	sshrl.u32 s17, $0x3;
	[tilespmem:s19+$0xBC60] =	vst v0  }
0xf7: {  	s23 =	simm.s32 $0x0;
	s21 =	simm.s32 $0xBC00;
	s17 =	sadd.s32 s3, s17;
	[tilespmem:s19+$0xBC70] =	vst v1  }
0xf8: {  	[hbm4b:s17+s23] =	stream.linear.scatter [tilespmem:s21], [sflag:$0x10], $0x2000, $0x38;
	[tilespmem:$0x15C00] =	vst v63  }
0xf9: {  	_ =	swait.ge [sflag:s8], $0x2000  }
0xfa: {  	[sflag:s8] =	ssyncset.done $0x0  }
0xfb: {  	s17 =	simm.s32 $0x0;
	[sflag:s8] =	ssyncadd.s32 $0xFFFFE000  }
0xfc: {  	v3 =	vld [tilespmem:s17+$0xDC00]  }
0xfd: {  	v5 =	vld [tilespmem:s17+$0xDC10]  }
0xfe: {  	v4 =	vld [tilespmem:s17+$0xDC20]  }
0xff: {  	v2 =	vld [tilespmem:s17+$0xDC30]  }
0x100: {  	v0 =	vld [tilespmem:s17+$0xDC40]  }
0x101: {  	v1 =	vld [tilespmem:s17+$0xDC50];
	v6 =	vmul.f32 $1.131370830e+01, v3  }
0x102: {  	s19 =	simm.s32 $0x200;
	v5 =	vmul.f32 $1.131370830e+01, v5;
	v3 =	vld [tilespmem:s17+$0xDC60]  }
.LBB2_18:
0x103: {  	s21 =	sshra.s32 s19, $0x2;
	p0 =	sne.s32 s19, $0x7E00;
	[tilespmem:s17+$0xDC00] =	vst v6;
	v4 =	vmul.f32 $1.131370830e+01, v4;
	v6 =	vld [tilespmem:s17+$0xDC70]  }
0x104: {  	v7 =	vld [tilespmem:s21+$0xDC00];
	[tilespmem:s17+$0xDC10] =	vst v5;
	v2 =	vmul.f32 $1.131370830e+01, v2  }
0x105: {  	v5 =	vld [tilespmem:s21+$0xDC10];
	[tilespmem:s17+$0xDC20] =	vst v4;
	v0 =	vmul.f32 $1.131370830e+01, v0  }
.Ltmp8:
0x106: {  	v4 =	vld [tilespmem:s21+$0xDC20];
	[tilespmem:s17+$0xDC30] =	vst v2;
	v1 =	vmul.f32 $1.131370830e+01, v1;
	(pc) =	sbr.rel @p0 .LBB2_18-.Ltmp8, $4  }
0x107: {  	v2 =	vld [tilespmem:s21+$0xDC30];
	[tilespmem:s17+$0xDC40] =	vst v0;
	v3 =	vmul.f32 $1.131370830e+01, v3  }
0x108: {  	v0 =	vld [tilespmem:s21+$0xDC40];
	[tilespmem:s17+$0xDC50] =	vst v1;
	v8 =	vmul.f32 $1.131370830e+01, v6  }
0x109: {  	v6 =	vmul.f32 $1.131370830e+01, v7;
	v1 =	vld [tilespmem:s21+$0xDC50];
	[tilespmem:s17+$0xDC60] =	vst v3  }
0x10a: {  	s19 =	sadd.s32 $0x200, s19;
	v5 =	vmul.f32 $1.131370830e+01, v5;
	v3 =	vld [tilespmem:s21+$0xDC60];
	[tilespmem:s17+$0xDC70] =	vst v8;
	s17 =	smov.u32 s21  }
0x10b: {  	[tilespmem:s17+$0xDC00] =	vst v6;
	v4 =	vmul.f32 $1.131370830e+01, v4;
	v6 =	vld [tilespmem:s17+$0xDC70]  }
0x10c: {  	[tilespmem:s17+$0xDC10] =	vst v5;
	v2 =	vmul.f32 $1.131370830e+01, v2  }
0x10d: {  	[tilespmem:s17+$0xDC20] =	vst v4;
	v0 =	vmul.f32 $1.131370830e+01, v0  }
0x10e: {  	[tilespmem:s17+$0xDC30] =	vst v2;
	v1 =	vmul.f32 $1.131370830e+01, v1  }
0x10f: {  	[tilespmem:s17+$0xDC40] =	vst v0;
	v0 =	vmul.f32 $1.131370830e+01, v3  }
0x110: {  	s19 =	sor.u32 s6, s22;
	[tilespmem:s17+$0xDC50] =	vst v1;
	v1 =	vmul.f32 $1.131370830e+01, v6  }
0x111: {  	s19 =	sshrl.u32 s19, $0x3;
	[tilespmem:s17+$0xDC60] =	vst v0  }
0x112: {  	s23 =	simm.s32 $0x0;
	s21 =	simm.s32 $0xDC00;
	s19 =	sadd.s32 s3, s19;
	[tilespmem:s17+$0xDC70] =	vst v1  }
0x113: {  	[hbm4b:s19+s23] =	stream.linear.scatter [tilespmem:s21], [sflag:$0x11], $0x2000, $0x38;
	[tilespmem:$0x15C00] =	vst v63  }
0x114: {  	_ =	swait.ge [sflag:s9], $0x2000  }
0x115: {  	[sflag:s9] =	ssyncset.done $0x0  }
0x116: {  	s17 =	simm.s32 $0x0;
	[sflag:s9] =	ssyncadd.s32 $0xFFFFE000  }
0x117: {  	v3 =	vld [tilespmem:s17+$0xFC00]  }
0x118: {  	v5 =	vld [tilespmem:s17+$0xFC10]  }
0x119: {  	v4 =	vld [tilespmem:s17+$0xFC20]  }
0x11a: {  	v2 =	vld [tilespmem:s17+$0xFC30]  }
0x11b: {  	v0 =	vld [tilespmem:s17+$0xFC40]  }
0x11c: {  	v1 =	vld [tilespmem:s17+$0xFC50];
	v6 =	vmul.f32 $1.131370830e+01, v3  }
0x11d: {  	s19 =	simm.s32 $0x200;
	s23 =	simm.s32 $0x1C00;
	v5 =	vmul.f32 $1.131370830e+01, v5;
	v3 =	vld [tilespmem:s17+$0xFC60]  }
.LBB2_20:
0x11e: {  	s21 =	sshra.s32 s19, $0x2;
	p0 =	sne.s32 s19, $0x7E00;
	[tilespmem:s17+$0xFC00] =	vst v6;
	v4 =	vmul.f32 $1.131370830e+01, v4;
	v6 =	vld [tilespmem:s17+$0xFC70]  }
0x11f: {  	v7 =	vld [tilespmem:s21+$0xFC00];
	[tilespmem:s17+$0xFC10] =	vst v5;
	v2 =	vmul.f32 $1.131370830e+01, v2  }
0x120: {  	v5 =	vld [tilespmem:s21+$0xFC10];
	[tilespmem:s17+$0xFC20] =	vst v4;
	v0 =	vmul.f32 $1.131370830e+01, v0  }
.Ltmp9:
0x121: {  	v4 =	vld [tilespmem:s21+$0xFC20];
	[tilespmem:s17+$0xFC30] =	vst v2;
	v1 =	vmul.f32 $1.131370830e+01, v1;
	(pc) =	sbr.rel @p0 .LBB2_20-.Ltmp9, $4  }
0x122: {  	v2 =	vld [tilespmem:s21+$0xFC30];
	[tilespmem:s17+$0xFC40] =	vst v0;
	v3 =	vmul.f32 $1.131370830e+01, v3  }
0x123: {  	v0 =	vld [tilespmem:s21+$0xFC40];
	[tilespmem:s17+$0xFC50] =	vst v1;
	v8 =	vmul.f32 $1.131370830e+01, v6  }
0x124: {  	v6 =	vmul.f32 $1.131370830e+01, v7;
	v1 =	vld [tilespmem:s21+$0xFC50];
	[tilespmem:s17+$0xFC60] =	vst v3  }
0x125: {  	s19 =	sadd.s32 $0x200, s19;
	v5 =	vmul.f32 $1.131370830e+01, v5;
	v3 =	vld [tilespmem:s21+$0xFC60];
	[tilespmem:s17+$0xFC70] =	vst v8;
	s17 =	smov.u32 s21  }
0x126: {  	[tilespmem:s17+$0xFC00] =	vst v6;
	v4 =	vmul.f32 $1.131370830e+01, v4;
	v6 =	vld [tilespmem:s17+$0xFC70]  }
0x127: {  	[tilespmem:s17+$0xFC10] =	vst v5;
	v2 =	vmul.f32 $1.131370830e+01, v2  }
0x128: {  	[tilespmem:s17+$0xFC20] =	vst v4;
	v0 =	vmul.f32 $1.131370830e+01, v0  }
0x129: {  	[tilespmem:s17+$0xFC30] =	vst v2;
	v1 =	vmul.f32 $1.131370830e+01, v1  }
0x12a: {  	[tilespmem:s17+$0xFC40] =	vst v0;
	v0 =	vmul.f32 $1.131370830e+01, v3  }
0x12b: {  	s19 =	sor.u32 s7, s22;
	[tilespmem:s17+$0xFC50] =	vst v1;
	v1 =	vmul.f32 $1.131370830e+01, v6  }
0x12c: {  	s19 =	sshrl.u32 s19, $0x3;
	[tilespmem:s17+$0xFC60] =	vst v0  }
0x12d: {  	s22 =	simm.s32 $0x0;
	s21 =	simm.s32 $0xFC00;
	s19 =	sadd.s32 s3, s19;
	[tilespmem:s17+$0xFC70] =	vst v1  }
0x12e: {  	[hbm4b:s19+s22] =	stream.linear.scatter [tilespmem:s21], [sflag:$0x12], $0x2000, $0x38;
	[tilespmem:$0x15C00] =	vst v63  }
0x12f: {  	_ =	swait.ge [sflag:s13], $0x2000  }
0x130: {  	[sflag:s13] =	ssyncset.done $0x0  }
0x131: {  	s17 =	simm.s32 $0x0;
	[sflag:s13] =	ssyncadd.s32 $0xFFFFE000  }
0x132: {  	v3 =	vld [tilespmem:s17+$0x11C00]  }
0x133: {  	v5 =	vld [tilespmem:s17+$0x11C10]  }
0x134: {  	v4 =	vld [tilespmem:s17+$0x11C20]  }
0x135: {  	v2 =	vld [tilespmem:s17+$0x11C30]  }
0x136: {  	v0 =	vld [tilespmem:s17+$0x11C40]  }
0x137: {  	v1 =	vld [tilespmem:s17+$0x11C50];
	v6 =	vmul.f32 $1.131370830e+01, v3  }
0x138: {  	s19 =	simm.s32 $0x200;
	v5 =	vmul.f32 $1.131370830e+01, v5;
	v3 =	vld [tilespmem:s17+$0x11C60]  }
.LBB2_22:
0x139: {  	s21 =	sshra.s32 s19, $0x2;
	p0 =	sne.s32 s19, $0x7E00;
	[tilespmem:s17+$0x11C00] =	vst v6;
	v4 =	vmul.f32 $1.131370830e+01, v4;
	v6 =	vld [tilespmem:s17+$0x11C70]  }
0x13a: {  	v7 =	vld [tilespmem:s21+$0x11C00];
	[tilespmem:s17+$0x11C10] =	vst v5;
	v2 =	vmul.f32 $1.131370830e+01, v2  }
0x13b: {  	v5 =	vld [tilespmem:s21+$0x11C10];
	[tilespmem:s17+$0x11C20] =	vst v4;
	v0 =	vmul.f32 $1.131370830e+01, v0  }
.Ltmp10:
0x13c: {  	v4 =	vld [tilespmem:s21+$0x11C20];
	[tilespmem:s17+$0x11C30] =	vst v2;
	v1 =	vmul.f32 $1.131370830e+01, v1;
	(pc) =	sbr.rel @p0 .LBB2_22-.Ltmp10, $4  }
0x13d: {  	v2 =	vld [tilespmem:s21+$0x11C30];
	[tilespmem:s17+$0x11C40] =	vst v0;
	v3 =	vmul.f32 $1.131370830e+01, v3  }
0x13e: {  	v0 =	vld [tilespmem:s21+$0x11C40];
	[tilespmem:s17+$0x11C50] =	vst v1;
	v8 =	vmul.f32 $1.131370830e+01, v6  }
0x13f: {  	v6 =	vmul.f32 $1.131370830e+01, v7;
	v1 =	vld [tilespmem:s21+$0x11C50];
	[tilespmem:s17+$0x11C60] =	vst v3  }
0x140: {  	s19 =	sadd.s32 $0x200, s19;
	v5 =	vmul.f32 $1.131370830e+01, v5;
	v3 =	vld [tilespmem:s21+$0x11C60];
	[tilespmem:s17+$0x11C70] =	vst v8;
	s17 =	smov.u32 s21  }
0x141: {  	[tilespmem:s17+$0x11C00] =	vst v6;
	v4 =	vmul.f32 $1.131370830e+01, v4;
	v6 =	vld [tilespmem:s17+$0x11C70]  }
0x142: {  	[tilespmem:s17+$0x11C10] =	vst v5;
	v2 =	vmul.f32 $1.131370830e+01, v2  }
0x143: {  	[tilespmem:s17+$0x11C20] =	vst v4;
	v0 =	vmul.f32 $1.131370830e+01, v0  }
0x144: {  	[tilespmem:s17+$0x11C30] =	vst v2;
	v1 =	vmul.f32 $1.131370830e+01, v1  }
0x145: {  	[tilespmem:s17+$0x11C40] =	vst v0;
	v0 =	vmul.f32 $1.131370830e+01, v3  }
0x146: {  	s19 =	sor.u32 s6, s20;
	[tilespmem:s17+$0x11C50] =	vst v1;
	v1 =	vmul.f32 $1.131370830e+01, v6  }
0x147: {  	s19 =	sshrl.u32 s19, $0x3;
	[tilespmem:s17+$0x11C60] =	vst v0  }
0x148: {  	s22 =	simm.s32 $0x0;
	s21 =	simm.s32 $0x11C00;
	s19 =	sadd.s32 s3, s19;
	[tilespmem:s17+$0x11C70] =	vst v1  }
0x149: {  	[hbm4b:s19+s22] =	stream.linear.scatter [tilespmem:s21], [sflag:$0x13], $0x2000, $0x38;
	[tilespmem:$0x15C00] =	vst v63  }
0x14a: {  	_ =	swait.ge [sflag:s15], $0x2000  }
0x14b: {  	[sflag:s15] =	ssyncset.done $0x0  }
0x14c: {  	s17 =	simm.s32 $0x0;
	[sflag:s15] =	ssyncadd.s32 $0xFFFFE000  }
0x14d: {  	v3 =	vld [tilespmem:s17+$0x13C00]  }
0x14e: {  	v5 =	vld [tilespmem:s17+$0x13C10]  }
0x14f: {  	v4 =	vld [tilespmem:s17+$0x13C20]  }
0x150: {  	v2 =	vld [tilespmem:s17+$0x13C30]  }
0x151: {  	v0 =	vld [tilespmem:s17+$0x13C40]  }
0x152: {  	v1 =	vld [tilespmem:s17+$0x13C50];
	v6 =	vmul.f32 $1.131370830e+01, v3  }
0x153: {  	s19 =	simm.s32 $0x200;
	v5 =	vmul.f32 $1.131370830e+01, v5;
	v3 =	vld [tilespmem:s17+$0x13C60]  }
.LBB2_24:
0x154: {  	s21 =	sshra.s32 s19, $0x2;
	p0 =	sne.s32 s19, $0x7E00;
	[tilespmem:s17+$0x13C00] =	vst v6;
	v4 =	vmul.f32 $1.131370830e+01, v4;
	v6 =	vld [tilespmem:s17+$0x13C70]  }
0x155: {  	v7 =	vld [tilespmem:s21+$0x13C00];
	[tilespmem:s17+$0x13C10] =	vst v5;
	v2 =	vmul.f32 $1.131370830e+01, v2  }
0x156: {  	v5 =	vld [tilespmem:s21+$0x13C10];
	[tilespmem:s17+$0x13C20] =	vst v4;
	v0 =	vmul.f32 $1.131370830e+01, v0  }
.Ltmp11:
0x157: {  	v4 =	vld [tilespmem:s21+$0x13C20];
	[tilespmem:s17+$0x13C30] =	vst v2;
	v1 =	vmul.f32 $1.131370830e+01, v1;
	(pc) =	sbr.rel @p0 .LBB2_24-.Ltmp11, $4  }
0x158: {  	v2 =	vld [tilespmem:s21+$0x13C30];
	[tilespmem:s17+$0x13C40] =	vst v0;
	v3 =	vmul.f32 $1.131370830e+01, v3  }
0x159: {  	v0 =	vld [tilespmem:s21+$0x13C40];
	[tilespmem:s17+$0x13C50] =	vst v1;
	v8 =	vmul.f32 $1.131370830e+01, v6  }
0x15a: {  	v6 =	vmul.f32 $1.131370830e+01, v7;
	v1 =	vld [tilespmem:s21+$0x13C50];
	[tilespmem:s17+$0x13C60] =	vst v3  }
0x15b: {  	s19 =	sadd.s32 $0x200, s19;
	v5 =	vmul.f32 $1.131370830e+01, v5;
	v3 =	vld [tilespmem:s21+$0x13C60];
	[tilespmem:s17+$0x13C70] =	vst v8;
	s17 =	smov.u32 s21  }
0x15c: {  	[tilespmem:s17+$0x13C00] =	vst v6;
	v4 =	vmul.f32 $1.131370830e+01, v4;
	v61 =	vld [tilespmem:s17+$0x13C70]  }
0x15d: {  	[tilespmem:s17+$0x13C10] =	vst v5;
	v2 =	vmul.f32 $1.131370830e+01, v2  }
0x15e: {  	s18 =	sadd.s32 $0x1, s18;
	[tilespmem:s17+$0x13C20] =	vst v4;
	v0 =	vmul.f32 $1.131370830e+01, v0  }
0x15f: {  	p0 =	sne.s32 s18, $0xA;
	[tilespmem:s17+$0x13C30] =	vst v2;
	v1 =	vmul.f32 $1.131370830e+01, v1  }
.Ltmp12:
0x160: {  	[tilespmem:s17+$0x13C40] =	vst v0;
	v62 =	vmul.f32 $1.131370830e+01, v3;
	(pc) =	sbr.rel @p0 .LBB2_2-.Ltmp12, $4  }
0x161: {  	s19 =	sor.u32 s7, s20;
	[tilespmem:s17+$0x13C50] =	vst v1;
	v63 =	vmul.f32 $1.131370830e+01, v61  }
0x162: {  	s19 =	sshrl.u32 s19, $0x3;
	[tilespmem:s17+$0x13C60] =	vst v62  }
0x163: {  	s22 =	simm.s32 $0x0;
	s21 =	sadd.s32 s3, s19;
	[tilespmem:s17+$0x13C70] =	vst v63  }
0x164: {  	[hbm4b:s21+s22] =	stream.linear.scatter [tilespmem:s28], [sflag:$0x14], $0x2000, $0x38;
	[tilespmem:$0x15C00] =	vst v63  }
0x165: {  	s17 =	simm.s32 $0xB  }
0x166: {  	_ =	swait.ge [sflag:s17], $0x2000  }
0x167: {  	[sflag:s17] =	ssyncset.done $0x0  }
0x168: {  	s19 =	simm.s32 $0xC;
	[sflag:s17] =	ssyncadd.s32 $0xFFFFE000  }
0x169: {  	_ =	swait.ge [sflag:s19], $0x2000  }
0x16a: {  	[sflag:s19] =	ssyncset.done $0x0  }
0x16b: {  	s20 =	simm.s32 $0xD;
	[sflag:s19] =	ssyncadd.s32 $0xFFFFE000  }
0x16c: {  	_ =	swait.ge [sflag:s20], $0x2000  }
0x16d: {  	[sflag:s20] =	ssyncset.done $0x0  }
0x16e: {  	s21 =	simm.s32 $0xE;
	[sflag:s20] =	ssyncadd.s32 $0xFFFFE000  }
0x16f: {  	_ =	swait.ge [sflag:s21], $0x2000  }
0x170: {  	[sflag:s21] =	ssyncset.done $0x0  }
0x171: {  	[sflag:s21] =	ssyncadd.s32 $0xFFFFE000  }
0x172: {  	_ =	swait.ge [sflag:s25], $0x2000  }
0x173: {  	[sflag:s25] =	ssyncset.done $0x0  }
0x174: {  	[sflag:s25] =	ssyncadd.s32 $0xFFFFE000  }
0x175: {  	_ =	swait.ge [sflag:s4], $0x2000  }
0x176: {  	[sflag:s4] =	ssyncset.done $0x0  }
0x177: {  	[sflag:s4] =	ssyncadd.s32 $0xFFFFE000  }
0x178: {  	_ =	swait.ge [sflag:s11], $0x2000  }
0x179: {  	[sflag:s11] =	ssyncset.done $0x0  }
0x17a: {  	[sflag:s11] =	ssyncadd.s32 $0xFFFFE000  }
0x17b: {  	_ =	swait.ge [sflag:s12], $0x2000  }
0x17c: {  	[sflag:s12] =	ssyncset.done $0x0  }
0x17d: {  	[sflag:s12] =	ssyncadd.s32 $0xFFFFE000  }
0x17e: {  	_ =	swait.ge [sflag:s14], $0x2000  }
0x17f: {  	[sflag:s14] =	ssyncset.done $0x0  }
0x180: {  	[sflag:s14] =	ssyncadd.s32 $0xFFFFE000  }
0x181: {  	_ =	swait.ge [sflag:s16], $0x2000  }
0x182: {  	s18 =	rddreg [dreg:$0x6]  }
0x183: {  	s22 =	rddreg [dreg:$0x5];
	s18 =	sadd.s32 $0x1, s18  }
0x184: {  	p0 =	sne.s32 s18, s22  }
.Ltmp13:
0x185: {  	_ = 	snop;
	(pc) =	sbr.rel @p0 .LBB2_1-.Ltmp13, $3  }
0x186: {  	_ =	sdelay $0x1  }
0x187: {  	[sflag:s16] =	ssyncset.done $0x0  }
0x188: {  	[sflag:s16] =	ssyncadd.s32 $0xFFFFE000  }
0x189: {  	_ =	sfence.sel $0x180000  }
0x18a: {  	[bflag:$0x0] =	sbarrier.arrive $0xFFFF  }
0x18b: {  	_ =	strace $0x90000047  }
0x18c: {  	s0 =	stileid.u32;
	[bflag:$0x2] =	sbarrier.arrive $0xFFFF  }
0x18d: {  	p0 =	sne.s32 s0, $0x0;
	s0 =	rddreg [dreg:$0x3]  }
0x18e: {  	s0 =	sadd.s32 @!p0 $0x100000, s0  }
0x18f: {  	[sflag:s0] =	ssyncadd.tile.s32 @!p0 $0x1;
	_ =	shalt  }
.Lfunc_end2:
_tile_overlayer_lowered:
.L_overlay_start_2:
0x190: {  	(tag) =	ssettag $0x2  }
0x191: {  	s0 =	rddreg [dreg:$0x0];
	s2 =	stileid.u32  }
0x192: {  	s1 =	rddreg [dreg:$0x1];
	p0 =	sne.s32 s2, $0x0  }
0x193: {  	s3 =	rddreg [dreg:$0x2];
	[bflag:$0x3] =	sbarrier.arrive $0xFFFF;
	s2 =	simm.s32 @!p0 $0x1C15  }
0x194: {  	[timem:s3], [sflag:s2] =	dma.local @!p0 [hbm:s0], s1  }
0x195: {  	s0 =	simm.s32 @!p0 $0x15  }
0x196: {  	_ =	swait.ge @!p0 [sflag:s0], s1  }
0x197: {  	s1 =	ssub.s32 @!p0 $0x0, s1;
	[sflag:s0] =	ssyncset.done @!p0 $0x0  }
0x198: {  	[sflag:s0] =	ssyncadd.s32 @!p0 s1  }
0x199: {  	[bflag:$0x3] =	sbarrier.arrive $0xFFFF  }
0x19a: {  	_ =	shalt  }

</sc_bundles>
